<compile_context>
chip_gen: v7x
topology: tpu7x:2x2x1
jax: 0.10.2.dev20260603
libtpu: 0.0.44.dev20260713+nightly
codegen_flags: <defaults>
</compile_context>

<pallas_src>
import functools

import jax
import jax.numpy as jnp
from jax import lax
from jax.experimental import pallas as pl
from jax.experimental.pallas import tpu as pltpu
from jax.experimental.pallas import tpu_sc as plsc

N_DOC = 2000
N_NODES = 10000
N_EDGES = 320000
D = 128
NPAD = 10240

NC, NS = 2, 16
NW = NC * NS
EPT = N_EDGES // NW
K = 80
NSTEPS = EPT // K
RPT = NPAD // NS
L = 16
CH = 2000
NBUF = 4


@functools.cache
def _sc_kernels():
    mesh = plsc.VectorSubcoreMesh(core_axis_name="c", subcore_axis_name="s",
                                  num_cores=NC, num_subcores=NS)
    deg = functools.partial(
        pl.kernel,
        out_type=jax.ShapeDtypeStruct((NW, NPAD), jnp.float32),
        mesh=mesh,
        compiler_params=pltpu.CompilerParams(needs_layout_passes=False),
        scratch_types=[
            pltpu.VMEM((CH,), jnp.int32),
            pltpu.VMEM((NPAD,), jnp.float32),
        ],
    )(_deg_body)
    scat = functools.partial(
        pl.kernel,
        out_type=jax.ShapeDtypeStruct((NC * NPAD, D), jnp.float32),
        mesh=mesh,
        scratch_types=(
            [pltpu.VMEM((K,), jnp.int32)] * NBUF
            + [pltpu.VMEM((K,), jnp.int32)] * NBUF
            + [pltpu.VMEM((K, D), jnp.float32)] * NBUF
            + [pltpu.VMEM_SHARED((NPAD, D), jnp.float32)]
            + [pltpu.SemaphoreType.DMA] * (3 * NBUF)
        ),
    )(_edge_scatter_body)
    return deg, scat


def _deg_body(dst_hbm, out_hbm, didx_v, hist_v):
    c = lax.axis_index("c")
    s = lax.axis_index("s")
    wid = c * NS + s
    base = wid * EPT
    zero = jnp.zeros((L,), jnp.float32)

    @pl.loop(0, NPAD // L)
    def _(i):
        hist_v[pl.ds(i * L, L)] = zero

    ones = jnp.ones((L,), jnp.float32)

    @pl.loop(0, EPT // CH)
    def _(jc):
        pltpu.sync_copy(dst_hbm.at[pl.ds(base + jc * CH, CH)], didx_v)

        @pl.loop(0, CH // L)
        def _(i):
            idx = didx_v[pl.ds(i * L, L)]
            plsc.addupdate_scatter(hist_v, [idx], ones)

    pltpu.sync_copy(hist_v, out_hbm.at[wid])


def _edge_scatter_body(src_hbm, dst_hbm, g_hbm, zerosd_hbm, out_hbm, *refs):
    sidx = refs[0:NBUF]
    didx = refs[NBUF:2 * NBUF]
    rows = refs[2 * NBUF:3 * NBUF]
    acc_s = refs[3 * NBUF]
    isem = refs[3 * NBUF + 1:4 * NBUF + 1]
    gsem = refs[4 * NBUF + 1:5 * NBUF + 1]
    ssem = refs[5 * NBUF + 1:6 * NBUF + 1]
    c = lax.axis_index("c")
    s = lax.axis_index("s")
    base = (c * NS + s) * EPT
    r0 = s * RPT

    pltpu.sync_copy(zerosd_hbm.at[pl.ds(r0, RPT)], acc_s.at[pl.ds(r0, RPT)])
    plsc.subcore_barrier()

    def ifire(j, b):
        e0 = base + j * K
        pltpu.async_copy(src_hbm.at[pl.ds(e0, K)], sidx[b], isem[b])
        pltpu.async_copy(dst_hbm.at[pl.ds(e0, K)], didx[b], isem[b])

    def iwait(b):
        pltpu.make_async_copy(src_hbm.at[pl.ds(base, K)], sidx[b],
                              isem[b]).wait()
        pltpu.make_async_copy(dst_hbm.at[pl.ds(base, K)], didx[b],
                              isem[b]).wait()

    def gfire(b):
        pltpu.async_copy(g_hbm.at[sidx[b]], rows[b], gsem[b])

    def gwait(b):
        pltpu.make_async_copy(g_hbm.at[sidx[b]], rows[b], gsem[b]).wait()

    def sfire(b):
        pltpu.async_copy(rows[b], acc_s.at[didx[b]], ssem[b], add=True)

    def swait(b):
        pltpu.make_async_copy(rows[b], acc_s.at[didx[b]], ssem[b]).wait()

    def body(j, m, do_swait=True, do_i=True, do_g=True):
        if do_swait:
            swait((m + NBUF - 1) % NBUF)
        if do_i:
            ifire(j + 3, (m + 3) % NBUF)
        if do_g:
            iwait((m + 2) % NBUF)
            gfire((m + 2) % NBUF)
        gwait(m)
        sfire(m)

    ifire(0, 0)
    ifire(1, 1)
    ifire(2, 2)
    iwait(0)
    gfire(0)
    iwait(1)
    gfire(1)
    body(0, 0, do_swait=False)
    body(1, 1)
    body(2, 2)

    NGRP = (NSTEPS - 3 - 6) // NBUF

    @pl.loop(0, NGRP)
    def _(p):
        j = 3 + NBUF * p
        for t in range(NBUF):
            body(j + t, (3 + t) % NBUF)

    for j in range(3 + NBUF * NGRP, NSTEPS):
        body(j, j % NBUF, do_i=(j + 3 < NSTEPS), do_g=(j + 2 < NSTEPS))
    swait((NSTEPS - 1) % NBUF)

    plsc.subcore_barrier()
    pltpu.sync_copy(acc_s.at[pl.ds(r0, RPT)],
                    out_hbm.at[pl.ds(c * NPAD + r0, RPT)])


def _dinv_from_hist(hist):
    deg = jnp.sum(hist, axis=0)[0:N_NODES, None] + 1.0
    return lax.rsqrt(deg)


def _tc1_body(doc_ref, word_ref, linw_ref, linb_ref, w1_ref, hist_ref, g1_ref):
    dinv = _dinv_from_hist(hist_ref[...])
    wf = jnp.dot(word_ref[...], linw_ref[...],
                 preferred_element_type=jnp.float32) + linb_ref[...]
    hd = jnp.dot(doc_ref[...], w1_ref[...], preferred_element_type=jnp.float32)
    hw = jnp.dot(wf, w1_ref[...], preferred_element_type=jnp.float32)
    g1_ref[0:N_DOC, :] = dinv[0:N_DOC] * hd
    g1_ref[N_DOC:N_NODES, :] = dinv[N_DOC:N_NODES] * hw


def _tc2_body(hist_ref, acc_ref, g1_ref, b1_ref, w2_ref, g2_ref):
    dinv = _dinv_from_hist(hist_ref[...])
    t = acc_ref[0:N_NODES, :] + acc_ref[NPAD:NPAD + N_NODES, :] + g1_ref[...]
    z = jnp.maximum(dinv * t + b1_ref[...], 0.0)
    g2_ref[...] = dinv * jnp.dot(z, w2_ref[...],
                                 preferred_element_type=jnp.float32)


def _tc3_body(hist_ref, acc_ref, g2_ref, b2_ref, out_ref):
    dinv = _dinv_from_hist(hist_ref[...])
    t = acc_ref[0:N_NODES, :] + acc_ref[NPAD:NPAD + N_NODES, :] + g2_ref[...]
    out_ref[...] = dinv * t + b2_ref[...]


def _vmem_call(body, n_in, out_shape):
    return pl.pallas_call(
        body,
        out_shape=out_shape,
        in_specs=[pl.BlockSpec(memory_space=pltpu.VMEM)] * n_in,
        out_specs=pl.BlockSpec(memory_space=pltpu.VMEM),
    )


def kernel(doc_features, word_features, edge_index, mode,
           lin_W, lin_b, W1, b1, W2, b2):
    src = edge_index[0].astype(jnp.int32)
    dst = edge_index[1].astype(jnp.int32)

    zerosd = jnp.zeros((NPAD, D), jnp.float32)

    deg_k, scat_k = _sc_kernels()
    hist = deg_k(dst)

    g1 = _vmem_call(_tc1_body, 6,
                    jax.ShapeDtypeStruct((N_NODES, D), jnp.float32))(
        doc_features, word_features, lin_W, lin_b.reshape(1, D), W1, hist)

    acc1 = scat_k(src, dst, g1, zerosd)

    g2 = _vmem_call(_tc2_body, 5,
                    jax.ShapeDtypeStruct((N_NODES, D), jnp.float32))(
        hist, acc1, g1, b1.reshape(1, D), W2)

    acc2 = scat_k(src, dst, g2, zerosd)

    out = _vmem_call(_tc3_body, 4,
                     jax.ShapeDtypeStruct((N_NODES, D), jnp.float32))(
        hist, acc2, g2, b2.reshape(1, D))
    return out

# --- scband reference (transcript-rebuilt; emitter-appended) ---
"""Pipeline reference for scband-roberta-graph-encoder-36206574306114 (READ-ONLY COPY).

The authoritative reference and input builder live on the scoring server;
editing this copy changes nothing except your own understanding.
"""

import jax, jax.numpy as jnp
import numpy as np

N_DOC = 2000
N_WORD = 8000
N_NODES = N_DOC + N_WORD
N_EDGES = 320000
D_WORD = 300
D_IN = 128
D_HID = 128


def gcn_conv(x, edge_index, W, b):
    # GCNConv with added self-loops and symmetric normalization (PyG defaults)
    N = x.shape[0]
    loop = jnp.arange(N, dtype=edge_index.dtype)
    src = jnp.concatenate([edge_index[0], loop])
    dst = jnp.concatenate([edge_index[1], loop])
    deg = jnp.zeros((N,), dtype=x.dtype).at[dst].add(1.0)
    dinv = jnp.where(deg > 0, jax.lax.rsqrt(deg), 0.0)
    norm = dinv[src] * dinv[dst]
    h = x @ W
    msg = h[src] * norm[:, None]
    out = jnp.zeros((N, W.shape[1]), dtype=x.dtype).at[dst].add(msg)
    return out + b


def setup_inputs(seed: int = 0) -> dict:
    key = jax.random.key(seed)
    k = jax.random.split(key, 10)
    doc_features = jax.random.normal(k[0], (N_DOC, D_IN), dtype=jnp.float32)
    word_features = jax.random.normal(k[1], (N_WORD, D_WORD), dtype=jnp.float32)
    edge_index = jax.random.randint(k[2], (2, N_EDGES), 0, N_NODES, dtype=jnp.int64)
    lin_W = jax.random.normal(k[3], (D_WORD, D_IN), dtype=jnp.float32) * 0.02
    lin_b = jnp.zeros((D_IN,), dtype=jnp.float32)
    W1 = jax.random.normal(k[4], (D_IN, D_HID), dtype=jnp.float32) * 0.05
    b1 = jnp.zeros((D_HID,), dtype=jnp.float32)
    W2 = jax.random.normal(k[5], (D_HID, D_HID), dtype=jnp.float32) * 0.05
    b2 = jnp.zeros((D_HID,), dtype=jnp.float32)
    return {"doc_features": doc_features, "word_features": word_features,
            "edge_index": edge_index, "mode": 0,
            "lin_W": lin_W, "lin_b": lin_b, "W1": W1, "b1": b1, "W2": W2, "b2": b2}


def reference(doc_features, word_features, edge_index, mode, lin_W, lin_b, W1, b1, W2, b2):
    # RobertaGraphEncoder.forward: project word feats, concat with doc feats,
    # then PureGraphEncoder: GCNConv -> ReLU -> GCNConv (dropout disabled; mode only toggles dropout)
    wf = word_features @ lin_W + lin_b
    x = jnp.concatenate([doc_features, wf], axis=0)
    h = jax.nn.relu(gcn_conv(x, edge_index, W1, b1))
    out = gcn_conv(h, edge_index, W2, b2)
    return out

if __name__ == "__main__":
    import jax
    _d = setup_inputs()
    print(jax.jit(kernel)(*tuple(_d.values())))

</pallas_src>

<mosaic_0001>
#map = affine_map<(d0, d1) -> (0)>
#map1 = affine_map<(d0, d1) -> (0, 0)>
module attributes {stable_mosaic.version = 14 : i64} {
  func.func @_edge_scatter_body(%arg0: i32, %arg1: i32, %arg2: memref<320000xi32, #tpu.memory_space<hbm>>, %arg3: memref<320000xi32, #tpu.memory_space<hbm>>, %arg4: memref<10000x128xf32, #tpu.memory_space<hbm>>, %arg5: memref<10240x128xf32, #tpu.memory_space<hbm>>, %arg6: memref<20480x128xf32, #tpu.memory_space<hbm>>, %arg7: memref<80xi32, #tpu.memory_space<vmem>>, %arg8: memref<80xi32, #tpu.memory_space<vmem>>, %arg9: memref<80xi32, #tpu.memory_space<vmem>>, %arg10: memref<80xi32, #tpu.memory_space<vmem>>, %arg11: memref<80xi32, #tpu.memory_space<vmem>>, %arg12: memref<80xi32, #tpu.memory_space<vmem>>, %arg13: memref<80xi32, #tpu.memory_space<vmem>>, %arg14: memref<80xi32, #tpu.memory_space<vmem>>, %arg15: memref<80x128xf32, #tpu.memory_space<vmem>>, %arg16: memref<80x128xf32, #tpu.memory_space<vmem>>, %arg17: memref<80x128xf32, #tpu.memory_space<vmem>>, %arg18: memref<80x128xf32, #tpu.memory_space<vmem>>, %arg19: memref<10240x128xf32, #tpu.memory_space<vmem_shared>>, %arg20: memref<!tpu.dma_semaphore, #tpu.memory_space<semaphore_mem>>, %arg21: memref<!tpu.dma_semaphore, #tpu.memory_space<semaphore_mem>>, %arg22: memref<!tpu.dma_semaphore, #tpu.memory_space<semaphore_mem>>, %arg23: memref<!tpu.dma_semaphore, #tpu.memory_space<semaphore_mem>>, %arg24: memref<!tpu.dma_semaphore, #tpu.memory_space<semaphore_mem>>, %arg25: memref<!tpu.dma_semaphore, #tpu.memory_space<semaphore_mem>>, %arg26: memref<!tpu.dma_semaphore, #tpu.memory_space<semaphore_mem>>, %arg27: memref<!tpu.dma_semaphore, #tpu.memory_space<semaphore_mem>>, %arg28: memref<!tpu.dma_semaphore, #tpu.memory_space<semaphore_mem>>, %arg29: memref<!tpu.dma_semaphore, #tpu.memory_space<semaphore_mem>>, %arg30: memref<!tpu.dma_semaphore, #tpu.memory_space<semaphore_mem>>, %arg31: memref<!tpu.dma_semaphore, #tpu.memory_space<semaphore_mem>>) attributes {dimension_semantics = [#tpu.dimension_semantics<core_parallel>, #tpu.dimension_semantics<subcore_parallel>], iteration_bounds = array<i64: 2, 16>, scalar_prefetch = 0 : i64, scratch_operands = 25 : i64, tpu.core_type = #tpu.core_type<sc_vector_subcore>, window_params = [{transform_indices = #map}, {transform_indices = #map}, {transform_indices = #map1}, {transform_indices = #map1}, {transform_indices = #map1}]} {
    %mul3A = arith.constant 16 : i32
    %mul3A_0 = arith.muli %arg0, %mul3A : i32
    %add3A = arith.addi %mul3A_0, %arg1 : i32
    %mul3A_1 = arith.constant 10000 : i32
    %mul3A_2 = arith.muli %add3A, %mul3A_1 : i32
    %mul3A_3 = arith.constant 640 : i32
    %mul3A_4 = arith.muli %arg1, %mul3A_3 : i32
    "tpu.region"() ({
      %run_scoped3A = tpu.sem_alloc : memref<!tpu.dma_semaphore, #tpu.memory_space<semaphore_mem>>
      %dma_start3A_209 = arith.constant 0 : i32
      %dma_start3A_210 = tpu.memref_slice %arg19[%mul3A_4, %dma_start3A_209] : memref<10240x128xf32, #tpu.memory_space<vmem_shared>> -> memref<640x128xf32, #tpu.memory_space<vmem_shared>>
      %dma_start3A_211 = arith.constant 0 : i32
      %dma_start3A_212 = tpu.memref_slice %arg5[%mul3A_4, %dma_start3A_211] : memref<10240x128xf32, #tpu.memory_space<hbm>> -> memref<640x128xf32, #tpu.memory_space<hbm>>
      tpu.enqueue_dma source(%dma_start3A_212 : memref<640x128xf32, #tpu.memory_space<hbm>>) target(%dma_start3A_210 : memref<640x128xf32, #tpu.memory_space<vmem_shared>>) target_semaphore(%run_scoped3A : memref<!tpu.dma_semaphore, #tpu.memory_space<semaphore_mem>>)
      %dma_wait3A_213 = arith.constant 0 : i32
      %dma_wait3A_214 = tpu.memref_slice %arg19[%mul3A_4, %dma_wait3A_213] : memref<10240x128xf32, #tpu.memory_space<vmem_shared>> -> memref<640x128xf32, #tpu.memory_space<vmem_shared>>
      %dma_wait3A_215 = arith.constant 0 : i32
      %dma_wait3A_216 = tpu.memref_slice %arg5[%mul3A_4, %dma_wait3A_215] : memref<10240x128xf32, #tpu.memory_space<hbm>> -> memref<640x128xf32, #tpu.memory_space<hbm>>
      tpu.wait_dma2 semaphore(%run_scoped3A : memref<!tpu.dma_semaphore, #tpu.memory_space<semaphore_mem>>) src(%dma_wait3A_216 : memref<640x128xf32, #tpu.memory_space<hbm>>) dst(%dma_wait3A_214 : memref<640x128xf32, #tpu.memory_space<vmem_shared>>)
      tpu.yield
    }) : () -> ()
    %barrier3A = arith.constant 0 : index
    tpu.barrier barrier_id(%barrier3A)
    %add3A_5 = arith.constant 0 : i32
    %add3A_6 = arith.addi %mul3A_2, %add3A_5 : i32
    %dma_start3A = tpu.memref_slice %arg2[%add3A_6] : memref<320000xi32, #tpu.memory_space<hbm>> -> memref<80xi32, #tpu.memory_space<hbm>>
    %dma_start3A_7 = tpu.memref_slice %arg2[%add3A_6] : memref<320000xi32, #tpu.memory_space<hbm>> -> memref<80xi32, #tpu.memory_space<hbm>>
    tpu.enqueue_dma source(%dma_start3A_7 : memref<80xi32, #tpu.memory_space<hbm>>) target(%arg7 : memref<80xi32, #tpu.memory_space<vmem>>) target_semaphore(%arg20 : memref<!tpu.dma_semaphore, #tpu.memory_space<semaphore_mem>>)
    %dma_start3A_8 = tpu.memref_slice %arg3[%add3A_6] : memref<320000xi32, #tpu.memory_space<hbm>> -> memref<80xi32, #tpu.memory_space<hbm>>
    %dma_start3A_9 = tpu.memref_slice %arg3[%add3A_6] : memref<320000xi32, #tpu.memory_space<hbm>> -> memref<80xi32, #tpu.memory_space<hbm>>
    tpu.enqueue_dma source(%dma_start3A_9 : memref<80xi32, #tpu.memory_space<hbm>>) target(%arg11 : memref<80xi32, #tpu.memory_space<vmem>>) target_semaphore(%arg20 : memref<!tpu.dma_semaphore, #tpu.memory_space<semaphore_mem>>)
    %add3A_10 = arith.constant 80 : i32
    %add3A_11 = arith.addi %mul3A_2, %add3A_10 : i32
    %dma_start3A_12 = tpu.memref_slice %arg2[%add3A_11] : memref<320000xi32, #tpu.memory_space<hbm>> -> memref<80xi32, #tpu.memory_space<hbm>>
    %dma_start3A_13 = tpu.memref_slice %arg2[%add3A_11] : memref<320000xi32, #tpu.memory_space<hbm>> -> memref<80xi32, #tpu.memory_space<hbm>>
    tpu.enqueue_dma source(%dma_start3A_13 : memref<80xi32, #tpu.memory_space<hbm>>) target(%arg8 : memref<80xi32, #tpu.memory_space<vmem>>) target_semaphore(%arg21 : memref<!tpu.dma_semaphore, #tpu.memory_space<semaphore_mem>>)
    %dma_start3A_14 = tpu.memref_slice %arg3[%add3A_11] : memref<320000xi32, #tpu.memory_space<hbm>> -> memref<80xi32, #tpu.memory_space<hbm>>
    %dma_start3A_15 = tpu.memref_slice %arg3[%add3A_11] : memref<320000xi32, #tpu.memory_space<hbm>> -> memref<80xi32, #tpu.memory_space<hbm>>
    tpu.enqueue_dma source(%dma_start3A_15 : memref<80xi32, #tpu.memory_space<hbm>>) target(%arg12 : memref<80xi32, #tpu.memory_space<vmem>>) target_semaphore(%arg21 : memref<!tpu.dma_semaphore, #tpu.memory_space<semaphore_mem>>)
    %add3A_16 = arith.constant 160 : i32
    %add3A_17 = arith.addi %mul3A_2, %add3A_16 : i32
    %dma_start3A_18 = tpu.memref_slice %arg2[%add3A_17] : memref<320000xi32, #tpu.memory_space<hbm>> -> memref<80xi32, #tpu.memory_space<hbm>>
    %dma_start3A_19 = tpu.memref_slice %arg2[%add3A_17] : memref<320000xi32, #tpu.memory_space<hbm>> -> memref<80xi32, #tpu.memory_space<hbm>>
    tpu.enqueue_dma source(%dma_start3A_19 : memref<80xi32, #tpu.memory_space<hbm>>) target(%arg9 : memref<80xi32, #tpu.memory_space<vmem>>) target_semaphore(%arg22 : memref<!tpu.dma_semaphore, #tpu.memory_space<semaphore_mem>>)
    %dma_start3A_20 = tpu.memref_slice %arg3[%add3A_17] : memref<320000xi32, #tpu.memory_space<hbm>> -> memref<80xi32, #tpu.memory_space<hbm>>
    %dma_start3A_21 = tpu.memref_slice %arg3[%add3A_17] : memref<320000xi32, #tpu.memory_space<hbm>> -> memref<80xi32, #tpu.memory_space<hbm>>
    tpu.enqueue_dma source(%dma_start3A_21 : memref<80xi32, #tpu.memory_space<hbm>>) target(%arg13 : memref<80xi32, #tpu.memory_space<vmem>>) target_semaphore(%arg22 : memref<!tpu.dma_semaphore, #tpu.memory_space<semaphore_mem>>)
    %dma_wait3A = tpu.memref_slice %arg2[%mul3A_2] : memref<320000xi32, #tpu.memory_space<hbm>> -> memref<80xi32, #tpu.memory_space<hbm>>
    %dma_wait3A_22 = tpu.memref_slice %arg2[%mul3A_2] : memref<320000xi32, #tpu.memory_space<hbm>> -> memref<80xi32, #tpu.memory_space<hbm>>
    tpu.wait_dma2 semaphore(%arg20 : memref<!tpu.dma_semaphore, #tpu.memory_space<semaphore_mem>>) src(%dma_wait3A_22 : memref<80xi32, #tpu.memory_space<hbm>>) dst(%arg7 : memref<80xi32, #tpu.memory_space<vmem>>)
    %dma_wait3A_23 = tpu.memref_slice %arg3[%mul3A_2] : memref<320000xi32, #tpu.memory_space<hbm>> -> memref<80xi32, #tpu.memory_space<hbm>>
    %dma_wait3A_24 = tpu.memref_slice %arg3[%mul3A_2] : memref<320000xi32, #tpu.memory_space<hbm>> -> memref<80xi32, #tpu.memory_space<hbm>>
    tpu.wait_dma2 semaphore(%arg20 : memref<!tpu.dma_semaphore, #tpu.memory_space<semaphore_mem>>) src(%dma_wait3A_24 : memref<80xi32, #tpu.memory_space<hbm>>) dst(%arg11 : memref<80xi32, #tpu.memory_space<vmem>>)
    %dma_start3A_25 = arith.constant 0 : i32
    %dma_start3A_26 = arith.constant 0 : i32
    %dma_start3A_27 = tpu.memref_slice %arg4[%dma_start3A_25, %dma_start3A_26] : memref<10000x128xf32, #tpu.memory_space<hbm>> -> memref<10000x128xf32, #tpu.memory_space<hbm>>
    tpu.enqueue_indirect_dma source(%dma_start3A_27 : memref<10000x128xf32, #tpu.memory_space<hbm>>) target(%arg15 : memref<80x128xf32, #tpu.memory_space<vmem>>) offsets(%arg7 : memref<80xi32, #tpu.memory_space<vmem>>) semaphore(%arg24 : memref<!tpu.dma_semaphore, #tpu.memory_space<semaphore_mem>>)
    %dma_wait3A_28 = tpu.memref_slice %arg2[%mul3A_2] : memref<320000xi32, #tpu.memory_space<hbm>> -> memref<80xi32, #tpu.memory_space<hbm>>
    %dma_wait3A_29 = tpu.memref_slice %arg2[%mul3A_2] : memref<320000xi32, #tpu.memory_space<hbm>> -> memref<80xi32, #tpu.memory_space<hbm>>
    tpu.wait_dma2 semaphore(%arg21 : memref<!tpu.dma_semaphore, #tpu.memory_space<semaphore_mem>>) src(%dma_wait3A_29 : memref<80xi32, #tpu.memory_space<hbm>>) dst(%arg8 : memref<80xi32, #tpu.memory_space<vmem>>)
    %dma_wait3A_30 = tpu.memref_slice %arg3[%mul3A_2] : memref<320000xi32, #tpu.memory_space<hbm>> -> memref<80xi32, #tpu.memory_space<hbm>>
    %dma_wait3A_31 = tpu.memref_slice %arg3[%mul3A_2] : memref<320000xi32, #tpu.memory_space<hbm>> -> memref<80xi32, #tpu.memory_space<hbm>>
    tpu.wait_dma2 semaphore(%arg21 : memref<!tpu.dma_semaphore, #tpu.memory_space<semaphore_mem>>) src(%dma_wait3A_31 : memref<80xi32, #tpu.memory_space<hbm>>) dst(%arg12 : memref<80xi32, #tpu.memory_space<vmem>>)
    %dma_start3A_32 = arith.constant 0 : i32
    %dma_start3A_33 = arith.constant 0 : i32
    %dma_start3A_34 = tpu.memref_slice %arg4[%dma_start3A_32, %dma_start3A_33] : memref<10000x128xf32, #tpu.memory_space<hbm>> -> memref<10000x128xf32, #tpu.memory_space<hbm>>
    tpu.enqueue_indirect_dma source(%dma_start3A_34 : memref<10000x128xf32, #tpu.memory_space<hbm>>) target(%arg16 : memref<80x128xf32, #tpu.memory_space<vmem>>) offsets(%arg8 : memref<80xi32, #tpu.memory_space<vmem>>) semaphore(%arg25 : memref<!tpu.dma_semaphore, #tpu.memory_space<semaphore_mem>>)
    %add3A_35 = arith.constant 240 : i32
    %add3A_36 = arith.addi %mul3A_2, %add3A_35 : i32
    %dma_start3A_37 = tpu.memref_slice %arg2[%add3A_36] : memref<320000xi32, #tpu.memory_space<hbm>> -> memref<80xi32, #tpu.memory_space<hbm>>
    %dma_start3A_38 = tpu.memref_slice %arg2[%add3A_36] : memref<320000xi32, #tpu.memory_space<hbm>> -> memref<80xi32, #tpu.memory_space<hbm>>
    tpu.enqueue_dma source(%dma_start3A_38 : memref<80xi32, #tpu.memory_space<hbm>>) target(%arg10 : memref<80xi32, #tpu.memory_space<vmem>>) target_semaphore(%arg23 : memref<!tpu.dma_semaphore, #tpu.memory_space<semaphore_mem>>)
    %dma_start3A_39 = tpu.memref_slice %arg3[%add3A_36] : memref<320000xi32, #tpu.memory_space<hbm>> -> memref<80xi32, #tpu.memory_space<hbm>>
    %dma_start3A_40 = tpu.memref_slice %arg3[%add3A_36] : memref<320000xi32, #tpu.memory_space<hbm>> -> memref<80xi32, #tpu.memory_space<hbm>>
    tpu.enqueue_dma source(%dma_start3A_40 : memref<80xi32, #tpu.memory_space<hbm>>) target(%arg14 : memref<80xi32, #tpu.memory_space<vmem>>) target_semaphore(%arg23 : memref<!tpu.dma_semaphore, #tpu.memory_space<semaphore_mem>>)
    %dma_wait3A_41 = tpu.memref_slice %arg2[%mul3A_2] : memref<320000xi32, #tpu.memory_space<hbm>> -> memref<80xi32, #tpu.memory_space<hbm>>
    %dma_wait3A_42 = tpu.memref_slice %arg2[%mul3A_2] : memref<320000xi32, #tpu.memory_space<hbm>> -> memref<80xi32, #tpu.memory_space<hbm>>
    tpu.wait_dma2 semaphore(%arg22 : memref<!tpu.dma_semaphore, #tpu.memory_space<semaphore_mem>>) src(%dma_wait3A_42 : memref<80xi32, #tpu.memory_space<hbm>>) dst(%arg9 : memref<80xi32, #tpu.memory_space<vmem>>)
    %dma_wait3A_43 = tpu.memref_slice %arg3[%mul3A_2] : memref<320000xi32, #tpu.memory_space<hbm>> -> memref<80xi32, #tpu.memory_space<hbm>>
    %dma_wait3A_44 = tpu.memref_slice %arg3[%mul3A_2] : memref<320000xi32, #tpu.memory_space<hbm>> -> memref<80xi32, #tpu.memory_space<hbm>>
    tpu.wait_dma2 semaphore(%arg22 : memref<!tpu.dma_semaphore, #tpu.memory_space<semaphore_mem>>) src(%dma_wait3A_44 : memref<80xi32, #tpu.memory_space<hbm>>) dst(%arg13 : memref<80xi32, #tpu.memory_space<vmem>>)
    %dma_start3A_45 = arith.constant 0 : i32
    %dma_start3A_46 = arith.constant 0 : i32
    %dma_start3A_47 = tpu.memref_slice %arg4[%dma_start3A_45, %dma_start3A_46] : memref<10000x128xf32, #tpu.memory_space<hbm>> -> memref<10000x128xf32, #tpu.memory_space<hbm>>
    tpu.enqueue_indirect_dma source(%dma_start3A_47 : memref<10000x128xf32, #tpu.memory_space<hbm>>) target(%arg17 : memref<80x128xf32, #tpu.memory_space<vmem>>) offsets(%arg9 : memref<80xi32, #tpu.memory_space<vmem>>) semaphore(%arg26 : memref<!tpu.dma_semaphore, #tpu.memory_space<semaphore_mem>>)
    %dma_wait3A_48 = arith.constant 0 : i32
    %dma_wait3A_49 = arith.constant 0 : i32
    %dma_wait3A_50 = tpu.memref_slice %arg4[%dma_wait3A_48, %dma_wait3A_49] : memref<10000x128xf32, #tpu.memory_space<hbm>> -> memref<10000x128xf32, #tpu.memory_space<hbm>>
    tpu.wait_indirect_dma semaphore(%arg24 : memref<!tpu.dma_semaphore, #tpu.memory_space<semaphore_mem>>) src(%dma_wait3A_50 : memref<10000x128xf32, #tpu.memory_space<hbm>>) dst(%arg15 : memref<80x128xf32, #tpu.memory_space<vmem>>)
    %dma_start3A_51 = arith.constant 0 : i32
    %dma_start3A_52 = arith.constant 0 : i32
    %dma_start3A_53 = tpu.memref_slice %arg19[%dma_start3A_51, %dma_start3A_52] : memref<10240x128xf32, #tpu.memory_space<vmem_shared>> -> memref<10240x128xf32, #tpu.memory_space<vmem_shared>>
    tpu.enqueue_indirect_dma source(%arg15 : memref<80x128xf32, #tpu.memory_space<vmem>>) target(%dma_start3A_53 : memref<10240x128xf32, #tpu.memory_space<vmem_shared>>) offsets(%arg11 : memref<80xi32, #tpu.memory_space<vmem>>) semaphore(%arg28 : memref<!tpu.dma_semaphore, #tpu.memory_space<semaphore_mem>>) {add = true}
    %dma_wait3A_54 = arith.constant 0 : i32
    %dma_wait3A_55 = arith.constant 0 : i32
    %dma_wait3A_56 = tpu.memref_slice %arg19[%dma_wait3A_54, %dma_wait3A_55] : memref<10240x128xf32, #tpu.memory_space<vmem_shared>> -> memref<10240x128xf32, #tpu.memory_space<vmem_shared>>
    tpu.wait_indirect_dma semaphore(%arg28 : memref<!tpu.dma_semaphore, #tpu.memory_space<semaphore_mem>>) src(%arg15 : memref<80x128xf32, #tpu.memory_space<vmem>>) dst(%dma_wait3A_56 : memref<10240x128xf32, #tpu.memory_space<vmem_shared>>)
    %add3A_57 = arith.constant 320 : i32
    %add3A_58 = arith.addi %mul3A_2, %add3A_57 : i32
    %dma_start3A_59 = tpu.memref_slice %arg2[%add3A_58] : memref<320000xi32, #tpu.memory_space<hbm>> -> memref<80xi32, #tpu.memory_space<hbm>>
    %dma_start3A_60 = tpu.memref_slice %arg2[%add3A_58] : memref<320000xi32, #tpu.memory_space<hbm>> -> memref<80xi32, #tpu.memory_space<hbm>>
    tpu.enqueue_dma source(%dma_start3A_60 : memref<80xi32, #tpu.memory_space<hbm>>) target(%arg7 : memref<80xi32, #tpu.memory_space<vmem>>) target_semaphore(%arg20 : memref<!tpu.dma_semaphore, #tpu.memory_space<semaphore_mem>>)
    %dma_start3A_61 = tpu.memref_slice %arg3[%add3A_58] : memref<320000xi32, #tpu.memory_space<hbm>> -> memref<80xi32, #tpu.memory_space<hbm>>
    %dma_start3A_62 = tpu.memref_slice %arg3[%add3A_58] : memref<320000xi32, #tpu.memory_space<hbm>> -> memref<80xi32, #tpu.memory_space<hbm>>
    tpu.enqueue_dma source(%dma_start3A_62 : memref<80xi32, #tpu.memory_space<hbm>>) target(%arg11 : memref<80xi32, #tpu.memory_space<vmem>>) target_semaphore(%arg20 : memref<!tpu.dma_semaphore, #tpu.memory_space<semaphore_mem>>)
    %dma_wait3A_63 = tpu.memref_slice %arg2[%mul3A_2] : memref<320000xi32, #tpu.memory_space<hbm>> -> memref<80xi32, #tpu.memory_space<hbm>>
    %dma_wait3A_64 = tpu.memref_slice %arg2[%mul3A_2] : memref<320000xi32, #tpu.memory_space<hbm>> -> memref<80xi32, #tpu.memory_space<hbm>>
    tpu.wait_dma2 semaphore(%arg23 : memref<!tpu.dma_semaphore, #tpu.memory_space<semaphore_mem>>) src(%dma_wait3A_64 : memref<80xi32, #tpu.memory_space<hbm>>) dst(%arg10 : memref<80xi32, #tpu.memory_space<vmem>>)
    %dma_wait3A_65 = tpu.memref_slice %arg3[%mul3A_2] : memref<320000xi32, #tpu.memory_space<hbm>> -> memref<80xi32, #tpu.memory_space<hbm>>
    %dma_wait3A_66 = tpu.memref_slice %arg3[%mul3A_2] : memref<320000xi32, #tpu.memory_space<hbm>> -> memref<80xi32, #tpu.memory_space<hbm>>
    tpu.wait_dma2 semaphore(%arg23 : memref<!tpu.dma_semaphore, #tpu.memory_space<semaphore_mem>>) src(%dma_wait3A_66 : memref<80xi32, #tpu.memory_space<hbm>>) dst(%arg14 : memref<80xi32, #tpu.memory_space<vmem>>)
    %dma_start3A_67 = arith.constant 0 : i32
    %dma_start3A_68 = arith.constant 0 : i32
    %dma_start3A_69 = tpu.memref_slice %arg4[%dma_start3A_67, %dma_start3A_68] : memref<10000x128xf32, #tpu.memory_space<hbm>> -> memref<10000x128xf32, #tpu.memory_space<hbm>>
    tpu.enqueue_indirect_dma source(%dma_start3A_69 : memref<10000x128xf32, #tpu.memory_space<hbm>>) target(%arg18 : memref<80x128xf32, #tpu.memory_space<vmem>>) offsets(%arg10 : memref<80xi32, #tpu.memory_space<vmem>>) semaphore(%arg27 : memref<!tpu.dma_semaphore, #tpu.memory_space<semaphore_mem>>)
    %dma_wait3A_70 = arith.constant 0 : i32
    %dma_wait3A_71 = arith.constant 0 : i32
    %dma_wait3A_72 = tpu.memref_slice %arg4[%dma_wait3A_70, %dma_wait3A_71] : memref<10000x128xf32, #tpu.memory_space<hbm>> -> memref<10000x128xf32, #tpu.memory_space<hbm>>
    tpu.wait_indirect_dma semaphore(%arg25 : memref<!tpu.dma_semaphore, #tpu.memory_space<semaphore_mem>>) src(%dma_wait3A_72 : memref<10000x128xf32, #tpu.memory_space<hbm>>) dst(%arg16 : memref<80x128xf32, #tpu.memory_space<vmem>>)
    %dma_start3A_73 = arith.constant 0 : i32
    %dma_start3A_74 = arith.constant 0 : i32
    %dma_start3A_75 = tpu.memref_slice %arg19[%dma_start3A_73, %dma_start3A_74] : memref<10240x128xf32, #tpu.memory_space<vmem_shared>> -> memref<10240x128xf32, #tpu.memory_space<vmem_shared>>
    tpu.enqueue_indirect_dma source(%arg16 : memref<80x128xf32, #tpu.memory_space<vmem>>) target(%dma_start3A_75 : memref<10240x128xf32, #tpu.memory_space<vmem_shared>>) offsets(%arg12 : memref<80xi32, #tpu.memory_space<vmem>>) semaphore(%arg29 : memref<!tpu.dma_semaphore, #tpu.memory_space<semaphore_mem>>) {add = true}
    %dma_wait3A_76 = arith.constant 0 : i32
    %dma_wait3A_77 = arith.constant 0 : i32
    %dma_wait3A_78 = tpu.memref_slice %arg19[%dma_wait3A_76, %dma_wait3A_77] : memref<10240x128xf32, #tpu.memory_space<vmem_shared>> -> memref<10240x128xf32, #tpu.memory_space<vmem_shared>>
    tpu.wait_indirect_dma semaphore(%arg29 : memref<!tpu.dma_semaphore, #tpu.memory_space<semaphore_mem>>) src(%arg16 : memref<80x128xf32, #tpu.memory_space<vmem>>) dst(%dma_wait3A_78 : memref<10240x128xf32, #tpu.memory_space<vmem_shared>>)
    %add3A_79 = arith.constant 400 : i32
    %add3A_80 = arith.addi %mul3A_2, %add3A_79 : i32
    %dma_start3A_81 = tpu.memref_slice %arg2[%add3A_80] : memref<320000xi32, #tpu.memory_space<hbm>> -> memref<80xi32, #tpu.memory_space<hbm>>
    %dma_start3A_82 = tpu.memref_slice %arg2[%add3A_80] : memref<320000xi32, #tpu.memory_space<hbm>> -> memref<80xi32, #tpu.memory_space<hbm>>
    tpu.enqueue_dma source(%dma_start3A_82 : memref<80xi32, #tpu.memory_space<hbm>>) target(%arg8 : memref<80xi32, #tpu.memory_space<vmem>>) target_semaphore(%arg21 : memref<!tpu.dma_semaphore, #tpu.memory_space<semaphore_mem>>)
    %dma_start3A_83 = tpu.memref_slice %arg3[%add3A_80] : memref<320000xi32, #tpu.memory_space<hbm>> -> memref<80xi32, #tpu.memory_space<hbm>>
    %dma_start3A_84 = tpu.memref_slice %arg3[%add3A_80] : memref<320000xi32, #tpu.memory_space<hbm>> -> memref<80xi32, #tpu.memory_space<hbm>>
    tpu.enqueue_dma source(%dma_start3A_84 : memref<80xi32, #tpu.memory_space<hbm>>) target(%arg12 : memref<80xi32, #tpu.memory_space<vmem>>) target_semaphore(%arg21 : memref<!tpu.dma_semaphore, #tpu.memory_space<semaphore_mem>>)
    %dma_wait3A_85 = tpu.memref_slice %arg2[%mul3A_2] : memref<320000xi32, #tpu.memory_space<hbm>> -> memref<80xi32, #tpu.memory_space<hbm>>
    %dma_wait3A_86 = tpu.memref_slice %arg2[%mul3A_2] : memref<320000xi32, #tpu.memory_space<hbm>> -> memref<80xi32, #tpu.memory_space<hbm>>
    tpu.wait_dma2 semaphore(%arg20 : memref<!tpu.dma_semaphore, #tpu.memory_space<semaphore_mem>>) src(%dma_wait3A_86 : memref<80xi32, #tpu.memory_space<hbm>>) dst(%arg7 : memref<80xi32, #tpu.memory_space<vmem>>)
    %dma_wait3A_87 = tpu.memref_slice %arg3[%mul3A_2] : memref<320000xi32, #tpu.memory_space<hbm>> -> memref<80xi32, #tpu.memory_space<hbm>>
    %dma_wait3A_88 = tpu.memref_slice %arg3[%mul3A_2] : memref<320000xi32, #tpu.memory_space<hbm>> -> memref<80xi32, #tpu.memory_space<hbm>>
    tpu.wait_dma2 semaphore(%arg20 : memref<!tpu.dma_semaphore, #tpu.memory_space<semaphore_mem>>) src(%dma_wait3A_88 : memref<80xi32, #tpu.memory_space<hbm>>) dst(%arg11 : memref<80xi32, #tpu.memory_space<vmem>>)
    %dma_start3A_89 = arith.constant 0 : i32
    %dma_start3A_90 = arith.constant 0 : i32
    %dma_start3A_91 = tpu.memref_slice %arg4[%dma_start3A_89, %dma_start3A_90] : memref<10000x128xf32, #tpu.memory_space<hbm>> -> memref<10000x128xf32, #tpu.memory_space<hbm>>
    tpu.enqueue_indirect_dma source(%dma_start3A_91 : memref<10000x128xf32, #tpu.memory_space<hbm>>) target(%arg15 : memref<80x128xf32, #tpu.memory_space<vmem>>) offsets(%arg7 : memref<80xi32, #tpu.memory_space<vmem>>) semaphore(%arg24 : memref<!tpu.dma_semaphore, #tpu.memory_space<semaphore_mem>>)
    %dma_wait3A_92 = arith.constant 0 : i32
    %dma_wait3A_93 = arith.constant 0 : i32
    %dma_wait3A_94 = tpu.memref_slice %arg4[%dma_wait3A_92, %dma_wait3A_93] : memref<10000x128xf32, #tpu.memory_space<hbm>> -> memref<10000x128xf32, #tpu.memory_space<hbm>>
    tpu.wait_indirect_dma semaphore(%arg26 : memref<!tpu.dma_semaphore, #tpu.memory_space<semaphore_mem>>) src(%dma_wait3A_94 : memref<10000x128xf32, #tpu.memory_space<hbm>>) dst(%arg17 : memref<80x128xf32, #tpu.memory_space<vmem>>)
    %dma_start3A_95 = arith.constant 0 : i32
    %dma_start3A_96 = arith.constant 0 : i32
    %dma_start3A_97 = tpu.memref_slice %arg19[%dma_start3A_95, %dma_start3A_96] : memref<10240x128xf32, #tpu.memory_space<vmem_shared>> -> memref<10240x128xf32, #tpu.memory_space<vmem_shared>>
    tpu.enqueue_indirect_dma source(%arg17 : memref<80x128xf32, #tpu.memory_space<vmem>>) target(%dma_start3A_97 : memref<10240x128xf32, #tpu.memory_space<vmem_shared>>) offsets(%arg13 : memref<80xi32, #tpu.memory_space<vmem>>) semaphore(%arg30 : memref<!tpu.dma_semaphore, #tpu.memory_space<semaphore_mem>>) {add = true}
    %scan3A = arith.constant 0 : i32
    %scan3A_98 = arith.constant 29 : i32
    %scan3A_99 = arith.addi %scan3A, %scan3A_98 : i32
    %scan3A_100 = arith.constant 1 : i32
    scf.for %scan3A_209 = %scan3A to %scan3A_99 step %scan3A_100  : i32 {
      %mul3A_210 = arith.constant 1 : i32
      %mul3A_211 = arith.muli %scan3A_209, %mul3A_210 : i32
      %add3A_212 = arith.constant 0 : i32
      %add3A_213 = arith.addi %add3A_212, %mul3A_211 : i32
      %mul3A_214 = arith.constant 4 : i32
      %mul3A_215 = arith.muli %mul3A_214, %add3A_213 : i32
      %add3A_216 = arith.constant 3 : i32
      %add3A_217 = arith.addi %add3A_216, %mul3A_215 : i32
      %add3A_218 = arith.constant 0 : i32
      %add3A_219 = arith.addi %add3A_217, %add3A_218 : i32
      %dma_wait3A_220 = arith.constant 0 : i32
      %dma_wait3A_221 = arith.constant 0 : i32
      %dma_wait3A_222 = tpu.memref_slice %arg19[%dma_wait3A_220, %dma_wait3A_221] : memref<10240x128xf32, #tpu.memory_space<vmem_shared>> -> memref<10240x128xf32, #tpu.memory_space<vmem_shared>>
      tpu.wait_indirect_dma semaphore(%arg30 : memref<!tpu.dma_semaphore, #tpu.memory_space<semaphore_mem>>) src(%arg17 : memref<80x128xf32, #tpu.memory_space<vmem>>) dst(%dma_wait3A_222 : memref<10240x128xf32, #tpu.memory_space<vmem_shared>>)
      %add3A_223 = arith.constant 3 : i32
      %add3A_224 = arith.addi %add3A_219, %add3A_223 : i32
      %mul3A_225 = arith.constant 80 : i32
      %mul3A_226 = arith.muli %add3A_224, %mul3A_225 : i32
      %add3A_227 = arith.addi %mul3A_2, %mul3A_226 : i32
      %dma_start3A_228 = tpu.memref_slice %arg2[%add3A_227] : memref<320000xi32, #tpu.memory_space<hbm>> -> memref<80xi32, #tpu.memory_space<hbm>>
      %dma_start3A_229 = tpu.memref_slice %arg2[%add3A_227] : memref<320000xi32, #tpu.memory_space<hbm>> -> memref<80xi32, #tpu.memory_space<hbm>>
      tpu.enqueue_dma source(%dma_start3A_229 : memref<80xi32, #tpu.memory_space<hbm>>) target(%arg9 : memref<80xi32, #tpu.memory_space<vmem>>) target_semaphore(%arg22 : memref<!tpu.dma_semaphore, #tpu.memory_space<semaphore_mem>>)
      %dma_start3A_230 = tpu.memref_slice %arg3[%add3A_227] : memref<320000xi32, #tpu.memory_space<hbm>> -> memref<80xi32, #tpu.memory_space<hbm>>
      %dma_start3A_231 = tpu.memref_slice %arg3[%add3A_227] : memref<320000xi32, #tpu.memory_space<hbm>> -> memref<80xi32, #tpu.memory_space<hbm>>
      tpu.enqueue_dma source(%dma_start3A_231 : memref<80xi32, #tpu.memory_space<hbm>>) target(%arg13 : memref<80xi32, #tpu.memory_space<vmem>>) target_semaphore(%arg22 : memref<!tpu.dma_semaphore, #tpu.memory_space<semaphore_mem>>)
      %dma_wait3A_232 = tpu.memref_slice %arg2[%mul3A_2] : memref<320000xi32, #tpu.memory_space<hbm>> -> memref<80xi32, #tpu.memory_space<hbm>>
      %dma_wait3A_233 = tpu.memref_slice %arg2[%mul3A_2] : memref<320000xi32, #tpu.memory_space<hbm>> -> memref<80xi32, #tpu.memory_space<hbm>>
      tpu.wait_dma2 semaphore(%arg21 : memref<!tpu.dma_semaphore, #tpu.memory_space<semaphore_mem>>) src(%dma_wait3A_233 : memref<80xi32, #tpu.memory_space<hbm>>) dst(%arg8 : memref<80xi32, #tpu.memory_space<vmem>>)
      %dma_wait3A_234 = tpu.memref_slice %arg3[%mul3A_2] : memref<320000xi32, #tpu.memory_space<hbm>> -> memref<80xi32, #tpu.memory_space<hbm>>
      %dma_wait3A_235 = tpu.memref_slice %arg3[%mul3A_2] : memref<320000xi32, #tpu.memory_space<hbm>> -> memref<80xi32, #tpu.memory_space<hbm>>
      tpu.wait_dma2 semaphore(%arg21 : memref<!tpu.dma_semaphore, #tpu.memory_space<semaphore_mem>>) src(%dma_wait3A_235 : memref<80xi32, #tpu.memory_space<hbm>>) dst(%arg12 : memref<80xi32, #tpu.memory_space<vmem>>)
      %dma_start3A_236 = arith.constant 0 : i32
      %dma_start3A_237 = arith.constant 0 : i32
      %dma_start3A_238 = tpu.memref_slice %arg4[%dma_start3A_236, %dma_start3A_237] : memref<10000x128xf32, #tpu.memory_space<hbm>> -> memref<10000x128xf32, #tpu.memory_space<hbm>>
      tpu.enqueue_indirect_dma source(%dma_start3A_238 : memref<10000x128xf32, #tpu.memory_space<hbm>>) target(%arg16 : memref<80x128xf32, #tpu.memory_space<vmem>>) offsets(%arg8 : memref<80xi32, #tpu.memory_space<vmem>>) semaphore(%arg25 : memref<!tpu.dma_semaphore, #tpu.memory_space<semaphore_mem>>)
      %dma_wait3A_239 = arith.constant 0 : i32
      %dma_wait3A_240 = arith.constant 0 : i32
      %dma_wait3A_241 = tpu.memref_slice %arg4[%dma_wait3A_239, %dma_wait3A_240] : memref<10000x128xf32, #tpu.memory_space<hbm>> -> memref<10000x128xf32, #tpu.memory_space<hbm>>
      tpu.wait_indirect_dma semaphore(%arg27 : memref<!tpu.dma_semaphore, #tpu.memory_space<semaphore_mem>>) src(%dma_wait3A_241 : memref<10000x128xf32, #tpu.memory_space<hbm>>) dst(%arg18 : memref<80x128xf32, #tpu.memory_space<vmem>>)
      %dma_start3A_242 = arith.constant 0 : i32
      %dma_start3A_243 = arith.constant 0 : i32
      %dma_start3A_244 = tpu.memref_slice %arg19[%dma_start3A_242, %dma_start3A_243] : memref<10240x128xf32, #tpu.memory_space<vmem_shared>> -> memref<10240x128xf32, #tpu.memory_space<vmem_shared>>
      tpu.enqueue_indirect_dma source(%arg18 : memref<80x128xf32, #tpu.memory_space<vmem>>) target(%dma_start3A_244 : memref<10240x128xf32, #tpu.memory_space<vmem_shared>>) offsets(%arg14 : memref<80xi32, #tpu.memory_space<vmem>>) semaphore(%arg31 : memref<!tpu.dma_semaphore, #tpu.memory_space<semaphore_mem>>) {add = true}
      %add3A_245 = arith.constant 1 : i32
      %add3A_246 = arith.addi %add3A_217, %add3A_245 : i32
      %dma_wait3A_247 = arith.constant 0 : i32
      %dma_wait3A_248 = arith.constant 0 : i32
      %dma_wait3A_249 = tpu.memref_slice %arg19[%dma_wait3A_247, %dma_wait3A_248] : memref<10240x128xf32, #tpu.memory_space<vmem_shared>> -> memref<10240x128xf32, #tpu.memory_space<vmem_shared>>
      tpu.wait_indirect_dma semaphore(%arg31 : memref<!tpu.dma_semaphore, #tpu.memory_space<semaphore_mem>>) src(%arg18 : memref<80x128xf32, #tpu.memory_space<vmem>>) dst(%dma_wait3A_249 : memref<10240x128xf32, #tpu.memory_space<vmem_shared>>)
      %add3A_250 = arith.constant 3 : i32
      %add3A_251 = arith.addi %add3A_246, %add3A_250 : i32
      %mul3A_252 = arith.constant 80 : i32
      %mul3A_253 = arith.muli %add3A_251, %mul3A_252 : i32
      %add3A_254 = arith.addi %mul3A_2, %mul3A_253 : i32
      %dma_start3A_255 = tpu.memref_slice %arg2[%add3A_254] : memref<320000xi32, #tpu.memory_space<hbm>> -> memref<80xi32, #tpu.memory_space<hbm>>
      %dma_start3A_256 = tpu.memref_slice %arg2[%add3A_254] : memref<320000xi32, #tpu.memory_space<hbm>> -> memref<80xi32, #tpu.memory_space<hbm>>
      tpu.enqueue_dma source(%dma_start3A_256 : memref<80xi32, #tpu.memory_space<hbm>>) target(%arg10 : memref<80xi32, #tpu.memory_space<vmem>>) target_semaphore(%arg23 : memref<!tpu.dma_semaphore, #tpu.memory_space<semaphore_mem>>)
      %dma_start3A_257 = tpu.memref_slice %arg3[%add3A_254] : memref<320000xi32, #tpu.memory_space<hbm>> -> memref<80xi32, #tpu.memory_space<hbm>>
      %dma_start3A_258 = tpu.memref_slice %arg3[%add3A_254] : memref<320000xi32, #tpu.memory_space<hbm>> -> memref<80xi32, #tpu.memory_space<hbm>>
      tpu.enqueue_dma source(%dma_start3A_258 : memref<80xi32, #tpu.memory_space<hbm>>) target(%arg14 : memref<80xi32, #tpu.memory_space<vmem>>) target_semaphore(%arg23 : memref<!tpu.dma_semaphore, #tpu.memory_space<semaphore_mem>>)
      %dma_wait3A_259 = tpu.memref_slice %arg2[%mul3A_2] : memref<320000xi32, #tpu.memory_space<hbm>> -> memref<80xi32, #tpu.memory_space<hbm>>
      %dma_wait3A_260 = tpu.memref_slice %arg2[%mul3A_2] : memref<320000xi32, #tpu.memory_space<hbm>> -> memref<80xi32, #tpu.memory_space<hbm>>
      tpu.wait_dma2 semaphore(%arg22 : memref<!tpu.dma_semaphore, #tpu.memory_space<semaphore_mem>>) src(%dma_wait3A_260 : memref<80xi32, #tpu.memory_space<hbm>>) dst(%arg9 : memref<80xi32, #tpu.memory_space<vmem>>)
      %dma_wait3A_261 = tpu.memref_slice %arg3[%mul3A_2] : memref<320000xi32, #tpu.memory_space<hbm>> -> memref<80xi32, #tpu.memory_space<hbm>>
      %dma_wait3A_262 = tpu.memref_slice %arg3[%mul3A_2] : memref<320000xi32, #tpu.memory_space<hbm>> -> memref<80xi32, #tpu.memory_space<hbm>>
      tpu.wait_dma2 semaphore(%arg22 : memref<!tpu.dma_semaphore, #tpu.memory_space<semaphore_mem>>) src(%dma_wait3A_262 : memref<80xi32, #tpu.memory_space<hbm>>) dst(%arg13 : memref<80xi32, #tpu.memory_space<vmem>>)
      %dma_start3A_263 = arith.constant 0 : i32
      %dma_start3A_264 = arith.constant 0 : i32
      %dma_start3A_265 = tpu.memref_slice %arg4[%dma_start3A_263, %dma_start3A_264] : memref<10000x128xf32, #tpu.memory_space<hbm>> -> memref<10000x128xf32, #tpu.memory_space<hbm>>
      tpu.enqueue_indirect_dma source(%dma_start3A_265 : memref<10000x128xf32, #tpu.memory_space<hbm>>) target(%arg17 : memref<80x128xf32, #tpu.memory_space<vmem>>) offsets(%arg9 : memref<80xi32, #tpu.memory_space<vmem>>) semaphore(%arg26 : memref<!tpu.dma_semaphore, #tpu.memory_space<semaphore_mem>>)
      %dma_wait3A_266 = arith.constant 0 : i32
      %dma_wait3A_267 = arith.constant 0 : i32
      %dma_wait3A_268 = tpu.memref_slice %arg4[%dma_wait3A_266, %dma_wait3A_267] : memref<10000x128xf32, #tpu.memory_space<hbm>> -> memref<10000x128xf32, #tpu.memory_space<hbm>>
      tpu.wait_indirect_dma semaphore(%arg24 : memref<!tpu.dma_semaphore, #tpu.memory_space<semaphore_mem>>) src(%dma_wait3A_268 : memref<10000x128xf32, #tpu.memory_space<hbm>>) dst(%arg15 : memref<80x128xf32, #tpu.memory_space<vmem>>)
      %dma_start3A_269 = arith.constant 0 : i32
      %dma_start3A_270 = arith.constant 0 : i32
      %dma_start3A_271 = tpu.memref_slice %arg19[%dma_start3A_269, %dma_start3A_270] : memref<10240x128xf32, #tpu.memory_space<vmem_shared>> -> memref<10240x128xf32, #tpu.memory_space<vmem_shared>>
      tpu.enqueue_indirect_dma source(%arg15 : memref<80x128xf32, #tpu.memory_space<vmem>>) target(%dma_start3A_271 : memref<10240x128xf32, #tpu.memory_space<vmem_shared>>) offsets(%arg11 : memref<80xi32, #tpu.memory_space<vmem>>) semaphore(%arg28 : memref<!tpu.dma_semaphore, #tpu.memory_space<semaphore_mem>>) {add = true}
      %add3A_272 = arith.constant 2 : i32
      %add3A_273 = arith.addi %add3A_217, %add3A_272 : i32
      %dma_wait3A_274 = arith.constant 0 : i32
      %dma_wait3A_275 = arith.constant 0 : i32
      %dma_wait3A_276 = tpu.memref_slice %arg19[%dma_wait3A_274, %dma_wait3A_275] : memref<10240x128xf32, #tpu.memory_space<vmem_shared>> -> memref<10240x128xf32, #tpu.memory_space<vmem_shared>>
      tpu.wait_indirect_dma semaphore(%arg28 : memref<!tpu.dma_semaphore, #tpu.memory_space<semaphore_mem>>) src(%arg15 : memref<80x128xf32, #tpu.memory_space<vmem>>) dst(%dma_wait3A_276 : memref<10240x128xf32, #tpu.memory_space<vmem_shared>>)
      %add3A_277 = arith.constant 3 : i32
      %add3A_278 = arith.addi %add3A_273, %add3A_277 : i32
      %mul3A_279 = arith.constant 80 : i32
      %mul3A_280 = arith.muli %add3A_278, %mul3A_279 : i32
      %add3A_281 = arith.addi %mul3A_2, %mul3A_280 : i32
      %dma_start3A_282 = tpu.memref_slice %arg2[%add3A_281] : memref<320000xi32, #tpu.memory_space<hbm>> -> memref<80xi32, #tpu.memory_space<hbm>>
      %dma_start3A_283 = tpu.memref_slice %arg2[%add3A_281] : memref<320000xi32, #tpu.memory_space<hbm>> -> memref<80xi32, #tpu.memory_space<hbm>>
      tpu.enqueue_dma source(%dma_start3A_283 : memref<80xi32, #tpu.memory_space<hbm>>) target(%arg7 : memref<80xi32, #tpu.memory_space<vmem>>) target_semaphore(%arg20 : memref<!tpu.dma_semaphore, #tpu.memory_space<semaphore_mem>>)
      %dma_start3A_284 = tpu.memref_slice %arg3[%add3A_281] : memref<320000xi32, #tpu.memory_space<hbm>> -> memref<80xi32, #tpu.memory_space<hbm>>
      %dma_start3A_285 = tpu.memref_slice %arg3[%add3A_281] : memref<320000xi32, #tpu.memory_space<hbm>> -> memref<80xi32, #tpu.memory_space<hbm>>
      tpu.enqueue_dma source(%dma_start3A_285 : memref<80xi32, #tpu.memory_space<hbm>>) target(%arg11 : memref<80xi32, #tpu.memory_space<vmem>>) target_semaphore(%arg20 : memref<!tpu.dma_semaphore, #tpu.memory_space<semaphore_mem>>)
      %dma_wait3A_286 = tpu.memref_slice %arg2[%mul3A_2] : memref<320000xi32, #tpu.memory_space<hbm>> -> memref<80xi32, #tpu.memory_space<hbm>>
      %dma_wait3A_287 = tpu.memref_slice %arg2[%mul3A_2] : memref<320000xi32, #tpu.memory_space<hbm>> -> memref<80xi32, #tpu.memory_space<hbm>>
      tpu.wait_dma2 semaphore(%arg23 : memref<!tpu.dma_semaphore, #tpu.memory_space<semaphore_mem>>) src(%dma_wait3A_287 : memref<80xi32, #tpu.memory_space<hbm>>) dst(%arg10 : memref<80xi32, #tpu.memory_space<vmem>>)
      %dma_wait3A_288 = tpu.memref_slice %arg3[%mul3A_2] : memref<320000xi32, #tpu.memory_space<hbm>> -> memref<80xi32, #tpu.memory_space<hbm>>
      %dma_wait3A_289 = tpu.memref_slice %arg3[%mul3A_2] : memref<320000xi32, #tpu.memory_space<hbm>> -> memref<80xi32, #tpu.memory_space<hbm>>
      tpu.wait_dma2 semaphore(%arg23 : memref<!tpu.dma_semaphore, #tpu.memory_space<semaphore_mem>>) src(%dma_wait3A_289 : memref<80xi32, #tpu.memory_space<hbm>>) dst(%arg14 : memref<80xi32, #tpu.memory_space<vmem>>)
      %dma_start3A_290 = arith.constant 0 : i32
      %dma_start3A_291 = arith.constant 0 : i32
      %dma_start3A_292 = tpu.memref_slice %arg4[%dma_start3A_290, %dma_start3A_291] : memref<10000x128xf32, #tpu.memory_space<hbm>> -> memref<10000x128xf32, #tpu.memory_space<hbm>>
      tpu.enqueue_indirect_dma source(%dma_start3A_292 : memref<10000x128xf32, #tpu.memory_space<hbm>>) target(%arg18 : memref<80x128xf32, #tpu.memory_space<vmem>>) offsets(%arg10 : memref<80xi32, #tpu.memory_space<vmem>>) semaphore(%arg27 : memref<!tpu.dma_semaphore, #tpu.memory_space<semaphore_mem>>)
      %dma_wait3A_293 = arith.constant 0 : i32
      %dma_wait3A_294 = arith.constant 0 : i32
      %dma_wait3A_295 = tpu.memref_slice %arg4[%dma_wait3A_293, %dma_wait3A_294] : memref<10000x128xf32, #tpu.memory_space<hbm>> -> memref<10000x128xf32, #tpu.memory_space<hbm>>
      tpu.wait_indirect_dma semaphore(%arg25 : memref<!tpu.dma_semaphore, #tpu.memory_space<semaphore_mem>>) src(%dma_wait3A_295 : memref<10000x128xf32, #tpu.memory_space<hbm>>) dst(%arg16 : memref<80x128xf32, #tpu.memory_space<vmem>>)
      %dma_start3A_296 = arith.constant 0 : i32
      %dma_start3A_297 = arith.constant 0 : i32
      %dma_start3A_298 = tpu.memref_slice %arg19[%dma_start3A_296, %dma_start3A_297] : memref<10240x128xf32, #tpu.memory_space<vmem_shared>> -> memref<10240x128xf32, #tpu.memory_space<vmem_shared>>
      tpu.enqueue_indirect_dma source(%arg16 : memref<80x128xf32, #tpu.memory_space<vmem>>) target(%dma_start3A_298 : memref<10240x128xf32, #tpu.memory_space<vmem_shared>>) offsets(%arg12 : memref<80xi32, #tpu.memory_space<vmem>>) semaphore(%arg29 : memref<!tpu.dma_semaphore, #tpu.memory_space<semaphore_mem>>) {add = true}
      %add3A_299 = arith.constant 3 : i32
      %add3A_300 = arith.addi %add3A_217, %add3A_299 : i32
      %dma_wait3A_301 = arith.constant 0 : i32
      %dma_wait3A_302 = arith.constant 0 : i32
      %dma_wait3A_303 = tpu.memref_slice %arg19[%dma_wait3A_301, %dma_wait3A_302] : memref<10240x128xf32, #tpu.memory_space<vmem_shared>> -> memref<10240x128xf32, #tpu.memory_space<vmem_shared>>
      tpu.wait_indirect_dma semaphore(%arg29 : memref<!tpu.dma_semaphore, #tpu.memory_space<semaphore_mem>>) src(%arg16 : memref<80x128xf32, #tpu.memory_space<vmem>>) dst(%dma_wait3A_303 : memref<10240x128xf32, #tpu.memory_space<vmem_shared>>)
      %add3A_304 = arith.constant 3 : i32
      %add3A_305 = arith.addi %add3A_300, %add3A_304 : i32
      %mul3A_306 = arith.constant 80 : i32
      %mul3A_307 = arith.muli %add3A_305, %mul3A_306 : i32
      %add3A_308 = arith.addi %mul3A_2, %mul3A_307 : i32
      %dma_start3A_309 = tpu.memref_slice %arg2[%add3A_308] : memref<320000xi32, #tpu.memory_space<hbm>> -> memref<80xi32, #tpu.memory_space<hbm>>
      %dma_start3A_310 = tpu.memref_slice %arg2[%add3A_308] : memref<320000xi32, #tpu.memory_space<hbm>> -> memref<80xi32, #tpu.memory_space<hbm>>
      tpu.enqueue_dma source(%dma_start3A_310 : memref<80xi32, #tpu.memory_space<hbm>>) target(%arg8 : memref<80xi32, #tpu.memory_space<vmem>>) target_semaphore(%arg21 : memref<!tpu.dma_semaphore, #tpu.memory_space<semaphore_mem>>)
      %dma_start3A_311 = tpu.memref_slice %arg3[%add3A_308] : memref<320000xi32, #tpu.memory_space<hbm>> -> memref<80xi32, #tpu.memory_space<hbm>>
      %dma_start3A_312 = tpu.memref_slice %arg3[%add3A_308] : memref<320000xi32, #tpu.memory_space<hbm>> -> memref<80xi32, #tpu.memory_space<hbm>>
      tpu.enqueue_dma source(%dma_start3A_312 : memref<80xi32, #tpu.memory_space<hbm>>) target(%arg12 : memref<80xi32, #tpu.memory_space<vmem>>) target_semaphore(%arg21 : memref<!tpu.dma_semaphore, #tpu.memory_space<semaphore_mem>>)
      %dma_wait3A_313 = tpu.memref_slice %arg2[%mul3A_2] : memref<320000xi32, #tpu.memory_space<hbm>> -> memref<80xi32, #tpu.memory_space<hbm>>
      %dma_wait3A_314 = tpu.memref_slice %arg2[%mul3A_2] : memref<320000xi32, #tpu.memory_space<hbm>> -> memref<80xi32, #tpu.memory_space<hbm>>
      tpu.wait_dma2 semaphore(%arg20 : memref<!tpu.dma_semaphore, #tpu.memory_space<semaphore_mem>>) src(%dma_wait3A_314 : memref<80xi32, #tpu.memory_space<hbm>>) dst(%arg7 : memref<80xi32, #tpu.memory_space<vmem>>)
      %dma_wait3A_315 = tpu.memref_slice %arg3[%mul3A_2] : memref<320000xi32, #tpu.memory_space<hbm>> -> memref<80xi32, #tpu.memory_space<hbm>>
      %dma_wait3A_316 = tpu.memref_slice %arg3[%mul3A_2] : memref<320000xi32, #tpu.memory_space<hbm>> -> memref<80xi32, #tpu.memory_space<hbm>>
      tpu.wait_dma2 semaphore(%arg20 : memref<!tpu.dma_semaphore, #tpu.memory_space<semaphore_mem>>) src(%dma_wait3A_316 : memref<80xi32, #tpu.memory_space<hbm>>) dst(%arg11 : memref<80xi32, #tpu.memory_space<vmem>>)
      %dma_start3A_317 = arith.constant 0 : i32
      %dma_start3A_318 = arith.constant 0 : i32
      %dma_start3A_319 = tpu.memref_slice %arg4[%dma_start3A_317, %dma_start3A_318] : memref<10000x128xf32, #tpu.memory_space<hbm>> -> memref<10000x128xf32, #tpu.memory_space<hbm>>
      tpu.enqueue_indirect_dma source(%dma_start3A_319 : memref<10000x128xf32, #tpu.memory_space<hbm>>) target(%arg15 : memref<80x128xf32, #tpu.memory_space<vmem>>) offsets(%arg7 : memref<80xi32, #tpu.memory_space<vmem>>) semaphore(%arg24 : memref<!tpu.dma_semaphore, #tpu.memory_space<semaphore_mem>>)
      %dma_wait3A_320 = arith.constant 0 : i32
      %dma_wait3A_321 = arith.constant 0 : i32
      %dma_wait3A_322 = tpu.memref_slice %arg4[%dma_wait3A_320, %dma_wait3A_321] : memref<10000x128xf32, #tpu.memory_space<hbm>> -> memref<10000x128xf32, #tpu.memory_space<hbm>>
      tpu.wait_indirect_dma semaphore(%arg26 : memref<!tpu.dma_semaphore, #tpu.memory_space<semaphore_mem>>) src(%dma_wait3A_322 : memref<10000x128xf32, #tpu.memory_space<hbm>>) dst(%arg17 : memref<80x128xf32, #tpu.memory_space<vmem>>)
      %dma_start3A_323 = arith.constant 0 : i32
      %dma_start3A_324 = arith.constant 0 : i32
      %dma_start3A_325 = tpu.memref_slice %arg19[%dma_start3A_323, %dma_start3A_324] : memref<10240x128xf32, #tpu.memory_space<vmem_shared>> -> memref<10240x128xf32, #tpu.memory_space<vmem_shared>>
      tpu.enqueue_indirect_dma source(%arg17 : memref<80x128xf32, #tpu.memory_space<vmem>>) target(%dma_start3A_325 : memref<10240x128xf32, #tpu.memory_space<vmem_shared>>) offsets(%arg13 : memref<80xi32, #tpu.memory_space<vmem>>) semaphore(%arg30 : memref<!tpu.dma_semaphore, #tpu.memory_space<semaphore_mem>>) {add = true}
    }
    %scan3A_101 = arith.constant 29 : i32
    %dma_wait3A_102 = arith.constant 0 : i32
    %dma_wait3A_103 = arith.constant 0 : i32
    %dma_wait3A_104 = tpu.memref_slice %arg19[%dma_wait3A_102, %dma_wait3A_103] : memref<10240x128xf32, #tpu.memory_space<vmem_shared>> -> memref<10240x128xf32, #tpu.memory_space<vmem_shared>>
    tpu.wait_indirect_dma semaphore(%arg30 : memref<!tpu.dma_semaphore, #tpu.memory_space<semaphore_mem>>) src(%arg17 : memref<80x128xf32, #tpu.memory_space<vmem>>) dst(%dma_wait3A_104 : memref<10240x128xf32, #tpu.memory_space<vmem_shared>>)
    %add3A_105 = arith.constant 9760 : i32
    %add3A_106 = arith.addi %mul3A_2, %add3A_105 : i32
    %dma_start3A_107 = tpu.memref_slice %arg2[%add3A_106] : memref<320000xi32, #tpu.memory_space<hbm>> -> memref<80xi32, #tpu.memory_space<hbm>>
    %dma_start3A_108 = tpu.memref_slice %arg2[%add3A_106] : memref<320000xi32, #tpu.memory_space<hbm>> -> memref<80xi32, #tpu.memory_space<hbm>>
    tpu.enqueue_dma source(%dma_start3A_108 : memref<80xi32, #tpu.memory_space<hbm>>) target(%arg9 : memref<80xi32, #tpu.memory_space<vmem>>) target_semaphore(%arg22 : memref<!tpu.dma_semaphore, #tpu.memory_space<semaphore_mem>>)
    %dma_start3A_109 = tpu.memref_slice %arg3[%add3A_106] : memref<320000xi32, #tpu.memory_space<hbm>> -> memref<80xi32, #tpu.memory_space<hbm>>
    %dma_start3A_110 = tpu.memref_slice %arg3[%add3A_106] : memref<320000xi32, #tpu.memory_space<hbm>> -> memref<80xi32, #tpu.memory_space<hbm>>
    tpu.enqueue_dma source(%dma_start3A_110 : memref<80xi32, #tpu.memory_space<hbm>>) target(%arg13 : memref<80xi32, #tpu.memory_space<vmem>>) target_semaphore(%arg22 : memref<!tpu.dma_semaphore, #tpu.memory_space<semaphore_mem>>)
    %dma_wait3A_111 = tpu.memref_slice %arg2[%mul3A_2] : memref<320000xi32, #tpu.memory_space<hbm>> -> memref<80xi32, #tpu.memory_space<hbm>>
    %dma_wait3A_112 = tpu.memref_slice %arg2[%mul3A_2] : memref<320000xi32, #tpu.memory_space<hbm>> -> memref<80xi32, #tpu.memory_space<hbm>>
    tpu.wait_dma2 semaphore(%arg21 : memref<!tpu.dma_semaphore, #tpu.memory_space<semaphore_mem>>) src(%dma_wait3A_112 : memref<80xi32, #tpu.memory_space<hbm>>) dst(%arg8 : memref<80xi32, #tpu.memory_space<vmem>>)
    %dma_wait3A_113 = tpu.memref_slice %arg3[%mul3A_2] : memref<320000xi32, #tpu.memory_space<hbm>> -> memref<80xi32, #tpu.memory_space<hbm>>
    %dma_wait3A_114 = tpu.memref_slice %arg3[%mul3A_2] : memref<320000xi32, #tpu.memory_space<hbm>> -> memref<80xi32, #tpu.memory_space<hbm>>
    tpu.wait_dma2 semaphore(%arg21 : memref<!tpu.dma_semaphore, #tpu.memory_space<semaphore_mem>>) src(%dma_wait3A_114 : memref<80xi32, #tpu.memory_space<hbm>>) dst(%arg12 : memref<80xi32, #tpu.memory_space<vmem>>)
    %dma_start3A_115 = arith.constant 0 : i32
    %dma_start3A_116 = arith.constant 0 : i32
    %dma_start3A_117 = tpu.memref_slice %arg4[%dma_start3A_115, %dma_start3A_116] : memref<10000x128xf32, #tpu.memory_space<hbm>> -> memref<10000x128xf32, #tpu.memory_space<hbm>>
    tpu.enqueue_indirect_dma source(%dma_start3A_117 : memref<10000x128xf32, #tpu.memory_space<hbm>>) target(%arg16 : memref<80x128xf32, #tpu.memory_space<vmem>>) offsets(%arg8 : memref<80xi32, #tpu.memory_space<vmem>>) semaphore(%arg25 : memref<!tpu.dma_semaphore, #tpu.memory_space<semaphore_mem>>)
    %dma_wait3A_118 = arith.constant 0 : i32
    %dma_wait3A_119 = arith.constant 0 : i32
    %dma_wait3A_120 = tpu.memref_slice %arg4[%dma_wait3A_118, %dma_wait3A_119] : memref<10000x128xf32, #tpu.memory_space<hbm>> -> memref<10000x128xf32, #tpu.memory_space<hbm>>
    tpu.wait_indirect_dma semaphore(%arg27 : memref<!tpu.dma_semaphore, #tpu.memory_space<semaphore_mem>>) src(%dma_wait3A_120 : memref<10000x128xf32, #tpu.memory_space<hbm>>) dst(%arg18 : memref<80x128xf32, #tpu.memory_space<vmem>>)
    %dma_start3A_121 = arith.constant 0 : i32
    %dma_start3A_122 = arith.constant 0 : i32
    %dma_start3A_123 = tpu.memref_slice %arg19[%dma_start3A_121, %dma_start3A_122] : memref<10240x128xf32, #tpu.memory_space<vmem_shared>> -> memref<10240x128xf32, #tpu.memory_space<vmem_shared>>
    tpu.enqueue_indirect_dma source(%arg18 : memref<80x128xf32, #tpu.memory_space<vmem>>) target(%dma_start3A_123 : memref<10240x128xf32, #tpu.memory_space<vmem_shared>>) offsets(%arg14 : memref<80xi32, #tpu.memory_space<vmem>>) semaphore(%arg31 : memref<!tpu.dma_semaphore, #tpu.memory_space<semaphore_mem>>) {add = true}
    %dma_wait3A_124 = arith.constant 0 : i32
    %dma_wait3A_125 = arith.constant 0 : i32
    %dma_wait3A_126 = tpu.memref_slice %arg19[%dma_wait3A_124, %dma_wait3A_125] : memref<10240x128xf32, #tpu.memory_space<vmem_shared>> -> memref<10240x128xf32, #tpu.memory_space<vmem_shared>>
    tpu.wait_indirect_dma semaphore(%arg31 : memref<!tpu.dma_semaphore, #tpu.memory_space<semaphore_mem>>) src(%arg18 : memref<80x128xf32, #tpu.memory_space<vmem>>) dst(%dma_wait3A_126 : memref<10240x128xf32, #tpu.memory_space<vmem_shared>>)
    %add3A_127 = arith.constant 9840 : i32
    %add3A_128 = arith.addi %mul3A_2, %add3A_127 : i32
    %dma_start3A_129 = tpu.memref_slice %arg2[%add3A_128] : memref<320000xi32, #tpu.memory_space<hbm>> -> memref<80xi32, #tpu.memory_space<hbm>>
    %dma_start3A_130 = tpu.memref_slice %arg2[%add3A_128] : memref<320000xi32, #tpu.memory_space<hbm>> -> memref<80xi32, #tpu.memory_space<hbm>>
    tpu.enqueue_dma source(%dma_start3A_130 : memref<80xi32, #tpu.memory_space<hbm>>) target(%arg10 : memref<80xi32, #tpu.memory_space<vmem>>) target_semaphore(%arg23 : memref<!tpu.dma_semaphore, #tpu.memory_space<semaphore_mem>>)
    %dma_start3A_131 = tpu.memref_slice %arg3[%add3A_128] : memref<320000xi32, #tpu.memory_space<hbm>> -> memref<80xi32, #tpu.memory_space<hbm>>
    %dma_start3A_132 = tpu.memref_slice %arg3[%add3A_128] : memref<320000xi32, #tpu.memory_space<hbm>> -> memref<80xi32, #tpu.memory_space<hbm>>
    tpu.enqueue_dma source(%dma_start3A_132 : memref<80xi32, #tpu.memory_space<hbm>>) target(%arg14 : memref<80xi32, #tpu.memory_space<vmem>>) target_semaphore(%arg23 : memref<!tpu.dma_semaphore, #tpu.memory_space<semaphore_mem>>)
    %dma_wait3A_133 = tpu.memref_slice %arg2[%mul3A_2] : memref<320000xi32, #tpu.memory_space<hbm>> -> memref<80xi32, #tpu.memory_space<hbm>>
    %dma_wait3A_134 = tpu.memref_slice %arg2[%mul3A_2] : memref<320000xi32, #tpu.memory_space<hbm>> -> memref<80xi32, #tpu.memory_space<hbm>>
    tpu.wait_dma2 semaphore(%arg22 : memref<!tpu.dma_semaphore, #tpu.memory_space<semaphore_mem>>) src(%dma_wait3A_134 : memref<80xi32, #tpu.memory_space<hbm>>) dst(%arg9 : memref<80xi32, #tpu.memory_space<vmem>>)
    %dma_wait3A_135 = tpu.memref_slice %arg3[%mul3A_2] : memref<320000xi32, #tpu.memory_space<hbm>> -> memref<80xi32, #tpu.memory_space<hbm>>
    %dma_wait3A_136 = tpu.memref_slice %arg3[%mul3A_2] : memref<320000xi32, #tpu.memory_space<hbm>> -> memref<80xi32, #tpu.memory_space<hbm>>
    tpu.wait_dma2 semaphore(%arg22 : memref<!tpu.dma_semaphore, #tpu.memory_space<semaphore_mem>>) src(%dma_wait3A_136 : memref<80xi32, #tpu.memory_space<hbm>>) dst(%arg13 : memref<80xi32, #tpu.memory_space<vmem>>)
    %dma_start3A_137 = arith.constant 0 : i32
    %dma_start3A_138 = arith.constant 0 : i32
    %dma_start3A_139 = tpu.memref_slice %arg4[%dma_start3A_137, %dma_start3A_138] : memref<10000x128xf32, #tpu.memory_space<hbm>> -> memref<10000x128xf32, #tpu.memory_space<hbm>>
    tpu.enqueue_indirect_dma source(%dma_start3A_139 : memref<10000x128xf32, #tpu.memory_space<hbm>>) target(%arg17 : memref<80x128xf32, #tpu.memory_space<vmem>>) offsets(%arg9 : memref<80xi32, #tpu.memory_space<vmem>>) semaphore(%arg26 : memref<!tpu.dma_semaphore, #tpu.memory_space<semaphore_mem>>)
    %dma_wait3A_140 = arith.constant 0 : i32
    %dma_wait3A_141 = arith.constant 0 : i32
    %dma_wait3A_142 = tpu.memref_slice %arg4[%dma_wait3A_140, %dma_wait3A_141] : memref<10000x128xf32, #tpu.memory_space<hbm>> -> memref<10000x128xf32, #tpu.memory_space<hbm>>
    tpu.wait_indirect_dma semaphore(%arg24 : memref<!tpu.dma_semaphore, #tpu.memory_space<semaphore_mem>>) src(%dma_wait3A_142 : memref<10000x128xf32, #tpu.memory_space<hbm>>) dst(%arg15 : memref<80x128xf32, #tpu.memory_space<vmem>>)
    %dma_start3A_143 = arith.constant 0 : i32
    %dma_start3A_144 = arith.constant 0 : i32
    %dma_start3A_145 = tpu.memref_slice %arg19[%dma_start3A_143, %dma_start3A_144] : memref<10240x128xf32, #tpu.memory_space<vmem_shared>> -> memref<10240x128xf32, #tpu.memory_space<vmem_shared>>
    tpu.enqueue_indirect_dma source(%arg15 : memref<80x128xf32, #tpu.memory_space<vmem>>) target(%dma_start3A_145 : memref<10240x128xf32, #tpu.memory_space<vmem_shared>>) offsets(%arg11 : memref<80xi32, #tpu.memory_space<vmem>>) semaphore(%arg28 : memref<!tpu.dma_semaphore, #tpu.memory_space<semaphore_mem>>) {add = true}
    %dma_wait3A_146 = arith.constant 0 : i32
    %dma_wait3A_147 = arith.constant 0 : i32
    %dma_wait3A_148 = tpu.memref_slice %arg19[%dma_wait3A_146, %dma_wait3A_147] : memref<10240x128xf32, #tpu.memory_space<vmem_shared>> -> memref<10240x128xf32, #tpu.memory_space<vmem_shared>>
    tpu.wait_indirect_dma semaphore(%arg28 : memref<!tpu.dma_semaphore, #tpu.memory_space<semaphore_mem>>) src(%arg15 : memref<80x128xf32, #tpu.memory_space<vmem>>) dst(%dma_wait3A_148 : memref<10240x128xf32, #tpu.memory_space<vmem_shared>>)
    %add3A_149 = arith.constant 9920 : i32
    %add3A_150 = arith.addi %mul3A_2, %add3A_149 : i32
    %dma_start3A_151 = tpu.memref_slice %arg2[%add3A_150] : memref<320000xi32, #tpu.memory_space<hbm>> -> memref<80xi32, #tpu.memory_space<hbm>>
    %dma_start3A_152 = tpu.memref_slice %arg2[%add3A_150] : memref<320000xi32, #tpu.memory_space<hbm>> -> memref<80xi32, #tpu.memory_space<hbm>>
    tpu.enqueue_dma source(%dma_start3A_152 : memref<80xi32, #tpu.memory_space<hbm>>) target(%arg7 : memref<80xi32, #tpu.memory_space<vmem>>) target_semaphore(%arg20 : memref<!tpu.dma_semaphore, #tpu.memory_space<semaphore_mem>>)
    %dma_start3A_153 = tpu.memref_slice %arg3[%add3A_150] : memref<320000xi32, #tpu.memory_space<hbm>> -> memref<80xi32, #tpu.memory_space<hbm>>
    %dma_start3A_154 = tpu.memref_slice %arg3[%add3A_150] : memref<320000xi32, #tpu.memory_space<hbm>> -> memref<80xi32, #tpu.memory_space<hbm>>
    tpu.enqueue_dma source(%dma_start3A_154 : memref<80xi32, #tpu.memory_space<hbm>>) target(%arg11 : memref<80xi32, #tpu.memory_space<vmem>>) target_semaphore(%arg20 : memref<!tpu.dma_semaphore, #tpu.memory_space<semaphore_mem>>)
    %dma_wait3A_155 = tpu.memref_slice %arg2[%mul3A_2] : memref<320000xi32, #tpu.memory_space<hbm>> -> memref<80xi32, #tpu.memory_space<hbm>>
    %dma_wait3A_156 = tpu.memref_slice %arg2[%mul3A_2] : memref<320000xi32, #tpu.memory_space<hbm>> -> memref<80xi32, #tpu.memory_space<hbm>>
    tpu.wait_dma2 semaphore(%arg23 : memref<!tpu.dma_semaphore, #tpu.memory_space<semaphore_mem>>) src(%dma_wait3A_156 : memref<80xi32, #tpu.memory_space<hbm>>) dst(%arg10 : memref<80xi32, #tpu.memory_space<vmem>>)
    %dma_wait3A_157 = tpu.memref_slice %arg3[%mul3A_2] : memref<320000xi32, #tpu.memory_space<hbm>> -> memref<80xi32, #tpu.memory_space<hbm>>
    %dma_wait3A_158 = tpu.memref_slice %arg3[%mul3A_2] : memref<320000xi32, #tpu.memory_space<hbm>> -> memref<80xi32, #tpu.memory_space<hbm>>
    tpu.wait_dma2 semaphore(%arg23 : memref<!tpu.dma_semaphore, #tpu.memory_space<semaphore_mem>>) src(%dma_wait3A_158 : memref<80xi32, #tpu.memory_space<hbm>>) dst(%arg14 : memref<80xi32, #tpu.memory_space<vmem>>)
    %dma_start3A_159 = arith.constant 0 : i32
    %dma_start3A_160 = arith.constant 0 : i32
    %dma_start3A_161 = tpu.memref_slice %arg4[%dma_start3A_159, %dma_start3A_160] : memref<10000x128xf32, #tpu.memory_space<hbm>> -> memref<10000x128xf32, #tpu.memory_space<hbm>>
    tpu.enqueue_indirect_dma source(%dma_start3A_161 : memref<10000x128xf32, #tpu.memory_space<hbm>>) target(%arg18 : memref<80x128xf32, #tpu.memory_space<vmem>>) offsets(%arg10 : memref<80xi32, #tpu.memory_space<vmem>>) semaphore(%arg27 : memref<!tpu.dma_semaphore, #tpu.memory_space<semaphore_mem>>)
    %dma_wait3A_162 = arith.constant 0 : i32
    %dma_wait3A_163 = arith.constant 0 : i32
    %dma_wait3A_164 = tpu.memref_slice %arg4[%dma_wait3A_162, %dma_wait3A_163] : memref<10000x128xf32, #tpu.memory_space<hbm>> -> memref<10000x128xf32, #tpu.memory_space<hbm>>
    tpu.wait_indirect_dma semaphore(%arg25 : memref<!tpu.dma_semaphore, #tpu.memory_space<semaphore_mem>>) src(%dma_wait3A_164 : memref<10000x128xf32, #tpu.memory_space<hbm>>) dst(%arg16 : memref<80x128xf32, #tpu.memory_space<vmem>>)
    %dma_start3A_165 = arith.constant 0 : i32
    %dma_start3A_166 = arith.constant 0 : i32
    %dma_start3A_167 = tpu.memref_slice %arg19[%dma_start3A_165, %dma_start3A_166] : memref<10240x128xf32, #tpu.memory_space<vmem_shared>> -> memref<10240x128xf32, #tpu.memory_space<vmem_shared>>
    tpu.enqueue_indirect_dma source(%arg16 : memref<80x128xf32, #tpu.memory_space<vmem>>) target(%dma_start3A_167 : memref<10240x128xf32, #tpu.memory_space<vmem_shared>>) offsets(%arg12 : memref<80xi32, #tpu.memory_space<vmem>>) semaphore(%arg29 : memref<!tpu.dma_semaphore, #tpu.memory_space<semaphore_mem>>) {add = true}
    %dma_wait3A_168 = arith.constant 0 : i32
    %dma_wait3A_169 = arith.constant 0 : i32
    %dma_wait3A_170 = tpu.memref_slice %arg19[%dma_wait3A_168, %dma_wait3A_169] : memref<10240x128xf32, #tpu.memory_space<vmem_shared>> -> memref<10240x128xf32, #tpu.memory_space<vmem_shared>>
    tpu.wait_indirect_dma semaphore(%arg29 : memref<!tpu.dma_semaphore, #tpu.memory_space<semaphore_mem>>) src(%arg16 : memref<80x128xf32, #tpu.memory_space<vmem>>) dst(%dma_wait3A_170 : memref<10240x128xf32, #tpu.memory_space<vmem_shared>>)
    %dma_wait3A_171 = tpu.memref_slice %arg2[%mul3A_2] : memref<320000xi32, #tpu.memory_space<hbm>> -> memref<80xi32, #tpu.memory_space<hbm>>
    %dma_wait3A_172 = tpu.memref_slice %arg2[%mul3A_2] : memref<320000xi32, #tpu.memory_space<hbm>> -> memref<80xi32, #tpu.memory_space<hbm>>
    tpu.wait_dma2 semaphore(%arg20 : memref<!tpu.dma_semaphore, #tpu.memory_space<semaphore_mem>>) src(%dma_wait3A_172 : memref<80xi32, #tpu.memory_space<hbm>>) dst(%arg7 : memref<80xi32, #tpu.memory_space<vmem>>)
    %dma_wait3A_173 = tpu.memref_slice %arg3[%mul3A_2] : memref<320000xi32, #tpu.memory_space<hbm>> -> memref<80xi32, #tpu.memory_space<hbm>>
    %dma_wait3A_174 = tpu.memref_slice %arg3[%mul3A_2] : memref<320000xi32, #tpu.memory_space<hbm>> -> memref<80xi32, #tpu.memory_space<hbm>>
    tpu.wait_dma2 semaphore(%arg20 : memref<!tpu.dma_semaphore, #tpu.memory_space<semaphore_mem>>) src(%dma_wait3A_174 : memref<80xi32, #tpu.memory_space<hbm>>) dst(%arg11 : memref<80xi32, #tpu.memory_space<vmem>>)
    %dma_start3A_175 = arith.constant 0 : i32
    %dma_start3A_176 = arith.constant 0 : i32
    %dma_start3A_177 = tpu.memref_slice %arg4[%dma_start3A_175, %dma_start3A_176] : memref<10000x128xf32, #tpu.memory_space<hbm>> -> memref<10000x128xf32, #tpu.memory_space<hbm>>
    tpu.enqueue_indirect_dma source(%dma_start3A_177 : memref<10000x128xf32, #tpu.memory_space<hbm>>) target(%arg15 : memref<80x128xf32, #tpu.memory_space<vmem>>) offsets(%arg7 : memref<80xi32, #tpu.memory_space<vmem>>) semaphore(%arg24 : memref<!tpu.dma_semaphore, #tpu.memory_space<semaphore_mem>>)
    %dma_wait3A_178 = arith.constant 0 : i32
    %dma_wait3A_179 = arith.constant 0 : i32
    %dma_wait3A_180 = tpu.memref_slice %arg4[%dma_wait3A_178, %dma_wait3A_179] : memref<10000x128xf32, #tpu.memory_space<hbm>> -> memref<10000x128xf32, #tpu.memory_space<hbm>>
    tpu.wait_indirect_dma semaphore(%arg26 : memref<!tpu.dma_semaphore, #tpu.memory_space<semaphore_mem>>) src(%dma_wait3A_180 : memref<10000x128xf32, #tpu.memory_space<hbm>>) dst(%arg17 : memref<80x128xf32, #tpu.memory_space<vmem>>)
    %dma_start3A_181 = arith.constant 0 : i32
    %dma_start3A_182 = arith.constant 0 : i32
    %dma_start3A_183 = tpu.memref_slice %arg19[%dma_start3A_181, %dma_start3A_182] : memref<10240x128xf32, #tpu.memory_space<vmem_shared>> -> memref<10240x128xf32, #tpu.memory_space<vmem_shared>>
    tpu.enqueue_indirect_dma source(%arg17 : memref<80x128xf32, #tpu.memory_space<vmem>>) target(%dma_start3A_183 : memref<10240x128xf32, #tpu.memory_space<vmem_shared>>) offsets(%arg13 : memref<80xi32, #tpu.memory_space<vmem>>) semaphore(%arg30 : memref<!tpu.dma_semaphore, #tpu.memory_space<semaphore_mem>>) {add = true}
    %dma_wait3A_184 = arith.constant 0 : i32
    %dma_wait3A_185 = arith.constant 0 : i32
    %dma_wait3A_186 = tpu.memref_slice %arg19[%dma_wait3A_184, %dma_wait3A_185] : memref<10240x128xf32, #tpu.memory_space<vmem_shared>> -> memref<10240x128xf32, #tpu.memory_space<vmem_shared>>
    tpu.wait_indirect_dma semaphore(%arg30 : memref<!tpu.dma_semaphore, #tpu.memory_space<semaphore_mem>>) src(%arg17 : memref<80x128xf32, #tpu.memory_space<vmem>>) dst(%dma_wait3A_186 : memref<10240x128xf32, #tpu.memory_space<vmem_shared>>)
    %dma_wait3A_187 = arith.constant 0 : i32
    %dma_wait3A_188 = arith.constant 0 : i32
    %dma_wait3A_189 = tpu.memref_slice %arg4[%dma_wait3A_187, %dma_wait3A_188] : memref<10000x128xf32, #tpu.memory_space<hbm>> -> memref<10000x128xf32, #tpu.memory_space<hbm>>
    tpu.wait_indirect_dma semaphore(%arg27 : memref<!tpu.dma_semaphore, #tpu.memory_space<semaphore_mem>>) src(%dma_wait3A_189 : memref<10000x128xf32, #tpu.memory_space<hbm>>) dst(%arg18 : memref<80x128xf32, #tpu.memory_space<vmem>>)
    %dma_start3A_190 = arith.constant 0 : i32
    %dma_start3A_191 = arith.constant 0 : i32
    %dma_start3A_192 = tpu.memref_slice %arg19[%dma_start3A_190, %dma_start3A_191] : memref<10240x128xf32, #tpu.memory_space<vmem_shared>> -> memref<10240x128xf32, #tpu.memory_space<vmem_shared>>
    tpu.enqueue_indirect_dma source(%arg18 : memref<80x128xf32, #tpu.memory_space<vmem>>) target(%dma_start3A_192 : memref<10240x128xf32, #tpu.memory_space<vmem_shared>>) offsets(%arg14 : memref<80xi32, #tpu.memory_space<vmem>>) semaphore(%arg31 : memref<!tpu.dma_semaphore, #tpu.memory_space<semaphore_mem>>) {add = true}
    %dma_wait3A_193 = arith.constant 0 : i32
    %dma_wait3A_194 = arith.constant 0 : i32
    %dma_wait3A_195 = tpu.memref_slice %arg19[%dma_wait3A_193, %dma_wait3A_194] : memref<10240x128xf32, #tpu.memory_space<vmem_shared>> -> memref<10240x128xf32, #tpu.memory_space<vmem_shared>>
    tpu.wait_indirect_dma semaphore(%arg31 : memref<!tpu.dma_semaphore, #tpu.memory_space<semaphore_mem>>) src(%arg18 : memref<80x128xf32, #tpu.memory_space<vmem>>) dst(%dma_wait3A_195 : memref<10240x128xf32, #tpu.memory_space<vmem_shared>>)
    %dma_wait3A_196 = arith.constant 0 : i32
    %dma_wait3A_197 = arith.constant 0 : i32
    %dma_wait3A_198 = tpu.memref_slice %arg4[%dma_wait3A_196, %dma_wait3A_197] : memref<10000x128xf32, #tpu.memory_space<hbm>> -> memref<10000x128xf32, #tpu.memory_space<hbm>>
    tpu.wait_indirect_dma semaphore(%arg24 : memref<!tpu.dma_semaphore, #tpu.memory_space<semaphore_mem>>) src(%dma_wait3A_198 : memref<10000x128xf32, #tpu.memory_space<hbm>>) dst(%arg15 : memref<80x128xf32, #tpu.memory_space<vmem>>)
    %dma_start3A_199 = arith.constant 0 : i32
    %dma_start3A_200 = arith.constant 0 : i32
    %dma_start3A_201 = tpu.memref_slice %arg19[%dma_start3A_199, %dma_start3A_200] : memref<10240x128xf32, #tpu.memory_space<vmem_shared>> -> memref<10240x128xf32, #tpu.memory_space<vmem_shared>>
    tpu.enqueue_indirect_dma source(%arg15 : memref<80x128xf32, #tpu.memory_space<vmem>>) target(%dma_start3A_201 : memref<10240x128xf32, #tpu.memory_space<vmem_shared>>) offsets(%arg11 : memref<80xi32, #tpu.memory_space<vmem>>) semaphore(%arg28 : memref<!tpu.dma_semaphore, #tpu.memory_space<semaphore_mem>>) {add = true}
    %dma_wait3A_202 = arith.constant 0 : i32
    %dma_wait3A_203 = arith.constant 0 : i32
    %dma_wait3A_204 = tpu.memref_slice %arg19[%dma_wait3A_202, %dma_wait3A_203] : memref<10240x128xf32, #tpu.memory_space<vmem_shared>> -> memref<10240x128xf32, #tpu.memory_space<vmem_shared>>
    tpu.wait_indirect_dma semaphore(%arg28 : memref<!tpu.dma_semaphore, #tpu.memory_space<semaphore_mem>>) src(%arg15 : memref<80x128xf32, #tpu.memory_space<vmem>>) dst(%dma_wait3A_204 : memref<10240x128xf32, #tpu.memory_space<vmem_shared>>)
    %barrier3A_205 = arith.constant 0 : index
    tpu.barrier barrier_id(%barrier3A_205)
    %mul3A_206 = arith.constant 10240 : i32
    %mul3A_207 = arith.muli %arg0, %mul3A_206 : i32
    %add3A_208 = arith.addi %mul3A_207, %mul3A_4 : i32
    "tpu.region"() ({
      %run_scoped3A = tpu.sem_alloc : memref<!tpu.dma_semaphore, #tpu.memory_space<semaphore_mem>>
      %dma_start3A_209 = arith.constant 0 : i32
      %dma_start3A_210 = tpu.memref_slice %arg6[%add3A_208, %dma_start3A_209] : memref<20480x128xf32, #tpu.memory_space<hbm>> -> memref<640x128xf32, #tpu.memory_space<hbm>>
      %dma_start3A_211 = arith.constant 0 : i32
      %dma_start3A_212 = tpu.memref_slice %arg19[%mul3A_4, %dma_start3A_211] : memref<10240x128xf32, #tpu.memory_space<vmem_shared>> -> memref<640x128xf32, #tpu.memory_space<vmem_shared>>
      tpu.enqueue_dma source(%dma_start3A_212 : memref<640x128xf32, #tpu.memory_space<vmem_shared>>) target(%dma_start3A_210 : memref<640x128xf32, #tpu.memory_space<hbm>>) target_semaphore(%run_scoped3A : memref<!tpu.dma_semaphore, #tpu.memory_space<semaphore_mem>>)
      %dma_wait3A_213 = arith.constant 0 : i32
      %dma_wait3A_214 = tpu.memref_slice %arg6[%add3A_208, %dma_wait3A_213] : memref<20480x128xf32, #tpu.memory_space<hbm>> -> memref<640x128xf32, #tpu.memory_space<hbm>>
      %dma_wait3A_215 = arith.constant 0 : i32
      %dma_wait3A_216 = tpu.memref_slice %arg19[%mul3A_4, %dma_wait3A_215] : memref<10240x128xf32, #tpu.memory_space<vmem_shared>> -> memref<640x128xf32, #tpu.memory_space<vmem_shared>>
      tpu.wait_dma2 semaphore(%run_scoped3A : memref<!tpu.dma_semaphore, #tpu.memory_space<semaphore_mem>>) src(%dma_wait3A_216 : memref<640x128xf32, #tpu.memory_space<vmem_shared>>) dst(%dma_wait3A_214 : memref<640x128xf32, #tpu.memory_space<hbm>>)
      tpu.yield
    }) : () -> ()
    return
  }
}

#map = affine_map<(d0, d1) -> (0)>
#map1 = affine_map<(d0, d1) -> (0, 0)>
module attributes {stable_mosaic.version = 14 : i64} {
  func.func @_edge_scatter_body(%arg0: i32, %arg1: i32, %arg2: memref<320000xi32, #tpu.memory_space<hbm>>, %arg3: memref<320000xi32, #tpu.memory_space<hbm>>, %arg4: memref<10000x128xf32, #tpu.memory_space<hbm>>, %arg5: memref<10240x128xf32, #tpu.memory_space<hbm>>, %arg6: memref<20480x128xf32, #tpu.memory_space<hbm>>, %arg7: memref<80xi32, #tpu.memory_space<vmem>>, %arg8: memref<80xi32, #tpu.memory_space<vmem>>, %arg9: memref<80xi32, #tpu.memory_space<vmem>>, %arg10: memref<80xi32, #tpu.memory_space<vmem>>, %arg11: memref<80xi32, #tpu.memory_space<vmem>>, %arg12: memref<80xi32, #tpu.memory_space<vmem>>, %arg13: memref<80xi32, #tpu.memory_space<vmem>>, %arg14: memref<80xi32, #tpu.memory_space<vmem>>, %arg15: memref<80x128xf32, #tpu.memory_space<vmem>>, %arg16: memref<80x128xf32, #tpu.memory_space<vmem>>, %arg17: memref<80x128xf32, #tpu.memory_space<vmem>>, %arg18: memref<80x128xf32, #tpu.memory_space<vmem>>, %arg19: memref<10240x128xf32, #tpu.memory_space<vmem_shared>>, %arg20: memref<!tpu.dma_semaphore, #tpu.memory_space<semaphore_mem>>, %arg21: memref<!tpu.dma_semaphore, #tpu.memory_space<semaphore_mem>>, %arg22: memref<!tpu.dma_semaphore, #tpu.memory_space<semaphore_mem>>, %arg23: memref<!tpu.dma_semaphore, #tpu.memory_space<semaphore_mem>>, %arg24: memref<!tpu.dma_semaphore, #tpu.memory_space<semaphore_mem>>, %arg25: memref<!tpu.dma_semaphore, #tpu.memory_space<semaphore_mem>>, %arg26: memref<!tpu.dma_semaphore, #tpu.memory_space<semaphore_mem>>, %arg27: memref<!tpu.dma_semaphore, #tpu.memory_space<semaphore_mem>>, %arg28: memref<!tpu.dma_semaphore, #tpu.memory_space<semaphore_mem>>, %arg29: memref<!tpu.dma_semaphore, #tpu.memory_space<semaphore_mem>>, %arg30: memref<!tpu.dma_semaphore, #tpu.memory_space<semaphore_mem>>, %arg31: memref<!tpu.dma_semaphore, #tpu.memory_space<semaphore_mem>>) attributes {dimension_semantics = [#tpu.dimension_semantics<core_parallel>, #tpu.dimension_semantics<subcore_parallel>], iteration_bounds = array<i64: 2, 16>, scalar_prefetch = 0 : i64, scratch_operands = 25 : i64, tpu.core_type = #tpu.core_type<sc_vector_subcore>, window_params = [{transform_indices = #map}, {transform_indices = #map}, {transform_indices = #map1}, {transform_indices = #map1}, {transform_indices = #map1}]} {
    %mul3A = arith.constant 16 : i32
    %mul3A_0 = arith.muli %arg0, %mul3A : i32
    %add3A = arith.addi %mul3A_0, %arg1 : i32
    %mul3A_1 = arith.constant 10000 : i32
    %mul3A_2 = arith.muli %add3A, %mul3A_1 : i32
    %mul3A_3 = arith.constant 640 : i32
    %mul3A_4 = arith.muli %arg1, %mul3A_3 : i32
    "tpu.region"() ({
      %run_scoped3A = tpu.sem_alloc : memref<!tpu.dma_semaphore, #tpu.memory_space<semaphore_mem>>
      %dma_start3A_209 = arith.constant 0 : i32
      %dma_start3A_210 = tpu.memref_slice %arg19[%mul3A_4, %dma_start3A_209] : memref<10240x128xf32, #tpu.memory_space<vmem_shared>> -> memref<640x128xf32, #tpu.memory_space<vmem_shared>>
      %dma_start3A_211 = arith.constant 0 : i32
      %dma_start3A_212 = tpu.memref_slice %arg5[%mul3A_4, %dma_start3A_211] : memref<10240x128xf32, #tpu.memory_space<hbm>> -> memref<640x128xf32, #tpu.memory_space<hbm>>
      tpu.enqueue_dma source(%dma_start3A_212 : memref<640x128xf32, #tpu.memory_space<hbm>>) target(%dma_start3A_210 : memref<640x128xf32, #tpu.memory_space<vmem_shared>>) target_semaphore(%run_scoped3A : memref<!tpu.dma_semaphore, #tpu.memory_space<semaphore_mem>>)
      %dma_wait3A_213 = arith.constant 0 : i32
      %dma_wait3A_214 = tpu.memref_slice %arg19[%mul3A_4, %dma_wait3A_213] : memref<10240x128xf32, #tpu.memory_space<vmem_shared>> -> memref<640x128xf32, #tpu.memory_space<vmem_shared>>
      %dma_wait3A_215 = arith.constant 0 : i32
      %dma_wait3A_216 = tpu.memref_slice %arg5[%mul3A_4, %dma_wait3A_215] : memref<10240x128xf32, #tpu.memory_space<hbm>> -> memref<640x128xf32, #tpu.memory_space<hbm>>
      tpu.wait_dma2 semaphore(%run_scoped3A : memref<!tpu.dma_semaphore, #tpu.memory_space<semaphore_mem>>) src(%dma_wait3A_216 : memref<640x128xf32, #tpu.memory_space<hbm>>) dst(%dma_wait3A_214 : memref<640x128xf32, #tpu.memory_space<vmem_shared>>)
      tpu.yield
    }) : () -> ()
    %barrier3A = arith.constant 0 : index
    tpu.barrier barrier_id(%barrier3A)
    %add3A_5 = arith.constant 0 : i32
    %add3A_6 = arith.addi %mul3A_2, %add3A_5 : i32
    %dma_start3A = tpu.memref_slice %arg2[%add3A_6] : memref<320000xi32, #tpu.memory_space<hbm>> -> memref<80xi32, #tpu.memory_space<hbm>>
    %dma_start3A_7 = tpu.memref_slice %arg2[%add3A_6] : memref<320000xi32, #tpu.memory_space<hbm>> -> memref<80xi32, #tpu.memory_space<hbm>>
    tpu.enqueue_dma source(%dma_start3A_7 : memref<80xi32, #tpu.memory_space<hbm>>) target(%arg7 : memref<80xi32, #tpu.memory_space<vmem>>) target_semaphore(%arg20 : memref<!tpu.dma_semaphore, #tpu.memory_space<semaphore_mem>>)
    %dma_start3A_8 = tpu.memref_slice %arg3[%add3A_6] : memref<320000xi32, #tpu.memory_space<hbm>> -> memref<80xi32, #tpu.memory_space<hbm>>
    %dma_start3A_9 = tpu.memref_slice %arg3[%add3A_6] : memref<320000xi32, #tpu.memory_space<hbm>> -> memref<80xi32, #tpu.memory_space<hbm>>
    tpu.enqueue_dma source(%dma_start3A_9 : memref<80xi32, #tpu.memory_space<hbm>>) target(%arg11 : memref<80xi32, #tpu.memory_space<vmem>>) target_semaphore(%arg20 : memref<!tpu.dma_semaphore, #tpu.memory_space<semaphore_mem>>)
    %add3A_10 = arith.constant 80 : i32
    %add3A_11 = arith.addi %mul3A_2, %add3A_10 : i32
    %dma_start3A_12 = tpu.memref_slice %arg2[%add3A_11] : memref<320000xi32, #tpu.memory_space<hbm>> -> memref<80xi32, #tpu.memory_space<hbm>>
    %dma_start3A_13 = tpu.memref_slice %arg2[%add3A_11] : memref<320000xi32, #tpu.memory_space<hbm>> -> memref<80xi32, #tpu.memory_space<hbm>>
    tpu.enqueue_dma source(%dma_start3A_13 : memref<80xi32, #tpu.memory_space<hbm>>) target(%arg8 : memref<80xi32, #tpu.memory_space<vmem>>) target_semaphore(%arg21 : memref<!tpu.dma_semaphore, #tpu.memory_space<semaphore_mem>>)
    %dma_start3A_14 = tpu.memref_slice %arg3[%add3A_11] : memref<320000xi32, #tpu.memory_space<hbm>> -> memref<80xi32, #tpu.memory_space<hbm>>
    %dma_start3A_15 = tpu.memref_slice %arg3[%add3A_11] : memref<320000xi32, #tpu.memory_space<hbm>> -> memref<80xi32, #tpu.memory_space<hbm>>
    tpu.enqueue_dma source(%dma_start3A_15 : memref<80xi32, #tpu.memory_space<hbm>>) target(%arg12 : memref<80xi32, #tpu.memory_space<vmem>>) target_semaphore(%arg21 : memref<!tpu.dma_semaphore, #tpu.memory_space<semaphore_mem>>)
    %add3A_16 = arith.constant 160 : i32
    %add3A_17 = arith.addi %mul3A_2, %add3A_16 : i32
    %dma_start3A_18 = tpu.memref_slice %arg2[%add3A_17] : memref<320000xi32, #tpu.memory_space<hbm>> -> memref<80xi32, #tpu.memory_space<hbm>>
    %dma_start3A_19 = tpu.memref_slice %arg2[%add3A_17] : memref<320000xi32, #tpu.memory_space<hbm>> -> memref<80xi32, #tpu.memory_space<hbm>>
    tpu.enqueue_dma source(%dma_start3A_19 : memref<80xi32, #tpu.memory_space<hbm>>) target(%arg9 : memref<80xi32, #tpu.memory_space<vmem>>) target_semaphore(%arg22 : memref<!tpu.dma_semaphore, #tpu.memory_space<semaphore_mem>>)
    %dma_start3A_20 = tpu.memref_slice %arg3[%add3A_17] : memref<320000xi32, #tpu.memory_space<hbm>> -> memref<80xi32, #tpu.memory_space<hbm>>
    %dma_start3A_21 = tpu.memref_slice %arg3[%add3A_17] : memref<320000xi32, #tpu.memory_space<hbm>> -> memref<80xi32, #tpu.memory_space<hbm>>
    tpu.enqueue_dma source(%dma_start3A_21 : memref<80xi32, #tpu.memory_space<hbm>>) target(%arg13 : memref<80xi32, #tpu.memory_space<vmem>>) target_semaphore(%arg22 : memref<!tpu.dma_semaphore, #tpu.memory_space<semaphore_mem>>)
    %dma_wait3A = tpu.memref_slice %arg2[%mul3A_2] : memref<320000xi32, #tpu.memory_space<hbm>> -> memref<80xi32, #tpu.memory_space<hbm>>
    %dma_wait3A_22 = tpu.memref_slice %arg2[%mul3A_2] : memref<320000xi32, #tpu.memory_space<hbm>> -> memref<80xi32, #tpu.memory_space<hbm>>
    tpu.wait_dma2 semaphore(%arg20 : memref<!tpu.dma_semaphore, #tpu.memory_space<semaphore_mem>>) src(%dma_wait3A_22 : memref<80xi32, #tpu.memory_space<hbm>>) dst(%arg7 : memref<80xi32, #tpu.memory_space<vmem>>)
    %dma_wait3A_23 = tpu.memref_slice %arg3[%mul3A_2] : memref<320000xi32, #tpu.memory_space<hbm>> -> memref<80xi32, #tpu.memory_space<hbm>>
    %dma_wait3A_24 = tpu.memref_slice %arg3[%mul3A_2] : memref<320000xi32, #tpu.memory_space<hbm>> -> memref<80xi32, #tpu.memory_space<hbm>>
    tpu.wait_dma2 semaphore(%arg20 : memref<!tpu.dma_semaphore, #tpu.memory_space<semaphore_mem>>) src(%dma_wait3A_24 : memref<80xi32, #tpu.memory_space<hbm>>) dst(%arg11 : memref<80xi32, #tpu.memory_space<vmem>>)
    %dma_start3A_25 = arith.constant 0 : i32
    %dma_start3A_26 = arith.constant 0 : i32
    %dma_start3A_27 = tpu.memref_slice %arg4[%dma_start3A_25, %dma_start3A_26] : memref<10000x128xf32, #tpu.memory_space<hbm>> -> memref<10000x128xf32, #tpu.memory_space<hbm>>
    tpu.enqueue_indirect_dma source(%dma_start3A_27 : memref<10000x128xf32, #tpu.memory_space<hbm>>) target(%arg15 : memref<80x128xf32, #tpu.memory_space<vmem>>) offsets(%arg7 : memref<80xi32, #tpu.memory_space<vmem>>) semaphore(%arg24 : memref<!tpu.dma_semaphore, #tpu.memory_space<semaphore_mem>>)
    %dma_wait3A_28 = tpu.memref_slice %arg2[%mul3A_2] : memref<320000xi32, #tpu.memory_space<hbm>> -> memref<80xi32, #tpu.memory_space<hbm>>
    %dma_wait3A_29 = tpu.memref_slice %arg2[%mul3A_2] : memref<320000xi32, #tpu.memory_space<hbm>> -> memref<80xi32, #tpu.memory_space<hbm>>
    tpu.wait_dma2 semaphore(%arg21 : memref<!tpu.dma_semaphore, #tpu.memory_space<semaphore_mem>>) src(%dma_wait3A_29 : memref<80xi32, #tpu.memory_space<hbm>>) dst(%arg8 : memref<80xi32, #tpu.memory_space<vmem>>)
    %dma_wait3A_30 = tpu.memref_slice %arg3[%mul3A_2] : memref<320000xi32, #tpu.memory_space<hbm>> -> memref<80xi32, #tpu.memory_space<hbm>>
    %dma_wait3A_31 = tpu.memref_slice %arg3[%mul3A_2] : memref<320000xi32, #tpu.memory_space<hbm>> -> memref<80xi32, #tpu.memory_space<hbm>>
    tpu.wait_dma2 semaphore(%arg21 : memref<!tpu.dma_semaphore, #tpu.memory_space<semaphore_mem>>) src(%dma_wait3A_31 : memref<80xi32, #tpu.memory_space<hbm>>) dst(%arg12 : memref<80xi32, #tpu.memory_space<vmem>>)
    %dma_start3A_32 = arith.constant 0 : i32
    %dma_start3A_33 = arith.constant 0 : i32
    %dma_start3A_34 = tpu.memref_slice %arg4[%dma_start3A_32, %dma_start3A_33] : memref<10000x128xf32, #tpu.memory_space<hbm>> -> memref<10000x128xf32, #tpu.memory_space<hbm>>
    tpu.enqueue_indirect_dma source(%dma_start3A_34 : memref<10000x128xf32, #tpu.memory_space<hbm>>) target(%arg16 : memref<80x128xf32, #tpu.memory_space<vmem>>) offsets(%arg8 : memref<80xi32, #tpu.memory_space<vmem>>) semaphore(%arg25 : memref<!tpu.dma_semaphore, #tpu.memory_space<semaphore_mem>>)
    %add3A_35 = arith.constant 240 : i32
    %add3A_36 = arith.addi %mul3A_2, %add3A_35 : i32
    %dma_start3A_37 = tpu.memref_slice %arg2[%add3A_36] : memref<320000xi32, #tpu.memory_space<hbm>> -> memref<80xi32, #tpu.memory_space<hbm>>
    %dma_start3A_38 = tpu.memref_slice %arg2[%add3A_36] : memref<320000xi32, #tpu.memory_space<hbm>> -> memref<80xi32, #tpu.memory_space<hbm>>
    tpu.enqueue_dma source(%dma_start3A_38 : memref<80xi32, #tpu.memory_space<hbm>>) target(%arg10 : memref<80xi32, #tpu.memory_space<vmem>>) target_semaphore(%arg23 : memref<!tpu.dma_semaphore, #tpu.memory_space<semaphore_mem>>)
    %dma_start3A_39 = tpu.memref_slice %arg3[%add3A_36] : memref<320000xi32, #tpu.memory_space<hbm>> -> memref<80xi32, #tpu.memory_space<hbm>>
    %dma_start3A_40 = tpu.memref_slice %arg3[%add3A_36] : memref<320000xi32, #tpu.memory_space<hbm>> -> memref<80xi32, #tpu.memory_space<hbm>>
    tpu.enqueue_dma source(%dma_start3A_40 : memref<80xi32, #tpu.memory_space<hbm>>) target(%arg14 : memref<80xi32, #tpu.memory_space<vmem>>) target_semaphore(%arg23 : memref<!tpu.dma_semaphore, #tpu.memory_space<semaphore_mem>>)
    %dma_wait3A_41 = tpu.memref_slice %arg2[%mul3A_2] : memref<320000xi32, #tpu.memory_space<hbm>> -> memref<80xi32, #tpu.memory_space<hbm>>
    %dma_wait3A_42 = tpu.memref_slice %arg2[%mul3A_2] : memref<320000xi32, #tpu.memory_space<hbm>> -> memref<80xi32, #tpu.memory_space<hbm>>
    tpu.wait_dma2 semaphore(%arg22 : memref<!tpu.dma_semaphore, #tpu.memory_space<semaphore_mem>>) src(%dma_wait3A_42 : memref<80xi32, #tpu.memory_space<hbm>>) dst(%arg9 : memref<80xi32, #tpu.memory_space<vmem>>)
    %dma_wait3A_43 = tpu.memref_slice %arg3[%mul3A_2] : memref<320000xi32, #tpu.memory_space<hbm>> -> memref<80xi32, #tpu.memory_space<hbm>>
    %dma_wait3A_44 = tpu.memref_slice %arg3[%mul3A_2] : memref<320000xi32, #tpu.memory_space<hbm>> -> memref<80xi32, #tpu.memory_space<hbm>>
    tpu.wait_dma2 semaphore(%arg22 : memref<!tpu.dma_semaphore, #tpu.memory_space<semaphore_mem>>) src(%dma_wait3A_44 : memref<80xi32, #tpu.memory_space<hbm>>) dst(%arg13 : memref<80xi32, #tpu.memory_space<vmem>>)
    %dma_start3A_45 = arith.constant 0 : i32
    %dma_start3A_46 = arith.constant 0 : i32
    %dma_start3A_47 = tpu.memref_slice %arg4[%dma_start3A_45, %dma_start3A_46] : memref<10000x128xf32, #tpu.memory_space<hbm>> -> memref<10000x128xf32, #tpu.memory_space<hbm>>
    tpu.enqueue_indirect_dma source(%dma_start3A_47 : memref<10000x128xf32, #tpu.memory_space<hbm>>) target(%arg17 : memref<80x128xf32, #tpu.memory_space<vmem>>) offsets(%arg9 : memref<80xi32, #tpu.memory_space<vmem>>) semaphore(%arg26 : memref<!tpu.dma_semaphore, #tpu.memory_space<semaphore_mem>>)
    %dma_wait3A_48 = arith.constant 0 : i32
    %dma_wait3A_49 = arith.constant 0 : i32
    %dma_wait3A_50 = tpu.memref_slice %arg4[%dma_wait3A_48, %dma_wait3A_49] : memref<10000x128xf32, #tpu.memory_space<hbm>> -> memref<10000x128xf32, #tpu.memory_space<hbm>>
    tpu.wait_indirect_dma semaphore(%arg24 : memref<!tpu.dma_semaphore, #tpu.memory_space<semaphore_mem>>) src(%dma_wait3A_50 : memref<10000x128xf32, #tpu.memory_space<hbm>>) dst(%arg15 : memref<80x128xf32, #tpu.memory_space<vmem>>)
    %dma_start3A_51 = arith.constant 0 : i32
    %dma_start3A_52 = arith.constant 0 : i32
    %dma_start3A_53 = tpu.memref_slice %arg19[%dma_start3A_51, %dma_start3A_52] : memref<10240x128xf32, #tpu.memory_space<vmem_shared>> -> memref<10240x128xf32, #tpu.memory_space<vmem_shared>>
    tpu.enqueue_indirect_dma source(%arg15 : memref<80x128xf32, #tpu.memory_space<vmem>>) target(%dma_start3A_53 : memref<10240x128xf32, #tpu.memory_space<vmem_shared>>) offsets(%arg11 : memref<80xi32, #tpu.memory_space<vmem>>) semaphore(%arg28 : memref<!tpu.dma_semaphore, #tpu.memory_space<semaphore_mem>>) {add = true}
    %dma_wait3A_54 = arith.constant 0 : i32
    %dma_wait3A_55 = arith.constant 0 : i32
    %dma_wait3A_56 = tpu.memref_slice %arg19[%dma_wait3A_54, %dma_wait3A_55] : memref<10240x128xf32, #tpu.memory_space<vmem_shared>> -> memref<10240x128xf32, #tpu.memory_space<vmem_shared>>
    tpu.wait_indirect_dma semaphore(%arg28 : memref<!tpu.dma_semaphore, #tpu.memory_space<semaphore_mem>>) src(%arg15 : memref<80x128xf32, #tpu.memory_space<vmem>>) dst(%dma_wait3A_56 : memref<10240x128xf32, #tpu.memory_space<vmem_shared>>)
    %add3A_57 = arith.constant 320 : i32
    %add3A_58 = arith.addi %mul3A_2, %add3A_57 : i32
    %dma_start3A_59 = tpu.memref_slice %arg2[%add3A_58] : memref<320000xi32, #tpu.memory_space<hbm>> -> memref<80xi32, #tpu.memory_space<hbm>>
    %dma_start3A_60 = tpu.memref_slice %arg2[%add3A_58] : memref<320000xi32, #tpu.memory_space<hbm>> -> memref<80xi32, #tpu.memory_space<hbm>>
    tpu.enqueue_dma source(%dma_start3A_60 : memref<80xi32, #tpu.memory_space<hbm>>) target(%arg7 : memref<80xi32, #tpu.memory_space<vmem>>) target_semaphore(%arg20 : memref<!tpu.dma_semaphore, #tpu.memory_space<semaphore_mem>>)
    %dma_start3A_61 = tpu.memref_slice %arg3[%add3A_58] : memref<320000xi32, #tpu.memory_space<hbm>> -> memref<80xi32, #tpu.memory_space<hbm>>
    %dma_start3A_62 = tpu.memref_slice %arg3[%add3A_58] : memref<320000xi32, #tpu.memory_space<hbm>> -> memref<80xi32, #tpu.memory_space<hbm>>
    tpu.enqueue_dma source(%dma_start3A_62 : memref<80xi32, #tpu.memory_space<hbm>>) target(%arg11 : memref<80xi32, #tpu.memory_space<vmem>>) target_semaphore(%arg20 : memref<!tpu.dma_semaphore, #tpu.memory_space<semaphore_mem>>)
    %dma_wait3A_63 = tpu.memref_slice %arg2[%mul3A_2] : memref<320000xi32, #tpu.memory_space<hbm>> -> memref<80xi32, #tpu.memory_space<hbm>>
    %dma_wait3A_64 = tpu.memref_slice %arg2[%mul3A_2] : memref<320000xi32, #tpu.memory_space<hbm>> -> memref<80xi32, #tpu.memory_space<hbm>>
    tpu.wait_dma2 semaphore(%arg23 : memref<!tpu.dma_semaphore, #tpu.memory_space<semaphore_mem>>) src(%dma_wait3A_64 : memref<80xi32, #tpu.memory_space<hbm>>) dst(%arg10 : memref<80xi32, #tpu.memory_space<vmem>>)
    %dma_wait3A_65 = tpu.memref_slice %arg3[%mul3A_2] : memref<320000xi32, #tpu.memory_space<hbm>> -> memref<80xi32, #tpu.memory_space<hbm>>
    %dma_wait3A_66 = tpu.memref_slice %arg3[%mul3A_2] : memref<320000xi32, #tpu.memory_space<hbm>> -> memref<80xi32, #tpu.memory_space<hbm>>
    tpu.wait_dma2 semaphore(%arg23 : memref<!tpu.dma_semaphore, #tpu.memory_space<semaphore_mem>>) src(%dma_wait3A_66 : memref<80xi32, #tpu.memory_space<hbm>>) dst(%arg14 : memref<80xi32, #tpu.memory_space<vmem>>)
    %dma_start3A_67 = arith.constant 0 : i32
    %dma_start3A_68 = arith.constant 0 : i32
    %dma_start3A_69 = tpu.memref_slice %arg4[%dma_start3A_67, %dma_start3A_68] : memref<10000x128xf32, #tpu.memory_space<hbm>> -> memref<10000x128xf32, #tpu.memory_space<hbm>>
    tpu.enqueue_indirect_dma source(%dma_start3A_69 : memref<10000x128xf32, #tpu.memory_space<hbm>>) target(%arg18 : memref<80x128xf32, #tpu.memory_space<vmem>>) offsets(%arg10 : memref<80xi32, #tpu.memory_space<vmem>>) semaphore(%arg27 : memref<!tpu.dma_semaphore, #tpu.memory_space<semaphore_mem>>)
    %dma_wait3A_70 = arith.constant 0 : i32
    %dma_wait3A_71 = arith.constant 0 : i32
    %dma_wait3A_72 = tpu.memref_slice %arg4[%dma_wait3A_70, %dma_wait3A_71] : memref<10000x128xf32, #tpu.memory_space<hbm>> -> memref<10000x128xf32, #tpu.memory_space<hbm>>
    tpu.wait_indirect_dma semaphore(%arg25 : memref<!tpu.dma_semaphore, #tpu.memory_space<semaphore_mem>>) src(%dma_wait3A_72 : memref<10000x128xf32, #tpu.memory_space<hbm>>) dst(%arg16 : memref<80x128xf32, #tpu.memory_space<vmem>>)
    %dma_start3A_73 = arith.constant 0 : i32
    %dma_start3A_74 = arith.constant 0 : i32
    %dma_start3A_75 = tpu.memref_slice %arg19[%dma_start3A_73, %dma_start3A_74] : memref<10240x128xf32, #tpu.memory_space<vmem_shared>> -> memref<10240x128xf32, #tpu.memory_space<vmem_shared>>
    tpu.enqueue_indirect_dma source(%arg16 : memref<80x128xf32, #tpu.memory_space<vmem>>) target(%dma_start3A_75 : memref<10240x128xf32, #tpu.memory_space<vmem_shared>>) offsets(%arg12 : memref<80xi32, #tpu.memory_space<vmem>>) semaphore(%arg29 : memref<!tpu.dma_semaphore, #tpu.memory_space<semaphore_mem>>) {add = true}
    %dma_wait3A_76 = arith.constant 0 : i32
    %dma_wait3A_77 = arith.constant 0 : i32
    %dma_wait3A_78 = tpu.memref_slice %arg19[%dma_wait3A_76, %dma_wait3A_77] : memref<10240x128xf32, #tpu.memory_space<vmem_shared>> -> memref<10240x128xf32, #tpu.memory_space<vmem_shared>>
    tpu.wait_indirect_dma semaphore(%arg29 : memref<!tpu.dma_semaphore, #tpu.memory_space<semaphore_mem>>) src(%arg16 : memref<80x128xf32, #tpu.memory_space<vmem>>) dst(%dma_wait3A_78 : memref<10240x128xf32, #tpu.memory_space<vmem_shared>>)
    %add3A_79 = arith.constant 400 : i32
    %add3A_80 = arith.addi %mul3A_2, %add3A_79 : i32
    %dma_start3A_81 = tpu.memref_slice %arg2[%add3A_80] : memref<320000xi32, #tpu.memory_space<hbm>> -> memref<80xi32, #tpu.memory_space<hbm>>
    %dma_start3A_82 = tpu.memref_slice %arg2[%add3A_80] : memref<320000xi32, #tpu.memory_space<hbm>> -> memref<80xi32, #tpu.memory_space<hbm>>
    tpu.enqueue_dma source(%dma_start3A_82 : memref<80xi32, #tpu.memory_space<hbm>>) target(%arg8 : memref<80xi32, #tpu.memory_space<vmem>>) target_semaphore(%arg21 : memref<!tpu.dma_semaphore, #tpu.memory_space<semaphore_mem>>)
    %dma_start3A_83 = tpu.memref_slice %arg3[%add3A_80] : memref<320000xi32, #tpu.memory_space<hbm>> -> memref<80xi32, #tpu.memory_space<hbm>>
    %dma_start3A_84 = tpu.memref_slice %arg3[%add3A_80] : memref<320000xi32, #tpu.memory_space<hbm>> -> memref<80xi32, #tpu.memory_space<hbm>>
    tpu.enqueue_dma source(%dma_start3A_84 : memref<80xi32, #tpu.memory_space<hbm>>) target(%arg12 : memref<80xi32, #tpu.memory_space<vmem>>) target_semaphore(%arg21 : memref<!tpu.dma_semaphore, #tpu.memory_space<semaphore_mem>>)
    %dma_wait3A_85 = tpu.memref_slice %arg2[%mul3A_2] : memref<320000xi32, #tpu.memory_space<hbm>> -> memref<80xi32, #tpu.memory_space<hbm>>
    %dma_wait3A_86 = tpu.memref_slice %arg2[%mul3A_2] : memref<320000xi32, #tpu.memory_space<hbm>> -> memref<80xi32, #tpu.memory_space<hbm>>
    tpu.wait_dma2 semaphore(%arg20 : memref<!tpu.dma_semaphore, #tpu.memory_space<semaphore_mem>>) src(%dma_wait3A_86 : memref<80xi32, #tpu.memory_space<hbm>>) dst(%arg7 : memref<80xi32, #tpu.memory_space<vmem>>)
    %dma_wait3A_87 = tpu.memref_slice %arg3[%mul3A_2] : memref<320000xi32, #tpu.memory_space<hbm>> -> memref<80xi32, #tpu.memory_space<hbm>>
    %dma_wait3A_88 = tpu.memref_slice %arg3[%mul3A_2] : memref<320000xi32, #tpu.memory_space<hbm>> -> memref<80xi32, #tpu.memory_space<hbm>>
    tpu.wait_dma2 semaphore(%arg20 : memref<!tpu.dma_semaphore, #tpu.memory_space<semaphore_mem>>) src(%dma_wait3A_88 : memref<80xi32, #tpu.memory_space<hbm>>) dst(%arg11 : memref<80xi32, #tpu.memory_space<vmem>>)
    %dma_start3A_89 = arith.constant 0 : i32
    %dma_start3A_90 = arith.constant 0 : i32
    %dma_start3A_91 = tpu.memref_slice %arg4[%dma_start3A_89, %dma_start3A_90] : memref<10000x128xf32, #tpu.memory_space<hbm>> -> memref<10000x128xf32, #tpu.memory_space<hbm>>
    tpu.enqueue_indirect_dma source(%dma_start3A_91 : memref<10000x128xf32, #tpu.memory_space<hbm>>) target(%arg15 : memref<80x128xf32, #tpu.memory_space<vmem>>) offsets(%arg7 : memref<80xi32, #tpu.memory_space<vmem>>) semaphore(%arg24 : memref<!tpu.dma_semaphore, #tpu.memory_space<semaphore_mem>>)
    %dma_wait3A_92 = arith.constant 0 : i32
    %dma_wait3A_93 = arith.constant 0 : i32
    %dma_wait3A_94 = tpu.memref_slice %arg4[%dma_wait3A_92, %dma_wait3A_93] : memref<10000x128xf32, #tpu.memory_space<hbm>> -> memref<10000x128xf32, #tpu.memory_space<hbm>>
    tpu.wait_indirect_dma semaphore(%arg26 : memref<!tpu.dma_semaphore, #tpu.memory_space<semaphore_mem>>) src(%dma_wait3A_94 : memref<10000x128xf32, #tpu.memory_space<hbm>>) dst(%arg17 : memref<80x128xf32, #tpu.memory_space<vmem>>)
    %dma_start3A_95 = arith.constant 0 : i32
    %dma_start3A_96 = arith.constant 0 : i32
    %dma_start3A_97 = tpu.memref_slice %arg19[%dma_start3A_95, %dma_start3A_96] : memref<10240x128xf32, #tpu.memory_space<vmem_shared>> -> memref<10240x128xf32, #tpu.memory_space<vmem_shared>>
    tpu.enqueue_indirect_dma source(%arg17 : memref<80x128xf32, #tpu.memory_space<vmem>>) target(%dma_start3A_97 : memref<10240x128xf32, #tpu.memory_space<vmem_shared>>) offsets(%arg13 : memref<80xi32, #tpu.memory_space<vmem>>) semaphore(%arg30 : memref<!tpu.dma_semaphore, #tpu.memory_space<semaphore_mem>>) {add = true}
    %scan3A = arith.constant 0 : i32
    %scan3A_98 = arith.constant 29 : i32
    %scan3A_99 = arith.addi %scan3A, %scan3A_98 : i32
    %scan3A_100 = arith.constant 1 : i32
    scf.for %scan3A_209 = %scan3A to %scan3A_99 step %scan3A_100  : i32 {
      %mul3A_210 = arith.constant 1 : i32
      %mul3A_211 = arith.muli %scan3A_209, %mul3A_210 : i32
      %add3A_212 = arith.constant 0 : i32
      %add3A_213 = arith.addi %add3A_212, %mul3A_211 : i32
      %mul3A_214 = arith.constant 4 : i32
      %mul3A_215 = arith.muli %mul3A_214, %add3A_213 : i32
      %add3A_216 = arith.constant 3 : i32
      %add3A_217 = arith.addi %add3A_216, %mul3A_215 : i32
      %add3A_218 = arith.constant 0 : i32
      %add3A_219 = arith.addi %add3A_217, %add3A_218 : i32
      %dma_wait3A_220 = arith.constant 0 : i32
      %dma_wait3A_221 = arith.constant 0 : i32
      %dma_wait3A_222 = tpu.memref_slice %arg19[%dma_wait3A_220, %dma_wait3A_221] : memref<10240x128xf32, #tpu.memory_space<vmem_shared>> -> memref<10240x128xf32, #tpu.memory_space<vmem_shared>>
      tpu.wait_indirect_dma semaphore(%arg30 : memref<!tpu.dma_semaphore, #tpu.memory_space<semaphore_mem>>) src(%arg17 : memref<80x128xf32, #tpu.memory_space<vmem>>) dst(%dma_wait3A_222 : memref<10240x128xf32, #tpu.memory_space<vmem_shared>>)
      %add3A_223 = arith.constant 3 : i32
      %add3A_224 = arith.addi %add3A_219, %add3A_223 : i32
      %mul3A_225 = arith.constant 80 : i32
      %mul3A_226 = arith.muli %add3A_224, %mul3A_225 : i32
      %add3A_227 = arith.addi %mul3A_2, %mul3A_226 : i32
      %dma_start3A_228 = tpu.memref_slice %arg2[%add3A_227] : memref<320000xi32, #tpu.memory_space<hbm>> -> memref<80xi32, #tpu.memory_space<hbm>>
      %dma_start3A_229 = tpu.memref_slice %arg2[%add3A_227] : memref<320000xi32, #tpu.memory_space<hbm>> -> memref<80xi32, #tpu.memory_space<hbm>>
      tpu.enqueue_dma source(%dma_start3A_229 : memref<80xi32, #tpu.memory_space<hbm>>) target(%arg9 : memref<80xi32, #tpu.memory_space<vmem>>) target_semaphore(%arg22 : memref<!tpu.dma_semaphore, #tpu.memory_space<semaphore_mem>>)
      %dma_start3A_230 = tpu.memref_slice %arg3[%add3A_227] : memref<320000xi32, #tpu.memory_space<hbm>> -> memref<80xi32, #tpu.memory_space<hbm>>
      %dma_start3A_231 = tpu.memref_slice %arg3[%add3A_227] : memref<320000xi32, #tpu.memory_space<hbm>> -> memref<80xi32, #tpu.memory_space<hbm>>
      tpu.enqueue_dma source(%dma_start3A_231 : memref<80xi32, #tpu.memory_space<hbm>>) target(%arg13 : memref<80xi32, #tpu.memory_space<vmem>>) target_semaphore(%arg22 : memref<!tpu.dma_semaphore, #tpu.memory_space<semaphore_mem>>)
      %dma_wait3A_232 = tpu.memref_slice %arg2[%mul3A_2] : memref<320000xi32, #tpu.memory_space<hbm>> -> memref<80xi32, #tpu.memory_space<hbm>>
      %dma_wait3A_233 = tpu.memref_slice %arg2[%mul3A_2] : memref<320000xi32, #tpu.memory_space<hbm>> -> memref<80xi32, #tpu.memory_space<hbm>>
      tpu.wait_dma2 semaphore(%arg21 : memref<!tpu.dma_semaphore, #tpu.memory_space<semaphore_mem>>) src(%dma_wait3A_233 : memref<80xi32, #tpu.memory_space<hbm>>) dst(%arg8 : memref<80xi32, #tpu.memory_space<vmem>>)
      %dma_wait3A_234 = tpu.memref_slice %arg3[%mul3A_2] : memref<320000xi32, #tpu.memory_space<hbm>> -> memref<80xi32, #tpu.memory_space<hbm>>
      %dma_wait3A_235 = tpu.memref_slice %arg3[%mul3A_2] : memref<320000xi32, #tpu.memory_space<hbm>> -> memref<80xi32, #tpu.memory_space<hbm>>
      tpu.wait_dma2 semaphore(%arg21 : memref<!tpu.dma_semaphore, #tpu.memory_space<semaphore_mem>>) src(%dma_wait3A_235 : memref<80xi32, #tpu.memory_space<hbm>>) dst(%arg12 : memref<80xi32, #tpu.memory_space<vmem>>)
      %dma_start3A_236 = arith.constant 0 : i32
      %dma_start3A_237 = arith.constant 0 : i32
      %dma_start3A_238 = tpu.memref_slice %arg4[%dma_start3A_236, %dma_start3A_237] : memref<10000x128xf32, #tpu.memory_space<hbm>> -> memref<10000x128xf32, #tpu.memory_space<hbm>>
      tpu.enqueue_indirect_dma source(%dma_start3A_238 : memref<10000x128xf32, #tpu.memory_space<hbm>>) target(%arg16 : memref<80x128xf32, #tpu.memory_space<vmem>>) offsets(%arg8 : memref<80xi32, #tpu.memory_space<vmem>>) semaphore(%arg25 : memref<!tpu.dma_semaphore, #tpu.memory_space<semaphore_mem>>)
      %dma_wait3A_239 = arith.constant 0 : i32
      %dma_wait3A_240 = arith.constant 0 : i32
      %dma_wait3A_241 = tpu.memref_slice %arg4[%dma_wait3A_239, %dma_wait3A_240] : memref<10000x128xf32, #tpu.memory_space<hbm>> -> memref<10000x128xf32, #tpu.memory_space<hbm>>
      tpu.wait_indirect_dma semaphore(%arg27 : memref<!tpu.dma_semaphore, #tpu.memory_space<semaphore_mem>>) src(%dma_wait3A_241 : memref<10000x128xf32, #tpu.memory_space<hbm>>) dst(%arg18 : memref<80x128xf32, #tpu.memory_space<vmem>>)
      %dma_start3A_242 = arith.constant 0 : i32
      %dma_start3A_243 = arith.constant 0 : i32
      %dma_start3A_244 = tpu.memref_slice %arg19[%dma_start3A_242, %dma_start3A_243] : memref<10240x128xf32, #tpu.memory_space<vmem_shared>> -> memref<10240x128xf32, #tpu.memory_space<vmem_shared>>
      tpu.enqueue_indirect_dma source(%arg18 : memref<80x128xf32, #tpu.memory_space<vmem>>) target(%dma_start3A_244 : memref<10240x128xf32, #tpu.memory_space<vmem_shared>>) offsets(%arg14 : memref<80xi32, #tpu.memory_space<vmem>>) semaphore(%arg31 : memref<!tpu.dma_semaphore, #tpu.memory_space<semaphore_mem>>) {add = true}
      %add3A_245 = arith.constant 1 : i32
      %add3A_246 = arith.addi %add3A_217, %add3A_245 : i32
      %dma_wait3A_247 = arith.constant 0 : i32
      %dma_wait3A_248 = arith.constant 0 : i32
      %dma_wait3A_249 = tpu.memref_slice %arg19[%dma_wait3A_247, %dma_wait3A_248] : memref<10240x128xf32, #tpu.memory_space<vmem_shared>> -> memref<10240x128xf32, #tpu.memory_space<vmem_shared>>
      tpu.wait_indirect_dma semaphore(%arg31 : memref<!tpu.dma_semaphore, #tpu.memory_space<semaphore_mem>>) src(%arg18 : memref<80x128xf32, #tpu.memory_space<vmem>>) dst(%dma_wait3A_249 : memref<10240x128xf32, #tpu.memory_space<vmem_shared>>)
      %add3A_250 = arith.constant 3 : i32
      %add3A_251 = arith.addi %add3A_246, %add3A_250 : i32
      %mul3A_252 = arith.constant 80 : i32
      %mul3A_253 = arith.muli %add3A_251, %mul3A_252 : i32
      %add3A_254 = arith.addi %mul3A_2, %mul3A_253 : i32
      %dma_start3A_255 = tpu.memref_slice %arg2[%add3A_254] : memref<320000xi32, #tpu.memory_space<hbm>> -> memref<80xi32, #tpu.memory_space<hbm>>
      %dma_start3A_256 = tpu.memref_slice %arg2[%add3A_254] : memref<320000xi32, #tpu.memory_space<hbm>> -> memref<80xi32, #tpu.memory_space<hbm>>
      tpu.enqueue_dma source(%dma_start3A_256 : memref<80xi32, #tpu.memory_space<hbm>>) target(%arg10 : memref<80xi32, #tpu.memory_space<vmem>>) target_semaphore(%arg23 : memref<!tpu.dma_semaphore, #tpu.memory_space<semaphore_mem>>)
      %dma_start3A_257 = tpu.memref_slice %arg3[%add3A_254] : memref<320000xi32, #tpu.memory_space<hbm>> -> memref<80xi32, #tpu.memory_space<hbm>>
      %dma_start3A_258 = tpu.memref_slice %arg3[%add3A_254] : memref<320000xi32, #tpu.memory_space<hbm>> -> memref<80xi32, #tpu.memory_space<hbm>>
      tpu.enqueue_dma source(%dma_start3A_258 : memref<80xi32, #tpu.memory_space<hbm>>) target(%arg14 : memref<80xi32, #tpu.memory_space<vmem>>) target_semaphore(%arg23 : memref<!tpu.dma_semaphore, #tpu.memory_space<semaphore_mem>>)
      %dma_wait3A_259 = tpu.memref_slice %arg2[%mul3A_2] : memref<320000xi32, #tpu.memory_space<hbm>> -> memref<80xi32, #tpu.memory_space<hbm>>
      %dma_wait3A_260 = tpu.memref_slice %arg2[%mul3A_2] : memref<320000xi32, #tpu.memory_space<hbm>> -> memref<80xi32, #tpu.memory_space<hbm>>
      tpu.wait_dma2 semaphore(%arg22 : memref<!tpu.dma_semaphore, #tpu.memory_space<semaphore_mem>>) src(%dma_wait3A_260 : memref<80xi32, #tpu.memory_space<hbm>>) dst(%arg9 : memref<80xi32, #tpu.memory_space<vmem>>)
      %dma_wait3A_261 = tpu.memref_slice %arg3[%mul3A_2] : memref<320000xi32, #tpu.memory_space<hbm>> -> memref<80xi32, #tpu.memory_space<hbm>>
      %dma_wait3A_262 = tpu.memref_slice %arg3[%mul3A_2] : memref<320000xi32, #tpu.memory_space<hbm>> -> memref<80xi32, #tpu.memory_space<hbm>>
      tpu.wait_dma2 semaphore(%arg22 : memref<!tpu.dma_semaphore, #tpu.memory_space<semaphore_mem>>) src(%dma_wait3A_262 : memref<80xi32, #tpu.memory_space<hbm>>) dst(%arg13 : memref<80xi32, #tpu.memory_space<vmem>>)
      %dma_start3A_263 = arith.constant 0 : i32
      %dma_start3A_264 = arith.constant 0 : i32
      %dma_start3A_265 = tpu.memref_slice %arg4[%dma_start3A_263, %dma_start3A_264] : memref<10000x128xf32, #tpu.memory_space<hbm>> -> memref<10000x128xf32, #tpu.memory_space<hbm>>
      tpu.enqueue_indirect_dma source(%dma_start3A_265 : memref<10000x128xf32, #tpu.memory_space<hbm>>) target(%arg17 : memref<80x128xf32, #tpu.memory_space<vmem>>) offsets(%arg9 : memref<80xi32, #tpu.memory_space<vmem>>) semaphore(%arg26 : memref<!tpu.dma_semaphore, #tpu.memory_space<semaphore_mem>>)
      %dma_wait3A_266 = arith.constant 0 : i32
      %dma_wait3A_267 = arith.constant 0 : i32
      %dma_wait3A_268 = tpu.memref_slice %arg4[%dma_wait3A_266, %dma_wait3A_267] : memref<10000x128xf32, #tpu.memory_space<hbm>> -> memref<10000x128xf32, #tpu.memory_space<hbm>>
      tpu.wait_indirect_dma semaphore(%arg24 : memref<!tpu.dma_semaphore, #tpu.memory_space<semaphore_mem>>) src(%dma_wait3A_268 : memref<10000x128xf32, #tpu.memory_space<hbm>>) dst(%arg15 : memref<80x128xf32, #tpu.memory_space<vmem>>)
      %dma_start3A_269 = arith.constant 0 : i32
      %dma_start3A_270 = arith.constant 0 : i32
      %dma_start3A_271 = tpu.memref_slice %arg19[%dma_start3A_269, %dma_start3A_270] : memref<10240x128xf32, #tpu.memory_space<vmem_shared>> -> memref<10240x128xf32, #tpu.memory_space<vmem_shared>>
      tpu.enqueue_indirect_dma source(%arg15 : memref<80x128xf32, #tpu.memory_space<vmem>>) target(%dma_start3A_271 : memref<10240x128xf32, #tpu.memory_space<vmem_shared>>) offsets(%arg11 : memref<80xi32, #tpu.memory_space<vmem>>) semaphore(%arg28 : memref<!tpu.dma_semaphore, #tpu.memory_space<semaphore_mem>>) {add = true}
      %add3A_272 = arith.constant 2 : i32
      %add3A_273 = arith.addi %add3A_217, %add3A_272 : i32
      %dma_wait3A_274 = arith.constant 0 : i32
      %dma_wait3A_275 = arith.constant 0 : i32
      %dma_wait3A_276 = tpu.memref_slice %arg19[%dma_wait3A_274, %dma_wait3A_275] : memref<10240x128xf32, #tpu.memory_space<vmem_shared>> -> memref<10240x128xf32, #tpu.memory_space<vmem_shared>>
      tpu.wait_indirect_dma semaphore(%arg28 : memref<!tpu.dma_semaphore, #tpu.memory_space<semaphore_mem>>) src(%arg15 : memref<80x128xf32, #tpu.memory_space<vmem>>) dst(%dma_wait3A_276 : memref<10240x128xf32, #tpu.memory_space<vmem_shared>>)
      %add3A_277 = arith.constant 3 : i32
      %add3A_278 = arith.addi %add3A_273, %add3A_277 : i32
      %mul3A_279 = arith.constant 80 : i32
      %mul3A_280 = arith.muli %add3A_278, %mul3A_279 : i32
      %add3A_281 = arith.addi %mul3A_2, %mul3A_280 : i32
      %dma_start3A_282 = tpu.memref_slice %arg2[%add3A_281] : memref<320000xi32, #tpu.memory_space<hbm>> -> memref<80xi32, #tpu.memory_space<hbm>>
      %dma_start3A_283 = tpu.memref_slice %arg2[%add3A_281] : memref<320000xi32, #tpu.memory_space<hbm>> -> memref<80xi32, #tpu.memory_space<hbm>>
      tpu.enqueue_dma source(%dma_start3A_283 : memref<80xi32, #tpu.memory_space<hbm>>) target(%arg7 : memref<80xi32, #tpu.memory_space<vmem>>) target_semaphore(%arg20 : memref<!tpu.dma_semaphore, #tpu.memory_space<semaphore_mem>>)
      %dma_start3A_284 = tpu.memref_slice %arg3[%add3A_281] : memref<320000xi32, #tpu.memory_space<hbm>> -> memref<80xi32, #tpu.memory_space<hbm>>
      %dma_start3A_285 = tpu.memref_slice %arg3[%add3A_281] : memref<320000xi32, #tpu.memory_space<hbm>> -> memref<80xi32, #tpu.memory_space<hbm>>
      tpu.enqueue_dma source(%dma_start3A_285 : memref<80xi32, #tpu.memory_space<hbm>>) target(%arg11 : memref<80xi32, #tpu.memory_space<vmem>>) target_semaphore(%arg20 : memref<!tpu.dma_semaphore, #tpu.memory_space<semaphore_mem>>)
      %dma_wait3A_286 = tpu.memref_slice %arg2[%mul3A_2] : memref<320000xi32, #tpu.memory_space<hbm>> -> memref<80xi32, #tpu.memory_space<hbm>>
      %dma_wait3A_287 = tpu.memref_slice %arg2[%mul3A_2] : memref<320000xi32, #tpu.memory_space<hbm>> -> memref<80xi32, #tpu.memory_space<hbm>>
      tpu.wait_dma2 semaphore(%arg23 : memref<!tpu.dma_semaphore, #tpu.memory_space<semaphore_mem>>) src(%dma_wait3A_287 : memref<80xi32, #tpu.memory_space<hbm>>) dst(%arg10 : memref<80xi32, #tpu.memory_space<vmem>>)
      %dma_wait3A_288 = tpu.memref_slice %arg3[%mul3A_2] : memref<320000xi32, #tpu.memory_space<hbm>> -> memref<80xi32, #tpu.memory_space<hbm>>
      %dma_wait3A_289 = tpu.memref_slice %arg3[%mul3A_2] : memref<320000xi32, #tpu.memory_space<hbm>> -> memref<80xi32, #tpu.memory_space<hbm>>
      tpu.wait_dma2 semaphore(%arg23 : memref<!tpu.dma_semaphore, #tpu.memory_space<semaphore_mem>>) src(%dma_wait3A_289 : memref<80xi32, #tpu.memory_space<hbm>>) dst(%arg14 : memref<80xi32, #tpu.memory_space<vmem>>)
      %dma_start3A_290 = arith.constant 0 : i32
      %dma_start3A_291 = arith.constant 0 : i32
      %dma_start3A_292 = tpu.memref_slice %arg4[%dma_start3A_290, %dma_start3A_291] : memref<10000x128xf32, #tpu.memory_space<hbm>> -> memref<10000x128xf32, #tpu.memory_space<hbm>>
      tpu.enqueue_indirect_dma source(%dma_start3A_292 : memref<10000x128xf32, #tpu.memory_space<hbm>>) target(%arg18 : memref<80x128xf32, #tpu.memory_space<vmem>>) offsets(%arg10 : memref<80xi32, #tpu.memory_space<vmem>>) semaphore(%arg27 : memref<!tpu.dma_semaphore, #tpu.memory_space<semaphore_mem>>)
      %dma_wait3A_293 = arith.constant 0 : i32
      %dma_wait3A_294 = arith.constant 0 : i32
      %dma_wait3A_295 = tpu.memref_slice %arg4[%dma_wait3A_293, %dma_wait3A_294] : memref<10000x128xf32, #tpu.memory_space<hbm>> -> memref<10000x128xf32, #tpu.memory_space<hbm>>
      tpu.wait_indirect_dma semaphore(%arg25 : memref<!tpu.dma_semaphore, #tpu.memory_space<semaphore_mem>>) src(%dma_wait3A_295 : memref<10000x128xf32, #tpu.memory_space<hbm>>) dst(%arg16 : memref<80x128xf32, #tpu.memory_space<vmem>>)
      %dma_start3A_296 = arith.constant 0 : i32
      %dma_start3A_297 = arith.constant 0 : i32
      %dma_start3A_298 = tpu.memref_slice %arg19[%dma_start3A_296, %dma_start3A_297] : memref<10240x128xf32, #tpu.memory_space<vmem_shared>> -> memref<10240x128xf32, #tpu.memory_space<vmem_shared>>
      tpu.enqueue_indirect_dma source(%arg16 : memref<80x128xf32, #tpu.memory_space<vmem>>) target(%dma_start3A_298 : memref<10240x128xf32, #tpu.memory_space<vmem_shared>>) offsets(%arg12 : memref<80xi32, #tpu.memory_space<vmem>>) semaphore(%arg29 : memref<!tpu.dma_semaphore, #tpu.memory_space<semaphore_mem>>) {add = true}
      %add3A_299 = arith.constant 3 : i32
      %add3A_300 = arith.addi %add3A_217, %add3A_299 : i32
      %dma_wait3A_301 = arith.constant 0 : i32
      %dma_wait3A_302 = arith.constant 0 : i32
      %dma_wait3A_303 = tpu.memref_slice %arg19[%dma_wait3A_301, %dma_wait3A_302] : memref<10240x128xf32, #tpu.memory_space<vmem_shared>> -> memref<10240x128xf32, #tpu.memory_space<vmem_shared>>
      tpu.wait_indirect_dma semaphore(%arg29 : memref<!tpu.dma_semaphore, #tpu.memory_space<semaphore_mem>>) src(%arg16 : memref<80x128xf32, #tpu.memory_space<vmem>>) dst(%dma_wait3A_303 : memref<10240x128xf32, #tpu.memory_space<vmem_shared>>)
      %add3A_304 = arith.constant 3 : i32
      %add3A_305 = arith.addi %add3A_300, %add3A_304 : i32
      %mul3A_306 = arith.constant 80 : i32
      %mul3A_307 = arith.muli %add3A_305, %mul3A_306 : i32
      %add3A_308 = arith.addi %mul3A_2, %mul3A_307 : i32
      %dma_start3A_309 = tpu.memref_slice %arg2[%add3A_308] : memref<320000xi32, #tpu.memory_space<hbm>> -> memref<80xi32, #tpu.memory_space<hbm>>
      %dma_start3A_310 = tpu.memref_slice %arg2[%add3A_308] : memref<320000xi32, #tpu.memory_space<hbm>> -> memref<80xi32, #tpu.memory_space<hbm>>
      tpu.enqueue_dma source(%dma_start3A_310 : memref<80xi32, #tpu.memory_space<hbm>>) target(%arg8 : memref<80xi32, #tpu.memory_space<vmem>>) target_semaphore(%arg21 : memref<!tpu.dma_semaphore, #tpu.memory_space<semaphore_mem>>)
      %dma_start3A_311 = tpu.memref_slice %arg3[%add3A_308] : memref<320000xi32, #tpu.memory_space<hbm>> -> memref<80xi32, #tpu.memory_space<hbm>>
      %dma_start3A_312 = tpu.memref_slice %arg3[%add3A_308] : memref<320000xi32, #tpu.memory_space<hbm>> -> memref<80xi32, #tpu.memory_space<hbm>>
      tpu.enqueue_dma source(%dma_start3A_312 : memref<80xi32, #tpu.memory_space<hbm>>) target(%arg12 : memref<80xi32, #tpu.memory_space<vmem>>) target_semaphore(%arg21 : memref<!tpu.dma_semaphore, #tpu.memory_space<semaphore_mem>>)
      %dma_wait3A_313 = tpu.memref_slice %arg2[%mul3A_2] : memref<320000xi32, #tpu.memory_space<hbm>> -> memref<80xi32, #tpu.memory_space<hbm>>
      %dma_wait3A_314 = tpu.memref_slice %arg2[%mul3A_2] : memref<320000xi32, #tpu.memory_space<hbm>> -> memref<80xi32, #tpu.memory_space<hbm>>
      tpu.wait_dma2 semaphore(%arg20 : memref<!tpu.dma_semaphore, #tpu.memory_space<semaphore_mem>>) src(%dma_wait3A_314 : memref<80xi32, #tpu.memory_space<hbm>>) dst(%arg7 : memref<80xi32, #tpu.memory_space<vmem>>)
      %dma_wait3A_315 = tpu.memref_slice %arg3[%mul3A_2] : memref<320000xi32, #tpu.memory_space<hbm>> -> memref<80xi32, #tpu.memory_space<hbm>>
      %dma_wait3A_316 = tpu.memref_slice %arg3[%mul3A_2] : memref<320000xi32, #tpu.memory_space<hbm>> -> memref<80xi32, #tpu.memory_space<hbm>>
      tpu.wait_dma2 semaphore(%arg20 : memref<!tpu.dma_semaphore, #tpu.memory_space<semaphore_mem>>) src(%dma_wait3A_316 : memref<80xi32, #tpu.memory_space<hbm>>) dst(%arg11 : memref<80xi32, #tpu.memory_space<vmem>>)
      %dma_start3A_317 = arith.constant 0 : i32
      %dma_start3A_318 = arith.constant 0 : i32
      %dma_start3A_319 = tpu.memref_slice %arg4[%dma_start3A_317, %dma_start3A_318] : memref<10000x128xf32, #tpu.memory_space<hbm>> -> memref<10000x128xf32, #tpu.memory_space<hbm>>
      tpu.enqueue_indirect_dma source(%dma_start3A_319 : memref<10000x128xf32, #tpu.memory_space<hbm>>) target(%arg15 : memref<80x128xf32, #tpu.memory_space<vmem>>) offsets(%arg7 : memref<80xi32, #tpu.memory_space<vmem>>) semaphore(%arg24 : memref<!tpu.dma_semaphore, #tpu.memory_space<semaphore_mem>>)
      %dma_wait3A_320 = arith.constant 0 : i32
      %dma_wait3A_321 = arith.constant 0 : i32
      %dma_wait3A_322 = tpu.memref_slice %arg4[%dma_wait3A_320, %dma_wait3A_321] : memref<10000x128xf32, #tpu.memory_space<hbm>> -> memref<10000x128xf32, #tpu.memory_space<hbm>>
      tpu.wait_indirect_dma semaphore(%arg26 : memref<!tpu.dma_semaphore, #tpu.memory_space<semaphore_mem>>) src(%dma_wait3A_322 : memref<10000x128xf32, #tpu.memory_space<hbm>>) dst(%arg17 : memref<80x128xf32, #tpu.memory_space<vmem>>)
      %dma_start3A_323 = arith.constant 0 : i32
      %dma_start3A_324 = arith.constant 0 : i32
      %dma_start3A_325 = tpu.memref_slice %arg19[%dma_start3A_323, %dma_start3A_324] : memref<10240x128xf32, #tpu.memory_space<vmem_shared>> -> memref<10240x128xf32, #tpu.memory_space<vmem_shared>>
      tpu.enqueue_indirect_dma source(%arg17 : memref<80x128xf32, #tpu.memory_space<vmem>>) target(%dma_start3A_325 : memref<10240x128xf32, #tpu.memory_space<vmem_shared>>) offsets(%arg13 : memref<80xi32, #tpu.memory_space<vmem>>) semaphore(%arg30 : memref<!tpu.dma_semaphore, #tpu.memory_space<semaphore_mem>>) {add = true}
    }
    %scan3A_101 = arith.constant 29 : i32
    %dma_wait3A_102 = arith.constant 0 : i32
    %dma_wait3A_103 = arith.constant 0 : i32
    %dma_wait3A_104 = tpu.memref_slice %arg19[%dma_wait3A_102, %dma_wait3A_103] : memref<10240x128xf32, #tpu.memory_space<vmem_shared>> -> memref<10240x128xf32, #tpu.memory_space<vmem_shared>>
    tpu.wait_indirect_dma semaphore(%arg30 : memref<!tpu.dma_semaphore, #tpu.memory_space<semaphore_mem>>) src(%arg17 : memref<80x128xf32, #tpu.memory_space<vmem>>) dst(%dma_wait3A_104 : memref<10240x128xf32, #tpu.memory_space<vmem_shared>>)
    %add3A_105 = arith.constant 9760 : i32
    %add3A_106 = arith.addi %mul3A_2, %add3A_105 : i32
    %dma_start3A_107 = tpu.memref_slice %arg2[%add3A_106] : memref<320000xi32, #tpu.memory_space<hbm>> -> memref<80xi32, #tpu.memory_space<hbm>>
    %dma_start3A_108 = tpu.memref_slice %arg2[%add3A_106] : memref<320000xi32, #tpu.memory_space<hbm>> -> memref<80xi32, #tpu.memory_space<hbm>>
    tpu.enqueue_dma source(%dma_start3A_108 : memref<80xi32, #tpu.memory_space<hbm>>) target(%arg9 : memref<80xi32, #tpu.memory_space<vmem>>) target_semaphore(%arg22 : memref<!tpu.dma_semaphore, #tpu.memory_space<semaphore_mem>>)
    %dma_start3A_109 = tpu.memref_slice %arg3[%add3A_106] : memref<320000xi32, #tpu.memory_space<hbm>> -> memref<80xi32, #tpu.memory_space<hbm>>
    %dma_start3A_110 = tpu.memref_slice %arg3[%add3A_106] : memref<320000xi32, #tpu.memory_space<hbm>> -> memref<80xi32, #tpu.memory_space<hbm>>
    tpu.enqueue_dma source(%dma_start3A_110 : memref<80xi32, #tpu.memory_space<hbm>>) target(%arg13 : memref<80xi32, #tpu.memory_space<vmem>>) target_semaphore(%arg22 : memref<!tpu.dma_semaphore, #tpu.memory_space<semaphore_mem>>)
    %dma_wait3A_111 = tpu.memref_slice %arg2[%mul3A_2] : memref<320000xi32, #tpu.memory_space<hbm>> -> memref<80xi32, #tpu.memory_space<hbm>>
    %dma_wait3A_112 = tpu.memref_slice %arg2[%mul3A_2] : memref<320000xi32, #tpu.memory_space<hbm>> -> memref<80xi32, #tpu.memory_space<hbm>>
    tpu.wait_dma2 semaphore(%arg21 : memref<!tpu.dma_semaphore, #tpu.memory_space<semaphore_mem>>) src(%dma_wait3A_112 : memref<80xi32, #tpu.memory_space<hbm>>) dst(%arg8 : memref<80xi32, #tpu.memory_space<vmem>>)
    %dma_wait3A_113 = tpu.memref_slice %arg3[%mul3A_2] : memref<320000xi32, #tpu.memory_space<hbm>> -> memref<80xi32, #tpu.memory_space<hbm>>
    %dma_wait3A_114 = tpu.memref_slice %arg3[%mul3A_2] : memref<320000xi32, #tpu.memory_space<hbm>> -> memref<80xi32, #tpu.memory_space<hbm>>
    tpu.wait_dma2 semaphore(%arg21 : memref<!tpu.dma_semaphore, #tpu.memory_space<semaphore_mem>>) src(%dma_wait3A_114 : memref<80xi32, #tpu.memory_space<hbm>>) dst(%arg12 : memref<80xi32, #tpu.memory_space<vmem>>)
    %dma_start3A_115 = arith.constant 0 : i32
    %dma_start3A_116 = arith.constant 0 : i32
    %dma_start3A_117 = tpu.memref_slice %arg4[%dma_start3A_115, %dma_start3A_116] : memref<10000x128xf32, #tpu.memory_space<hbm>> -> memref<10000x128xf32, #tpu.memory_space<hbm>>
    tpu.enqueue_indirect_dma source(%dma_start3A_117 : memref<10000x128xf32, #tpu.memory_space<hbm>>) target(%arg16 : memref<80x128xf32, #tpu.memory_space<vmem>>) offsets(%arg8 : memref<80xi32, #tpu.memory_space<vmem>>) semaphore(%arg25 : memref<!tpu.dma_semaphore, #tpu.memory_space<semaphore_mem>>)
    %dma_wait3A_118 = arith.constant 0 : i32
    %dma_wait3A_119 = arith.constant 0 : i32
    %dma_wait3A_120 = tpu.memref_slice %arg4[%dma_wait3A_118, %dma_wait3A_119] : memref<10000x128xf32, #tpu.memory_space<hbm>> -> memref<10000x128xf32, #tpu.memory_space<hbm>>
    tpu.wait_indirect_dma semaphore(%arg27 : memref<!tpu.dma_semaphore, #tpu.memory_space<semaphore_mem>>) src(%dma_wait3A_120 : memref<10000x128xf32, #tpu.memory_space<hbm>>) dst(%arg18 : memref<80x128xf32, #tpu.memory_space<vmem>>)
    %dma_start3A_121 = arith.constant 0 : i32
    %dma_start3A_122 = arith.constant 0 : i32
    %dma_start3A_123 = tpu.memref_slice %arg19[%dma_start3A_121, %dma_start3A_122] : memref<10240x128xf32, #tpu.memory_space<vmem_shared>> -> memref<10240x128xf32, #tpu.memory_space<vmem_shared>>
    tpu.enqueue_indirect_dma source(%arg18 : memref<80x128xf32, #tpu.memory_space<vmem>>) target(%dma_start3A_123 : memref<10240x128xf32, #tpu.memory_space<vmem_shared>>) offsets(%arg14 : memref<80xi32, #tpu.memory_space<vmem>>) semaphore(%arg31 : memref<!tpu.dma_semaphore, #tpu.memory_space<semaphore_mem>>) {add = true}
    %dma_wait3A_124 = arith.constant 0 : i32
    %dma_wait3A_125 = arith.constant 0 : i32
    %dma_wait3A_126 = tpu.memref_slice %arg19[%dma_wait3A_124, %dma_wait3A_125] : memref<10240x128xf32, #tpu.memory_space<vmem_shared>> -> memref<10240x128xf32, #tpu.memory_space<vmem_shared>>
    tpu.wait_indirect_dma semaphore(%arg31 : memref<!tpu.dma_semaphore, #tpu.memory_space<semaphore_mem>>) src(%arg18 : memref<80x128xf32, #tpu.memory_space<vmem>>) dst(%dma_wait3A_126 : memref<10240x128xf32, #tpu.memory_space<vmem_shared>>)
    %add3A_127 = arith.constant 9840 : i32
    %add3A_128 = arith.addi %mul3A_2, %add3A_127 : i32
    %dma_start3A_129 = tpu.memref_slice %arg2[%add3A_128] : memref<320000xi32, #tpu.memory_space<hbm>> -> memref<80xi32, #tpu.memory_space<hbm>>
    %dma_start3A_130 = tpu.memref_slice %arg2[%add3A_128] : memref<320000xi32, #tpu.memory_space<hbm>> -> memref<80xi32, #tpu.memory_space<hbm>>
    tpu.enqueue_dma source(%dma_start3A_130 : memref<80xi32, #tpu.memory_space<hbm>>) target(%arg10 : memref<80xi32, #tpu.memory_space<vmem>>) target_semaphore(%arg23 : memref<!tpu.dma_semaphore, #tpu.memory_space<semaphore_mem>>)
    %dma_start3A_131 = tpu.memref_slice %arg3[%add3A_128] : memref<320000xi32, #tpu.memory_space<hbm>> -> memref<80xi32, #tpu.memory_space<hbm>>
    %dma_start3A_132 = tpu.memref_slice %arg3[%add3A_128] : memref<320000xi32, #tpu.memory_space<hbm>> -> memref<80xi32, #tpu.memory_space<hbm>>
    tpu.enqueue_dma source(%dma_start3A_132 : memref<80xi32, #tpu.memory_space<hbm>>) target(%arg14 : memref<80xi32, #tpu.memory_space<vmem>>) target_semaphore(%arg23 : memref<!tpu.dma_semaphore, #tpu.memory_space<semaphore_mem>>)
    %dma_wait3A_133 = tpu.memref_slice %arg2[%mul3A_2] : memref<320000xi32, #tpu.memory_space<hbm>> -> memref<80xi32, #tpu.memory_space<hbm>>
    %dma_wait3A_134 = tpu.memref_slice %arg2[%mul3A_2] : memref<320000xi32, #tpu.memory_space<hbm>> -> memref<80xi32, #tpu.memory_space<hbm>>
    tpu.wait_dma2 semaphore(%arg22 : memref<!tpu.dma_semaphore, #tpu.memory_space<semaphore_mem>>) src(%dma_wait3A_134 : memref<80xi32, #tpu.memory_space<hbm>>) dst(%arg9 : memref<80xi32, #tpu.memory_space<vmem>>)
    %dma_wait3A_135 = tpu.memref_slice %arg3[%mul3A_2] : memref<320000xi32, #tpu.memory_space<hbm>> -> memref<80xi32, #tpu.memory_space<hbm>>
    %dma_wait3A_136 = tpu.memref_slice %arg3[%mul3A_2] : memref<320000xi32, #tpu.memory_space<hbm>> -> memref<80xi32, #tpu.memory_space<hbm>>
    tpu.wait_dma2 semaphore(%arg22 : memref<!tpu.dma_semaphore, #tpu.memory_space<semaphore_mem>>) src(%dma_wait3A_136 : memref<80xi32, #tpu.memory_space<hbm>>) dst(%arg13 : memref<80xi32, #tpu.memory_space<vmem>>)
    %dma_start3A_137 = arith.constant 0 : i32
    %dma_start3A_138 = arith.constant 0 : i32
    %dma_start3A_139 = tpu.memref_slice %arg4[%dma_start3A_137, %dma_start3A_138] : memref<10000x128xf32, #tpu.memory_space<hbm>> -> memref<10000x128xf32, #tpu.memory_space<hbm>>
    tpu.enqueue_indirect_dma source(%dma_start3A_139 : memref<10000x128xf32, #tpu.memory_space<hbm>>) target(%arg17 : memref<80x128xf32, #tpu.memory_space<vmem>>) offsets(%arg9 : memref<80xi32, #tpu.memory_space<vmem>>) semaphore(%arg26 : memref<!tpu.dma_semaphore, #tpu.memory_space<semaphore_mem>>)
    %dma_wait3A_140 = arith.constant 0 : i32
    %dma_wait3A_141 = arith.constant 0 : i32
    %dma_wait3A_142 = tpu.memref_slice %arg4[%dma_wait3A_140, %dma_wait3A_141] : memref<10000x128xf32, #tpu.memory_space<hbm>> -> memref<10000x128xf32, #tpu.memory_space<hbm>>
    tpu.wait_indirect_dma semaphore(%arg24 : memref<!tpu.dma_semaphore, #tpu.memory_space<semaphore_mem>>) src(%dma_wait3A_142 : memref<10000x128xf32, #tpu.memory_space<hbm>>) dst(%arg15 : memref<80x128xf32, #tpu.memory_space<vmem>>)
    %dma_start3A_143 = arith.constant 0 : i32
    %dma_start3A_144 = arith.constant 0 : i32
    %dma_start3A_145 = tpu.memref_slice %arg19[%dma_start3A_143, %dma_start3A_144] : memref<10240x128xf32, #tpu.memory_space<vmem_shared>> -> memref<10240x128xf32, #tpu.memory_space<vmem_shared>>
    tpu.enqueue_indirect_dma source(%arg15 : memref<80x128xf32, #tpu.memory_space<vmem>>) target(%dma_start3A_145 : memref<10240x128xf32, #tpu.memory_space<vmem_shared>>) offsets(%arg11 : memref<80xi32, #tpu.memory_space<vmem>>) semaphore(%arg28 : memref<!tpu.dma_semaphore, #tpu.memory_space<semaphore_mem>>) {add = true}
    %dma_wait3A_146 = arith.constant 0 : i32
    %dma_wait3A_147 = arith.constant 0 : i32
    %dma_wait3A_148 = tpu.memref_slice %arg19[%dma_wait3A_146, %dma_wait3A_147] : memref<10240x128xf32, #tpu.memory_space<vmem_shared>> -> memref<10240x128xf32, #tpu.memory_space<vmem_shared>>
    tpu.wait_indirect_dma semaphore(%arg28 : memref<!tpu.dma_semaphore, #tpu.memory_space<semaphore_mem>>) src(%arg15 : memref<80x128xf32, #tpu.memory_space<vmem>>) dst(%dma_wait3A_148 : memref<10240x128xf32, #tpu.memory_space<vmem_shared>>)
    %add3A_149 = arith.constant 9920 : i32
    %add3A_150 = arith.addi %mul3A_2, %add3A_149 : i32
    %dma_start3A_151 = tpu.memref_slice %arg2[%add3A_150] : memref<320000xi32, #tpu.memory_space<hbm>> -> memref<80xi32, #tpu.memory_space<hbm>>
    %dma_start3A_152 = tpu.memref_slice %arg2[%add3A_150] : memref<320000xi32, #tpu.memory_space<hbm>> -> memref<80xi32, #tpu.memory_space<hbm>>
    tpu.enqueue_dma source(%dma_start3A_152 : memref<80xi32, #tpu.memory_space<hbm>>) target(%arg7 : memref<80xi32, #tpu.memory_space<vmem>>) target_semaphore(%arg20 : memref<!tpu.dma_semaphore, #tpu.memory_space<semaphore_mem>>)
    %dma_start3A_153 = tpu.memref_slice %arg3[%add3A_150] : memref<320000xi32, #tpu.memory_space<hbm>> -> memref<80xi32, #tpu.memory_space<hbm>>
    %dma_start3A_154 = tpu.memref_slice %arg3[%add3A_150] : memref<320000xi32, #tpu.memory_space<hbm>> -> memref<80xi32, #tpu.memory_space<hbm>>
    tpu.enqueue_dma source(%dma_start3A_154 : memref<80xi32, #tpu.memory_space<hbm>>) target(%arg11 : memref<80xi32, #tpu.memory_space<vmem>>) target_semaphore(%arg20 : memref<!tpu.dma_semaphore, #tpu.memory_space<semaphore_mem>>)
    %dma_wait3A_155 = tpu.memref_slice %arg2[%mul3A_2] : memref<320000xi32, #tpu.memory_space<hbm>> -> memref<80xi32, #tpu.memory_space<hbm>>
    %dma_wait3A_156 = tpu.memref_slice %arg2[%mul3A_2] : memref<320000xi32, #tpu.memory_space<hbm>> -> memref<80xi32, #tpu.memory_space<hbm>>
    tpu.wait_dma2 semaphore(%arg23 : memref<!tpu.dma_semaphore, #tpu.memory_space<semaphore_mem>>) src(%dma_wait3A_156 : memref<80xi32, #tpu.memory_space<hbm>>) dst(%arg10 : memref<80xi32, #tpu.memory_space<vmem>>)
    %dma_wait3A_157 = tpu.memref_slice %arg3[%mul3A_2] : memref<320000xi32, #tpu.memory_space<hbm>> -> memref<80xi32, #tpu.memory_space<hbm>>
    %dma_wait3A_158 = tpu.memref_slice %arg3[%mul3A_2] : memref<320000xi32, #tpu.memory_space<hbm>> -> memref<80xi32, #tpu.memory_space<hbm>>
    tpu.wait_dma2 semaphore(%arg23 : memref<!tpu.dma_semaphore, #tpu.memory_space<semaphore_mem>>) src(%dma_wait3A_158 : memref<80xi32, #tpu.memory_space<hbm>>) dst(%arg14 : memref<80xi32, #tpu.memory_space<vmem>>)
    %dma_start3A_159 = arith.constant 0 : i32
    %dma_start3A_160 = arith.constant 0 : i32
    %dma_start3A_161 = tpu.memref_slice %arg4[%dma_start3A_159, %dma_start3A_160] : memref<10000x128xf32, #tpu.memory_space<hbm>> -> memref<10000x128xf32, #tpu.memory_space<hbm>>
    tpu.enqueue_indirect_dma source(%dma_start3A_161 : memref<10000x128xf32, #tpu.memory_space<hbm>>) target(%arg18 : memref<80x128xf32, #tpu.memory_space<vmem>>) offsets(%arg10 : memref<80xi32, #tpu.memory_space<vmem>>) semaphore(%arg27 : memref<!tpu.dma_semaphore, #tpu.memory_space<semaphore_mem>>)
    %dma_wait3A_162 = arith.constant 0 : i32
    %dma_wait3A_163 = arith.constant 0 : i32
    %dma_wait3A_164 = tpu.memref_slice %arg4[%dma_wait3A_162, %dma_wait3A_163] : memref<10000x128xf32, #tpu.memory_space<hbm>> -> memref<10000x128xf32, #tpu.memory_space<hbm>>
    tpu.wait_indirect_dma semaphore(%arg25 : memref<!tpu.dma_semaphore, #tpu.memory_space<semaphore_mem>>) src(%dma_wait3A_164 : memref<10000x128xf32, #tpu.memory_space<hbm>>) dst(%arg16 : memref<80x128xf32, #tpu.memory_space<vmem>>)
    %dma_start3A_165 = arith.constant 0 : i32
    %dma_start3A_166 = arith.constant 0 : i32
    %dma_start3A_167 = tpu.memref_slice %arg19[%dma_start3A_165, %dma_start3A_166] : memref<10240x128xf32, #tpu.memory_space<vmem_shared>> -> memref<10240x128xf32, #tpu.memory_space<vmem_shared>>
    tpu.enqueue_indirect_dma source(%arg16 : memref<80x128xf32, #tpu.memory_space<vmem>>) target(%dma_start3A_167 : memref<10240x128xf32, #tpu.memory_space<vmem_shared>>) offsets(%arg12 : memref<80xi32, #tpu.memory_space<vmem>>) semaphore(%arg29 : memref<!tpu.dma_semaphore, #tpu.memory_space<semaphore_mem>>) {add = true}
    %dma_wait3A_168 = arith.constant 0 : i32
    %dma_wait3A_169 = arith.constant 0 : i32
    %dma_wait3A_170 = tpu.memref_slice %arg19[%dma_wait3A_168, %dma_wait3A_169] : memref<10240x128xf32, #tpu.memory_space<vmem_shared>> -> memref<10240x128xf32, #tpu.memory_space<vmem_shared>>
    tpu.wait_indirect_dma semaphore(%arg29 : memref<!tpu.dma_semaphore, #tpu.memory_space<semaphore_mem>>) src(%arg16 : memref<80x128xf32, #tpu.memory_space<vmem>>) dst(%dma_wait3A_170 : memref<10240x128xf32, #tpu.memory_space<vmem_shared>>)
    %dma_wait3A_171 = tpu.memref_slice %arg2[%mul3A_2] : memref<320000xi32, #tpu.memory_space<hbm>> -> memref<80xi32, #tpu.memory_space<hbm>>
    %dma_wait3A_172 = tpu.memref_slice %arg2[%mul3A_2] : memref<320000xi32, #tpu.memory_space<hbm>> -> memref<80xi32, #tpu.memory_space<hbm>>
    tpu.wait_dma2 semaphore(%arg20 : memref<!tpu.dma_semaphore, #tpu.memory_space<semaphore_mem>>) src(%dma_wait3A_172 : memref<80xi32, #tpu.memory_space<hbm>>) dst(%arg7 : memref<80xi32, #tpu.memory_space<vmem>>)
    %dma_wait3A_173 = tpu.memref_slice %arg3[%mul3A_2] : memref<320000xi32, #tpu.memory_space<hbm>> -> memref<80xi32, #tpu.memory_space<hbm>>
    %dma_wait3A_174 = tpu.memref_slice %arg3[%mul3A_2] : memref<320000xi32, #tpu.memory_space<hbm>> -> memref<80xi32, #tpu.memory_space<hbm>>
    tpu.wait_dma2 semaphore(%arg20 : memref<!tpu.dma_semaphore, #tpu.memory_space<semaphore_mem>>) src(%dma_wait3A_174 : memref<80xi32, #tpu.memory_space<hbm>>) dst(%arg11 : memref<80xi32, #tpu.memory_space<vmem>>)
    %dma_start3A_175 = arith.constant 0 : i32
    %dma_start3A_176 = arith.constant 0 : i32
    %dma_start3A_177 = tpu.memref_slice %arg4[%dma_start3A_175, %dma_start3A_176] : memref<10000x128xf32, #tpu.memory_space<hbm>> -> memref<10000x128xf32, #tpu.memory_space<hbm>>
    tpu.enqueue_indirect_dma source(%dma_start3A_177 : memref<10000x128xf32, #tpu.memory_space<hbm>>) target(%arg15 : memref<80x128xf32, #tpu.memory_space<vmem>>) offsets(%arg7 : memref<80xi32, #tpu.memory_space<vmem>>) semaphore(%arg24 : memref<!tpu.dma_semaphore, #tpu.memory_space<semaphore_mem>>)
    %dma_wait3A_178 = arith.constant 0 : i32
    %dma_wait3A_179 = arith.constant 0 : i32
    %dma_wait3A_180 = tpu.memref_slice %arg4[%dma_wait3A_178, %dma_wait3A_179] : memref<10000x128xf32, #tpu.memory_space<hbm>> -> memref<10000x128xf32, #tpu.memory_space<hbm>>
    tpu.wait_indirect_dma semaphore(%arg26 : memref<!tpu.dma_semaphore, #tpu.memory_space<semaphore_mem>>) src(%dma_wait3A_180 : memref<10000x128xf32, #tpu.memory_space<hbm>>) dst(%arg17 : memref<80x128xf32, #tpu.memory_space<vmem>>)
    %dma_start3A_181 = arith.constant 0 : i32
    %dma_start3A_182 = arith.constant 0 : i32
    %dma_start3A_183 = tpu.memref_slice %arg19[%dma_start3A_181, %dma_start3A_182] : memref<10240x128xf32, #tpu.memory_space<vmem_shared>> -> memref<10240x128xf32, #tpu.memory_space<vmem_shared>>
    tpu.enqueue_indirect_dma source(%arg17 : memref<80x128xf32, #tpu.memory_space<vmem>>) target(%dma_start3A_183 : memref<10240x128xf32, #tpu.memory_space<vmem_shared>>) offsets(%arg13 : memref<80xi32, #tpu.memory_space<vmem>>) semaphore(%arg30 : memref<!tpu.dma_semaphore, #tpu.memory_space<semaphore_mem>>) {add = true}
    %dma_wait3A_184 = arith.constant 0 : i32
    %dma_wait3A_185 = arith.constant 0 : i32
    %dma_wait3A_186 = tpu.memref_slice %arg19[%dma_wait3A_184, %dma_wait3A_185] : memref<10240x128xf32, #tpu.memory_space<vmem_shared>> -> memref<10240x128xf32, #tpu.memory_space<vmem_shared>>
    tpu.wait_indirect_dma semaphore(%arg30 : memref<!tpu.dma_semaphore, #tpu.memory_space<semaphore_mem>>) src(%arg17 : memref<80x128xf32, #tpu.memory_space<vmem>>) dst(%dma_wait3A_186 : memref<10240x128xf32, #tpu.memory_space<vmem_shared>>)
    %dma_wait3A_187 = arith.constant 0 : i32
    %dma_wait3A_188 = arith.constant 0 : i32
    %dma_wait3A_189 = tpu.memref_slice %arg4[%dma_wait3A_187, %dma_wait3A_188] : memref<10000x128xf32, #tpu.memory_space<hbm>> -> memref<10000x128xf32, #tpu.memory_space<hbm>>
    tpu.wait_indirect_dma semaphore(%arg27 : memref<!tpu.dma_semaphore, #tpu.memory_space<semaphore_mem>>) src(%dma_wait3A_189 : memref<10000x128xf32, #tpu.memory_space<hbm>>) dst(%arg18 : memref<80x128xf32, #tpu.memory_space<vmem>>)
    %dma_start3A_190 = arith.constant 0 : i32
    %dma_start3A_191 = arith.constant 0 : i32
    %dma_start3A_192 = tpu.memref_slice %arg19[%dma_start3A_190, %dma_start3A_191] : memref<10240x128xf32, #tpu.memory_space<vmem_shared>> -> memref<10240x128xf32, #tpu.memory_space<vmem_shared>>
    tpu.enqueue_indirect_dma source(%arg18 : memref<80x128xf32, #tpu.memory_space<vmem>>) target(%dma_start3A_192 : memref<10240x128xf32, #tpu.memory_space<vmem_shared>>) offsets(%arg14 : memref<80xi32, #tpu.memory_space<vmem>>) semaphore(%arg31 : memref<!tpu.dma_semaphore, #tpu.memory_space<semaphore_mem>>) {add = true}
    %dma_wait3A_193 = arith.constant 0 : i32
    %dma_wait3A_194 = arith.constant 0 : i32
    %dma_wait3A_195 = tpu.memref_slice %arg19[%dma_wait3A_193, %dma_wait3A_194] : memref<10240x128xf32, #tpu.memory_space<vmem_shared>> -> memref<10240x128xf32, #tpu.memory_space<vmem_shared>>
    tpu.wait_indirect_dma semaphore(%arg31 : memref<!tpu.dma_semaphore, #tpu.memory_space<semaphore_mem>>) src(%arg18 : memref<80x128xf32, #tpu.memory_space<vmem>>) dst(%dma_wait3A_195 : memref<10240x128xf32, #tpu.memory_space<vmem_shared>>)
    %dma_wait3A_196 = arith.constant 0 : i32
    %dma_wait3A_197 = arith.constant 0 : i32
    %dma_wait3A_198 = tpu.memref_slice %arg4[%dma_wait3A_196, %dma_wait3A_197] : memref<10000x128xf32, #tpu.memory_space<hbm>> -> memref<10000x128xf32, #tpu.memory_space<hbm>>
    tpu.wait_indirect_dma semaphore(%arg24 : memref<!tpu.dma_semaphore, #tpu.memory_space<semaphore_mem>>) src(%dma_wait3A_198 : memref<10000x128xf32, #tpu.memory_space<hbm>>) dst(%arg15 : memref<80x128xf32, #tpu.memory_space<vmem>>)
    %dma_start3A_199 = arith.constant 0 : i32
    %dma_start3A_200 = arith.constant 0 : i32
    %dma_start3A_201 = tpu.memref_slice %arg19[%dma_start3A_199, %dma_start3A_200] : memref<10240x128xf32, #tpu.memory_space<vmem_shared>> -> memref<10240x128xf32, #tpu.memory_space<vmem_shared>>
    tpu.enqueue_indirect_dma source(%arg15 : memref<80x128xf32, #tpu.memory_space<vmem>>) target(%dma_start3A_201 : memref<10240x128xf32, #tpu.memory_space<vmem_shared>>) offsets(%arg11 : memref<80xi32, #tpu.memory_space<vmem>>) semaphore(%arg28 : memref<!tpu.dma_semaphore, #tpu.memory_space<semaphore_mem>>) {add = true}
    %dma_wait3A_202 = arith.constant 0 : i32
    %dma_wait3A_203 = arith.constant 0 : i32
    %dma_wait3A_204 = tpu.memref_slice %arg19[%dma_wait3A_202, %dma_wait3A_203] : memref<10240x128xf32, #tpu.memory_space<vmem_shared>> -> memref<10240x128xf32, #tpu.memory_space<vmem_shared>>
    tpu.wait_indirect_dma semaphore(%arg28 : memref<!tpu.dma_semaphore, #tpu.memory_space<semaphore_mem>>) src(%arg15 : memref<80x128xf32, #tpu.memory_space<vmem>>) dst(%dma_wait3A_204 : memref<10240x128xf32, #tpu.memory_space<vmem_shared>>)
    %barrier3A_205 = arith.constant 0 : index
    tpu.barrier barrier_id(%barrier3A_205)
    %mul3A_206 = arith.constant 10240 : i32
    %mul3A_207 = arith.muli %arg0, %mul3A_206 : i32
    %add3A_208 = arith.addi %mul3A_207, %mul3A_4 : i32
    "tpu.region"() ({
      %run_scoped3A = tpu.sem_alloc : memref<!tpu.dma_semaphore, #tpu.memory_space<semaphore_mem>>
      %dma_start3A_209 = arith.constant 0 : i32
      %dma_start3A_210 = tpu.memref_slice %arg6[%add3A_208, %dma_start3A_209] : memref<20480x128xf32, #tpu.memory_space<hbm>> -> memref<640x128xf32, #tpu.memory_space<hbm>>
      %dma_start3A_211 = arith.constant 0 : i32
      %dma_start3A_212 = tpu.memref_slice %arg19[%mul3A_4, %dma_start3A_211] : memref<10240x128xf32, #tpu.memory_space<vmem_shared>> -> memref<640x128xf32, #tpu.memory_space<vmem_shared>>
      tpu.enqueue_dma source(%dma_start3A_212 : memref<640x128xf32, #tpu.memory_space<vmem_shared>>) target(%dma_start3A_210 : memref<640x128xf32, #tpu.memory_space<hbm>>) target_semaphore(%run_scoped3A : memref<!tpu.dma_semaphore, #tpu.memory_space<semaphore_mem>>)
      %dma_wait3A_213 = arith.constant 0 : i32
      %dma_wait3A_214 = tpu.memref_slice %arg6[%add3A_208, %dma_wait3A_213] : memref<20480x128xf32, #tpu.memory_space<hbm>> -> memref<640x128xf32, #tpu.memory_space<hbm>>
      %dma_wait3A_215 = arith.constant 0 : i32
      %dma_wait3A_216 = tpu.memref_slice %arg19[%mul3A_4, %dma_wait3A_215] : memref<10240x128xf32, #tpu.memory_space<vmem_shared>> -> memref<640x128xf32, #tpu.memory_space<vmem_shared>>
      tpu.wait_dma2 semaphore(%run_scoped3A : memref<!tpu.dma_semaphore, #tpu.memory_space<semaphore_mem>>) src(%dma_wait3A_216 : memref<640x128xf32, #tpu.memory_space<vmem_shared>>) dst(%dma_wait3A_214 : memref<640x128xf32, #tpu.memory_space<hbm>>)
      tpu.yield
    }) : () -> ()
    return
  }
}

#map = affine_map<(d0, d1) -> (0)>
#map1 = affine_map<(d0, d1) -> (0, 0)>
module attributes {stable_mosaic.version = 14 : i64} {
  func.func @_deg_body(%arg0: i32, %arg1: i32, %arg2: memref<320000xi32, #tpu.memory_space<hbm>>, %arg3: memref<32x10240xf32, #tpu.memory_space<hbm>>, %arg4: memref<2000xi32, #tpu.memory_space<vmem>>, %arg5: memref<10240xf32, #tpu.memory_space<vmem>>) attributes {dimension_semantics = [#tpu.dimension_semantics<core_parallel>, #tpu.dimension_semantics<subcore_parallel>], iteration_bounds = array<i64: 2, 16>, scalar_prefetch = 0 : i64, scratch_operands = 2 : i64, tpu.core_type = #tpu.core_type<sc_vector_subcore>, window_params = [{transform_indices = #map}, {transform_indices = #map1}]} {
    %mul3A = arith.constant 16 : i32
    %mul3A_0 = arith.muli %arg0, %mul3A : i32
    %add3A = arith.addi %mul3A_0, %arg1 : i32
    %mul3A_1 = arith.constant 10000 : i32
    %mul3A_2 = arith.muli %add3A, %mul3A_1 : i32
    %broadcast_in_dim3A = arith.constant 0.000000e+00 : f32
    %broadcast_in_dim3A_3 = vector.broadcast %broadcast_in_dim3A : f32 to vector<16xf32>
    %scan3A = arith.constant 0 : i32
    %scan3A_4 = arith.constant 640 : i32
    %scan3A_5 = arith.addi %scan3A, %scan3A_4 : i32
    %scan3A_6 = arith.constant 1 : i32
    scf.for %scan3A_15 = %scan3A to %scan3A_5 step %scan3A_6  : i32 {
      %mul3A_16 = arith.constant 1 : i32
      %mul3A_17 = arith.muli %scan3A_15, %mul3A_16 : i32
      %add3A_18 = arith.constant 0 : i32
      %add3A_19 = arith.addi %add3A_18, %mul3A_17 : i32
      %mul3A_20 = arith.constant 16 : i32
      %mul3A_21 = arith.muli %add3A_19, %mul3A_20 : i32
      %swap3A = arith.index_cast %mul3A_21 : i32 to index
      %swap3A_22 = tpu.vector_load %arg5[%swap3A] {strides = array<i32>} : memref<10240xf32, #tpu.memory_space<vmem>>, vector<16xf32>,
      tpu.vector_store %arg5[%swap3A], %broadcast_in_dim3A_3 {strides = array<i32>} : memref<10240xf32, #tpu.memory_space<vmem>>, vector<16xf32>,
    }
    %scan3A_7 = arith.constant 640 : i32
    %broadcast_in_dim3A_8 = arith.constant 1.000000e+00 : f32
    %broadcast_in_dim3A_9 = vector.broadcast %broadcast_in_dim3A_8 : f32 to vector<16xf32>
    %scan3A_10 = arith.constant 0 : i32
    %scan3A_11 = arith.constant 5 : i32
    %scan3A_12 = arith.addi %scan3A_10, %scan3A_11 : i32
    %scan3A_13 = arith.constant 1 : i32
    scf.for %scan3A_15 = %scan3A_10 to %scan3A_12 step %scan3A_13  : i32 {
      %mul3A_16 = arith.constant 1 : i32
      %mul3A_17 = arith.muli %scan3A_15, %mul3A_16 : i32
      %add3A_18 = arith.constant 0 : i32
      %add3A_19 = arith.addi %add3A_18, %mul3A_17 : i32
      %mul3A_20 = arith.constant 2000 : i32
      %mul3A_21 = arith.muli %add3A_19, %mul3A_20 : i32
      %add3A_22 = arith.addi %mul3A_2, %mul3A_21 : i32
      "tpu.region"() ({
        %run_scoped3A = tpu.sem_alloc : memref<!tpu.dma_semaphore, #tpu.memory_space<semaphore_mem>>
        %dma_start3A = tpu.memref_slice %arg2[%add3A_22] : memref<320000xi32, #tpu.memory_space<hbm>> -> memref<2000xi32, #tpu.memory_space<hbm>>
        %dma_start3A_28 = tpu.memref_slice %arg2[%add3A_22] : memref<320000xi32, #tpu.memory_space<hbm>> -> memref<2000xi32, #tpu.memory_space<hbm>>
        tpu.enqueue_dma source(%dma_start3A_28 : memref<2000xi32, #tpu.memory_space<hbm>>) target(%arg4 : memref<2000xi32, #tpu.memory_space<vmem>>) target_semaphore(%run_scoped3A : memref<!tpu.dma_semaphore, #tpu.memory_space<semaphore_mem>>)
        %dma_wait3A = tpu.memref_slice %arg2[%add3A_22] : memref<320000xi32, #tpu.memory_space<hbm>> -> memref<2000xi32, #tpu.memory_space<hbm>>
        %dma_wait3A_29 = tpu.memref_slice %arg2[%add3A_22] : memref<320000xi32, #tpu.memory_space<hbm>> -> memref<2000xi32, #tpu.memory_space<hbm>>
        tpu.wait_dma2 semaphore(%run_scoped3A : memref<!tpu.dma_semaphore, #tpu.memory_space<semaphore_mem>>) src(%dma_wait3A_29 : memref<2000xi32, #tpu.memory_space<hbm>>) dst(%arg4 : memref<2000xi32, #tpu.memory_space<vmem>>)
        tpu.yield
      }) : () -> ()
      %scan3A_23 = arith.constant 0 : i32
      %scan3A_24 = arith.constant 125 : i32
      %scan3A_25 = arith.addi %scan3A_23, %scan3A_24 : i32
      %scan3A_26 = arith.constant 1 : i32
      scf.for %scan3A_28 = %scan3A_23 to %scan3A_25 step %scan3A_26  : i32 {
        %mul3A_29 = arith.constant 1 : i32
        %mul3A_30 = arith.muli %scan3A_28, %mul3A_29 : i32
        %add3A_31 = arith.constant 0 : i32
        %add3A_32 = arith.addi %add3A_31, %mul3A_30 : i32
        %mul3A_33 = arith.constant 16 : i32
        %mul3A_34 = arith.muli %add3A_32, %mul3A_33 : i32
        %get3A = arith.index_cast %mul3A_34 : i32 to index
        %get3A_35 = tpu.vector_load %arg4[%get3A] {strides = array<i32>} : memref<2000xi32, #tpu.memory_space<vmem>>, vector<16xi32>,
        tpu.vector_store_idx %arg5[%get3A_35], %broadcast_in_dim3A_9 {add = true} : memref<10240xf32, #tpu.memory_space<vmem>>[vector<16xi32>], vector<16xf32>,
      }
      %scan3A_27 = arith.constant 125 : i32
    }
    %scan3A_14 = arith.constant 5 : i32
    "tpu.region"() ({
      %run_scoped3A = tpu.sem_alloc : memref<!tpu.dma_semaphore, #tpu.memory_space<semaphore_mem>>
      %dma_start3A = arith.constant 0 : i32
      %dma_start3A_15 = tpu.memref_slice %arg3[%add3A, %dma_start3A] : memref<32x10240xf32, #tpu.memory_space<hbm>> -> memref<1x10240xf32, #tpu.memory_space<hbm>>
      %dma_start3A_16 = tpu.memref_squeeze %dma_start3A_15 : memref<1x10240xf32, #tpu.memory_space<hbm>> -> memref<10240xf32, #tpu.memory_space<hbm>>
      %dma_start3A_17 = arith.constant 0 : i32
      %dma_start3A_18 = tpu.memref_slice %arg3[%add3A, %dma_start3A_17] : memref<32x10240xf32, #tpu.memory_space<hbm>> -> memref<1x10240xf32, #tpu.memory_space<hbm>>
      %dma_start3A_19 = tpu.memref_squeeze %dma_start3A_18 : memref<1x10240xf32, #tpu.memory_space<hbm>> -> memref<10240xf32, #tpu.memory_space<hbm>>
      tpu.enqueue_dma source(%arg5 : memref<10240xf32, #tpu.memory_space<vmem>>) target(%dma_start3A_19 : memref<10240xf32, #tpu.memory_space<hbm>>) target_semaphore(%run_scoped3A : memref<!tpu.dma_semaphore, #tpu.memory_space<semaphore_mem>>)
      %dma_wait3A = arith.constant 0 : i32
      %dma_wait3A_20 = tpu.memref_slice %arg3[%add3A, %dma_wait3A] : memref<32x10240xf32, #tpu.memory_space<hbm>> -> memref<1x10240xf32, #tpu.memory_space<hbm>>
      %dma_wait3A_21 = tpu.memref_squeeze %dma_wait3A_20 : memref<1x10240xf32, #tpu.memory_space<hbm>> -> memref<10240xf32, #tpu.memory_space<hbm>>
      %dma_wait3A_22 = arith.constant 0 : i32
      %dma_wait3A_23 = tpu.memref_slice %arg3[%add3A, %dma_wait3A_22] : memref<32x10240xf32, #tpu.memory_space<hbm>> -> memref<1x10240xf32, #tpu.memory_space<hbm>>
      %dma_wait3A_24 = tpu.memref_squeeze %dma_wait3A_23 : memref<1x10240xf32, #tpu.memory_space<hbm>> -> memref<10240xf32, #tpu.memory_space<hbm>>
      tpu.wait_dma2 semaphore(%run_scoped3A : memref<!tpu.dma_semaphore, #tpu.memory_space<semaphore_mem>>) src(%arg5 : memref<10240xf32, #tpu.memory_space<vmem>>) dst(%dma_wait3A_24 : memref<10240xf32, #tpu.memory_space<hbm>>)
      tpu.yield
    }) : () -> ()
    return
  }
}

module attributes {stable_mosaic.version = 14 : i64} {
  func.func @_tc1_body(%arg0: memref<2000x128xf32, #tpu.memory_space<vmem>>, %arg1: memref<8000x300xf32, #tpu.memory_space<vmem>>, %arg2: memref<300x128xf32, #tpu.memory_space<vmem>>, %arg3: memref<1x128xf32, #tpu.memory_space<vmem>>, %arg4: memref<128x128xf32, #tpu.memory_space<vmem>>, %arg5: memref<32x10240xf32, #tpu.memory_space<vmem>>, %arg6: memref<10000x128xf32, #tpu.memory_space<vmem>>) attributes {dimension_semantics = [], scalar_prefetch = 0 : i64, scratch_operands = 0 : i64, tpu.core_type = #tpu.core_type<tc>} {
    %get3A = arith.constant 0 : index
    %get3A_0 = arith.constant 0 : index
    %get3A_1 = vector.load %arg5[%get3A, %get3A_0] : memref<32x10240xf32, #tpu.memory_space<vmem>>, vector<32x10240xf32>
    %reduce_sum3A = arith.constant dense<0.000000e+00> : vector<10240xf32>
    %reduce_sum3A_2 = vector.multi_reduction <add>, %get3A_1, %reduce_sum3A [0] : vector<32x10240xf32> to vector<10240xf32>
    %slice3A = vector.extract_strided_slice %reduce_sum3A_2 {offsets = [0], sizes = [10000], strides = [1]} : vector<10240xf32> to vector<10000xf32>
    %broadcast_in_dim3A = vector.shape_cast %slice3A : vector<10000xf32> to vector<10000x1xf32>
    %add3A = arith.constant 1.000000e+00 : f32
    %add3A_3 = vector.broadcast %add3A : f32 to vector<10000x1xf32>
    %add3A_4 = arith.addf %broadcast_in_dim3A, %add3A_3 : vector<10000x1xf32>
    %rsqrt3A = math.rsqrt %add3A_4 : vector<10000x1xf32>
    %get3A_5 = arith.constant 0 : index
    %get3A_6 = arith.constant 0 : index
    %get3A_7 = vector.load %arg1[%get3A_5, %get3A_6] : memref<8000x300xf32, #tpu.memory_space<vmem>>, vector<8000x300xf32>
    %get3A_8 = arith.constant 0 : index
    %get3A_9 = arith.constant 0 : index
    %get3A_10 = vector.load %arg2[%get3A_8, %get3A_9] : memref<300x128xf32, #tpu.memory_space<vmem>>, vector<300x128xf32>
    %dot_general3A = arith.constant dense<0.000000e+00> : vector<8000x128xf32>
    %dot_general3A_11 = tpu.matmul %get3A_7, %get3A_10, %dot_general3A {dimension_numbers = #tpu.dot_dimension_numbers<[1], [0], [0], [1], [0, 0, 1, 1], [], []>, transpose_lhs_hint = false} : vector<8000x300xf32>, vector<300x128xf32>, vector<8000x128xf32> -> vector<8000x128xf32>
    %get3A_12 = arith.constant 0 : index
    %get3A_13 = arith.constant 0 : index
    %get3A_14 = vector.load %arg3[%get3A_12, %get3A_13] : memref<1x128xf32, #tpu.memory_space<vmem>>, vector<1x128xf32>
    %add3A_15 = vector.broadcast %get3A_14 : vector<1x128xf32> to vector<8000x128xf32>
    %add3A_16 = arith.addf %dot_general3A_11, %add3A_15 : vector<8000x128xf32>
    %get3A_17 = arith.constant 0 : index
    %get3A_18 = arith.constant 0 : index
    %get3A_19 = vector.load %arg0[%get3A_17, %get3A_18] : memref<2000x128xf32, #tpu.memory_space<vmem>>, vector<2000x128xf32>
    %get3A_20 = arith.constant 0 : index
    %get3A_21 = arith.constant 0 : index
    %get3A_22 = vector.load %arg4[%get3A_20, %get3A_21] : memref<128x128xf32, #tpu.memory_space<vmem>>, vector<128x128xf32>
    %dot_general3A_23 = arith.constant dense<0.000000e+00> : vector<2000x128xf32>
    %dot_general3A_24 = tpu.matmul %get3A_19, %get3A_22, %dot_general3A_23 {dimension_numbers = #tpu.dot_dimension_numbers<[1], [0], [0], [1], [0, 0, 1, 1], [], []>, transpose_lhs_hint = false} : vector<2000x128xf32>, vector<128x128xf32>, vector<2000x128xf32> -> vector<2000x128xf32>
    %get3A_25 = arith.constant 0 : index
    %get3A_26 = arith.constant 0 : index
    %get3A_27 = vector.load %arg4[%get3A_25, %get3A_26] : memref<128x128xf32, #tpu.memory_space<vmem>>, vector<128x128xf32>
    %dot_general3A_28 = arith.constant dense<0.000000e+00> : vector<8000x128xf32>
    %dot_general3A_29 = tpu.matmul %add3A_16, %get3A_27, %dot_general3A_28 {dimension_numbers = #tpu.dot_dimension_numbers<[1], [0], [0], [1], [0, 0, 1, 1], [], []>, transpose_lhs_hint = false} : vector<8000x128xf32>, vector<128x128xf32>, vector<8000x128xf32> -> vector<8000x128xf32>
    %slice3A_30 = vector.extract_strided_slice %rsqrt3A {offsets = [0, 0], sizes = [2000, 1], strides = [1, 1]} : vector<10000x1xf32> to vector<2000x1xf32>
    %mul3A = vector.broadcast %slice3A_30 : vector<2000x1xf32> to vector<2000x128xf32>
    %mul3A_31 = arith.mulf %mul3A, %dot_general3A_24 : vector<2000x128xf32>
    %swap3A = arith.constant 0 : index
    %swap3A_32 = arith.constant 0 : index
    %swap3A_33 = vector.load %arg6[%swap3A, %swap3A_32] : memref<10000x128xf32, #tpu.memory_space<vmem>>, vector<2000x128xf32>
    tpu.vector_store %arg6[%swap3A, %swap3A_32], %mul3A_31 {strides = array<i32>} : memref<10000x128xf32, #tpu.memory_space<vmem>>, vector<2000x128xf32>,
    %slice3A_34 = vector.extract_strided_slice %rsqrt3A {offsets = [2000, 0], sizes = [8000, 1], strides = [1, 1]} : vector<10000x1xf32> to vector<8000x1xf32>
    %mul3A_35 = vector.broadcast %slice3A_34 : vector<8000x1xf32> to vector<8000x128xf32>
    %mul3A_36 = arith.mulf %mul3A_35, %dot_general3A_29 : vector<8000x128xf32>
    %swap3A_37 = arith.constant 2000 : index
    %swap3A_38 = arith.constant 0 : index
    %swap3A_39 = vector.load %arg6[%swap3A_37, %swap3A_38] : memref<10000x128xf32, #tpu.memory_space<vmem>>, vector<8000x128xf32>
    tpu.vector_store %arg6[%swap3A_37, %swap3A_38], %mul3A_36 {strides = array<i32>} : memref<10000x128xf32, #tpu.memory_space<vmem>>, vector<8000x128xf32>,
    return
  }
}

module attributes {stable_mosaic.version = 14 : i64} {
  func.func @_tc2_body(%arg0: memref<32x10240xf32, #tpu.memory_space<vmem>>, %arg1: memref<20480x128xf32, #tpu.memory_space<vmem>>, %arg2: memref<10000x128xf32, #tpu.memory_space<vmem>>, %arg3: memref<1x128xf32, #tpu.memory_space<vmem>>, %arg4: memref<128x128xf32, #tpu.memory_space<vmem>>, %arg5: memref<10000x128xf32, #tpu.memory_space<vmem>>) attributes {dimension_semantics = [], scalar_prefetch = 0 : i64, scratch_operands = 0 : i64, tpu.core_type = #tpu.core_type<tc>} {
    %get3A = arith.constant 0 : index
    %get3A_0 = arith.constant 0 : index
    %get3A_1 = vector.load %arg0[%get3A, %get3A_0] : memref<32x10240xf32, #tpu.memory_space<vmem>>, vector<32x10240xf32>
    %reduce_sum3A = arith.constant dense<0.000000e+00> : vector<10240xf32>
    %reduce_sum3A_2 = vector.multi_reduction <add>, %get3A_1, %reduce_sum3A [0] : vector<32x10240xf32> to vector<10240xf32>
    %slice3A = vector.extract_strided_slice %reduce_sum3A_2 {offsets = [0], sizes = [10000], strides = [1]} : vector<10240xf32> to vector<10000xf32>
    %broadcast_in_dim3A = vector.shape_cast %slice3A : vector<10000xf32> to vector<10000x1xf32>
    %add3A = arith.constant 1.000000e+00 : f32
    %add3A_3 = vector.broadcast %add3A : f32 to vector<10000x1xf32>
    %add3A_4 = arith.addf %broadcast_in_dim3A, %add3A_3 : vector<10000x1xf32>
    %rsqrt3A = math.rsqrt %add3A_4 : vector<10000x1xf32>
    %get3A_5 = arith.constant 0 : index
    %get3A_6 = arith.constant 0 : index
    %get3A_7 = vector.load %arg1[%get3A_5, %get3A_6] : memref<20480x128xf32, #tpu.memory_space<vmem>>, vector<10000x128xf32>
    %get3A_8 = arith.constant 10240 : index
    %get3A_9 = arith.constant 0 : index
    %get3A_10 = vector.load %arg1[%get3A_8, %get3A_9] : memref<20480x128xf32, #tpu.memory_space<vmem>>, vector<10000x128xf32>
    %add3A_11 = arith.addf %get3A_7, %get3A_10 : vector<10000x128xf32>
    %get3A_12 = arith.constant 0 : index
    %get3A_13 = arith.constant 0 : index
    %get3A_14 = vector.load %arg2[%get3A_12, %get3A_13] : memref<10000x128xf32, #tpu.memory_space<vmem>>, vector<10000x128xf32>
    %add3A_15 = arith.addf %add3A_11, %get3A_14 : vector<10000x128xf32>
    %mul3A = vector.broadcast %rsqrt3A : vector<10000x1xf32> to vector<10000x128xf32>
    %mul3A_16 = arith.mulf %mul3A, %add3A_15 : vector<10000x128xf32>
    %get3A_17 = arith.constant 0 : index
    %get3A_18 = arith.constant 0 : index
    %get3A_19 = vector.load %arg3[%get3A_17, %get3A_18] : memref<1x128xf32, #tpu.memory_space<vmem>>, vector<1x128xf32>
    %add3A_20 = vector.broadcast %get3A_19 : vector<1x128xf32> to vector<10000x128xf32>
    %add3A_21 = arith.addf %mul3A_16, %add3A_20 : vector<10000x128xf32>
    %max3A = arith.constant 0.000000e+00 : f32
    %max3A_22 = vector.broadcast %max3A : f32 to vector<10000x128xf32>
    %max3A_23 = arith.maximumf %add3A_21, %max3A_22 : vector<10000x128xf32>
    %get3A_24 = arith.constant 0 : index
    %get3A_25 = arith.constant 0 : index
    %get3A_26 = vector.load %arg4[%get3A_24, %get3A_25] : memref<128x128xf32, #tpu.memory_space<vmem>>, vector<128x128xf32>
    %dot_general3A = arith.constant dense<0.000000e+00> : vector<10000x128xf32>
    %dot_general3A_27 = tpu.matmul %max3A_23, %get3A_26, %dot_general3A {dimension_numbers = #tpu.dot_dimension_numbers<[1], [0], [0], [1], [0, 0, 1, 1], [], []>, transpose_lhs_hint = false} : vector<10000x128xf32>, vector<128x128xf32>, vector<10000x128xf32> -> vector<10000x128xf32>
    %mul3A_28 = vector.broadcast %rsqrt3A : vector<10000x1xf32> to vector<10000x128xf32>
    %mul3A_29 = arith.mulf %mul3A_28, %dot_general3A_27 : vector<10000x128xf32>
    %swap3A = arith.constant 0 : index
    %swap3A_30 = arith.constant 0 : index
    %swap3A_31 = vector.load %arg5[%swap3A, %swap3A_30] : memref<10000x128xf32, #tpu.memory_space<vmem>>, vector<10000x128xf32>
    tpu.vector_store %arg5[%swap3A, %swap3A_30], %mul3A_29 {strides = array<i32>} : memref<10000x128xf32, #tpu.memory_space<vmem>>, vector<10000x128xf32>,
    return
  }
}

module attributes {stable_mosaic.version = 14 : i64} {
  func.func @_tc3_body(%arg0: memref<32x10240xf32, #tpu.memory_space<vmem>>, %arg1: memref<20480x128xf32, #tpu.memory_space<vmem>>, %arg2: memref<10000x128xf32, #tpu.memory_space<vmem>>, %arg3: memref<1x128xf32, #tpu.memory_space<vmem>>, %arg4: memref<10000x128xf32, #tpu.memory_space<vmem>>) attributes {dimension_semantics = [], scalar_prefetch = 0 : i64, scratch_operands = 0 : i64, tpu.core_type = #tpu.core_type<tc>} {
    %get3A = arith.constant 0 : index
    %get3A_0 = arith.constant 0 : index
    %get3A_1 = vector.load %arg0[%get3A, %get3A_0] : memref<32x10240xf32, #tpu.memory_space<vmem>>, vector<32x10240xf32>
    %reduce_sum3A = arith.constant dense<0.000000e+00> : vector<10240xf32>
    %reduce_sum3A_2 = vector.multi_reduction <add>, %get3A_1, %reduce_sum3A [0] : vector<32x10240xf32> to vector<10240xf32>
    %slice3A = vector.extract_strided_slice %reduce_sum3A_2 {offsets = [0], sizes = [10000], strides = [1]} : vector<10240xf32> to vector<10000xf32>
    %broadcast_in_dim3A = vector.shape_cast %slice3A : vector<10000xf32> to vector<10000x1xf32>
    %add3A = arith.constant 1.000000e+00 : f32
    %add3A_3 = vector.broadcast %add3A : f32 to vector<10000x1xf32>
    %add3A_4 = arith.addf %broadcast_in_dim3A, %add3A_3 : vector<10000x1xf32>
    %rsqrt3A = math.rsqrt %add3A_4 : vector<10000x1xf32>
    %get3A_5 = arith.constant 0 : index
    %get3A_6 = arith.constant 0 : index
    %get3A_7 = vector.load %arg1[%get3A_5, %get3A_6] : memref<20480x128xf32, #tpu.memory_space<vmem>>, vector<10000x128xf32>
    %get3A_8 = arith.constant 10240 : index
    %get3A_9 = arith.constant 0 : index
    %get3A_10 = vector.load %arg1[%get3A_8, %get3A_9] : memref<20480x128xf32, #tpu.memory_space<vmem>>, vector<10000x128xf32>
    %add3A_11 = arith.addf %get3A_7, %get3A_10 : vector<10000x128xf32>
    %get3A_12 = arith.constant 0 : index
    %get3A_13 = arith.constant 0 : index
    %get3A_14 = vector.load %arg2[%get3A_12, %get3A_13] : memref<10000x128xf32, #tpu.memory_space<vmem>>, vector<10000x128xf32>
    %add3A_15 = arith.addf %add3A_11, %get3A_14 : vector<10000x128xf32>
    %mul3A = vector.broadcast %rsqrt3A : vector<10000x1xf32> to vector<10000x128xf32>
    %mul3A_16 = arith.mulf %mul3A, %add3A_15 : vector<10000x128xf32>
    %get3A_17 = arith.constant 0 : index
    %get3A_18 = arith.constant 0 : index
    %get3A_19 = vector.load %arg3[%get3A_17, %get3A_18] : memref<1x128xf32, #tpu.memory_space<vmem>>, vector<1x128xf32>
    %add3A_20 = vector.broadcast %get3A_19 : vector<1x128xf32> to vector<10000x128xf32>
    %add3A_21 = arith.addf %mul3A_16, %add3A_20 : vector<10000x128xf32>
    %swap3A = arith.constant 0 : index
    %swap3A_22 = arith.constant 0 : index
    %swap3A_23 = vector.load %arg4[%swap3A, %swap3A_22] : memref<10000x128xf32, #tpu.memory_space<vmem>>, vector<10000x128xf32>
    tpu.vector_store %arg4[%swap3A, %swap3A_22], %add3A_21 {strides = array<i32>} : memref<10000x128xf32, #tpu.memory_space<vmem>>, vector<10000x128xf32>,
    return
  }
}

</mosaic_0001>

<sc_bundles>
// kernel: kernel.11.cloned.1.call-start
scs
__scs_entry_jumppad:
0x0: {  	(pc) =	sbr.rel $0x88, $3  }
0x1: {  	(tag) =	ssettag $0x0;
	lr =	simm.s32 $0x1  }
0x2: {  	[smem:$0x3F98] =	sst lr;
	_ =	strace $0xD0000000  }
0x3: {  	_ = 	snop  }
0x4: {  	_ = 	snop  }
0x5: {  	_ = 	snop  }
0x6: {  	_ = 	snop  }
0x7: {  	_ = 	snop  }
__scs_overlays_trampoline_lowered:
0x8: {  	[smem:$0x3FA7] =	sst s0  }
0x9: {  	[smem:$0x3FA8] =	sst s1  }
0xa: {  	[smem:$0x3FA9] =	sst s2  }
0xb: {  	[smem:$0x3FAA] =	sst s3  }
0xc: {  	[smem:$0x3FAB] =	sst s4  }
0xd: {  	[smem:$0x3FAC] =	sst s5  }
0xe: {  	[smem:$0x3FAD] =	sst s6  }
0xf: {  	[smem:$0x3FAE] =	sst s7  }
0x10: {  	[smem:$0x3FAF] =	sst s8  }
0x11: {  	[smem:$0x3FB0] =	sst s9;
	s0 =	simm.s32 @!p0 $0x0  }
0x12: {  	s1 =	sld [smem:$0x3F96];
	s0 =	simm.s32 @p0 $0x1  }
0x13: {  	[smem:$0x3FB1] =	sst s0;
	s0 =	simm.s32 @!p1 $0x0  }
0x14: {  	s2 =	sld [smem:$0x3F95];
	s0 =	simm.s32 @p1 $0x1  }
0x15: {  	[smem:$0x3FB2] =	sst s0;
	s0 =	simm.s32 @!p2 $0x0  }
0x16: {  	s3 =	sld [smem:$0x3FDB];
	s0 =	simm.s32 @p2 $0x1  }
0x17: {  	s4 =	simm.s32 $0x1BF5;
	[smem:$0x3FB4] =	sst s0  }
0x18: {  	s0 =	sld [smem:$0x3F97];
	_ =	swait.ge [sflag:s4], $0x0  }
0x19: {  	s7 =	sld [smem:$0x3F98]  }
0x1a: {  	s8 =	sadd.s32 $0xFFFFE003, lr  }
0x1b: {  	s9 =	sadd.s32 $0xFFFFFEF7, lr;
	s5 =	simm.s32 $0xFFFFFFFF;
	p2 =	slt.u32 s8, $0xFFFFF086  }
0x1c: {  	p1 =	slt.u32 s9, $0xF7A;
	s5 =	simm.s32 @!p2 $0x0  }
0x1d: {  	s5 =	simm.s32 @p1 $0x1;
	p0 =	seq.s32 s7, s2  }
0x1e: {  	s7 =	smul.u32 @!p0 $0xF7A, s2;
	p2 =	seq.s32 @!p0 s5, $0x0  }
0x1f: {  	s9 =	smul.u32 $0xF7A, s1;
	s8 =	simm.s32 @!p0 $0x1BF5;
	p2 =	por !p2, p0  }
0x20: {  	[sflag:s8] =	ssyncset.s32 @!p0 $0xFFFFF086;
	s6 =	sadd.s32 @!p0 s3, s7;
	s7 =	simm.s32 @!p0 $0x108  }
0x21: {  	s3 =	sadd.s32 s3, s9;
	s6 =	sadd.s32 @!p0 $0x88, s6;
	s7 =	simm.s32 @p2 $0x1082  }
0x22: {  	[simem:s7], [sflag:s8] =	dma.local @!p0 [hbm:s6], $0xF7A  }
0x23: {  	s9 =	sor.u32 $0xD0000000, s2;
	s6 =	simm.s32 $0x108;
	_ =	swait.ge @!p0 [sflag:s8], $0x0  }
0x24: {  	s3 =	sadd.s32 $0x88, s3;
	s6 =	simm.s32 @!p1 $0x1082;
	[sflag:s4] =	ssyncset.s32 $0xFFFFF086  }
0x25: {  	[simem:s6], [sflag:s4] =	dma.local [hbm:s3], $0xF7A  }
0x26: {  	[smem:$0x3F98] =	sst s1;
	(tag) =	ssettag s2;
	_ =	strace s9  }
0x27: {  	s1 =	sld [smem:$0x3FA8]  }
0x28: {  	s2 =	sld [smem:$0x3FA9]  }
0x29: {  	s4 =	sld [smem:$0x3FAB]  }
0x2a: {  	p0 =	seq.s32 s5, $0x0;
	s5 =	sld [smem:$0x3FAC]  }
0x2b: {  	s6 =	sld [smem:$0x3FAD]  }
0x2c: {  	s7 =	sld [smem:$0x3FAE]  }
0x2d: {  	s3 =	simm.s32 $0x108;
	s8 =	sld [smem:$0x3FAF]  }
0x2e: {  	s3 =	simm.s32 @!p0 $0x1082;
	s9 =	sld [smem:$0x3FB0]  }
0x2f: {  	lr =	sadd.s32 s0, s3;
	s0 =	sld [smem:$0x3FA7]  }
0x30: {  	s3 =	sld [smem:$0x3FAA]  }
0x31: {  	[smem:$0x3FB3] =	sst s10  }
0x32: {  	s10 =	sld [smem:$0x3FB1];
	_ =	sdelay $0x3  }
0x33: {  	p0 =	seq.s32 s10, $0x1;
	s10 =	sld [smem:$0x3FB3];
	_ =	sdelay $0x3  }
0x34: {  	[smem:$0x3FB3] =	sst s10  }
0x35: {  	s10 =	sld [smem:$0x3FB2];
	_ =	sdelay $0x3  }
0x36: {  	p1 =	seq.s32 s10, $0x1;
	s10 =	sld [smem:$0x3FB3];
	_ =	sdelay $0x3  }
0x37: {  	[smem:$0x3FB3] =	sst s10  }
0x38: {  	s10 =	sld [smem:$0x3FB4]  }
0x39: {  	_ = 	snop;
	(pc) =	sbr.ind lr, $3  }
0x3a: {  	_ = 	snop  }
0x3b: {  	_ = 	snop  }
0x3c: {  	p2 =	seq.s32 s10, $0x1;
	s10 =	sld [smem:$0x3FB3]  }
0x3d: {  	_ =	shalt  }
0x3e: {  	_ =	shalt  }
0x3f: {  	_ =	shalt  }
0x40: {  	_ =	shalt  }
0x41: {  	_ =	shalt  }
0x42: {  	_ =	shalt  }
0x43: {  	_ =	shalt  }
0x44: {  	_ =	shalt  }
0x45: {  	_ =	shalt  }
0x46: {  	_ =	shalt  }
0x47: {  	_ =	shalt  }
0x48: {  	_ =	shalt  }
0x49: {  	_ =	shalt  }
0x4a: {  	_ =	shalt  }
0x4b: {  	_ =	shalt  }
0x4c: {  	_ =	shalt  }
0x4d: {  	_ =	shalt  }
0x4e: {  	_ =	shalt  }
0x4f: {  	_ =	shalt  }
0x50: {  	_ =	shalt  }
0x51: {  	_ =	shalt  }
0x52: {  	_ =	shalt  }
0x53: {  	_ =	shalt  }
0x54: {  	_ =	shalt  }
0x55: {  	_ =	shalt  }
0x56: {  	_ =	shalt  }
0x57: {  	_ =	shalt  }
0x58: {  	_ =	shalt  }
0x59: {  	_ =	shalt  }
0x5a: {  	_ =	shalt  }
0x5b: {  	_ =	shalt  }
0x5c: {  	_ =	shalt  }
0x5d: {  	_ =	shalt  }
0x5e: {  	_ =	shalt  }
0x5f: {  	_ =	shalt  }
0x60: {  	_ =	shalt  }
0x61: {  	_ =	shalt  }
0x62: {  	_ =	shalt  }
0x63: {  	_ =	shalt  }
0x64: {  	_ =	shalt  }
0x65: {  	_ =	shalt  }
0x66: {  	_ =	shalt  }
0x67: {  	_ =	shalt  }
0x68: {  	_ =	shalt  }
0x69: {  	_ =	shalt  }
0x6a: {  	_ =	shalt  }
0x6b: {  	_ =	shalt  }
0x6c: {  	_ =	shalt  }
0x6d: {  	_ =	shalt  }
0x6e: {  	_ =	shalt  }
0x6f: {  	_ =	shalt  }
0x70: {  	_ =	shalt  }
0x71: {  	_ =	shalt  }
0x72: {  	_ =	shalt  }
0x73: {  	_ =	shalt  }
0x74: {  	_ =	shalt  }
0x75: {  	_ =	shalt  }
0x76: {  	_ =	shalt  }
0x77: {  	_ =	shalt  }
0x78: {  	_ =	shalt  }
0x79: {  	_ =	shalt  }
0x7a: {  	_ =	shalt  }
0x7b: {  	_ =	shalt  }
0x7c: {  	_ =	shalt  }
0x7d: {  	_ =	shalt  }
0x7e: {  	_ =	shalt  }
0x7f: {  	_ =	shalt  }
0x80: {  	_ =	shalt  }
0x81: {  	_ =	shalt  }
0x82: {  	_ =	shalt  }
0x83: {  	_ =	shalt  }
0x84: {  	_ =	shalt  }
0x85: {  	_ =	shalt  }
0x86: {  	_ =	shalt  }
0x87: {  	_ =	shalt  }
.Lfunc_end0:
.L_simem_size_0:
called_computation.1_lowered:
.L_overlay_start_0:
0x88: {  	s2 =	sld [smem:$0x3FD9]  }
0x89: {  	s3 =	sld [smem:$0x3FFE];
	_ =	sdelay $0x1  }
0x8a: {  	s1 =	srdreg.scid  }
0x8b: {  	s0 =	sand.u32 $0x1, s1  }
0x8c: {  	s17 =	sshll.u32 s0, $0xA;
	s2 =	sadd.s32 s3, s2  }
0x8d: {  	s2 =	sadd.s32 s2, s17  }
0x8e: {  	[smem:$0x3FBF] =	sst s2  }
0x8f: {  	_ = 	snop  }
0x90: {  	s2 =	sld [smem:$0x3FD0];
	(tm) =	ssettm $0x1  }
0x91: {  	s18 =	sld [smem:$0x3FFB];
	_ =	sdelay $0x3  }
0x92: {  	_ =	strace s18  }
0x93: {  	s3 =	sld [smem:$0x3FFC];
	_ =	sdelay $0x3  }
0x94: {  	_ =	strace s3  }
0x95: {  	s3 =	sld [smem:$0x3FFD];
	_ =	sdelay $0x3  }
0x96: {  	_ =	strace s3  }
0x97: {  	_ =	strace $0x8FFFFFFF  }
0x98: {  	s19 =	sld [smem:$0x3FDB];
	_ =	sdelay $0x1  }
0x99: {  	s4 =	simm.s32 $_scs_section_size  }
0x9a: {  	s5 =	simm.s32 $_size__tile_overlayer_lowered;
	s6 =	simm.s32 $_tile_overlayer_lowered  }
0x9b: {  	s22 =	simm.s32 $0x1BFF;
	s21 =	sshll.u32 s6, $0x1;
	s3 =	sadd.s32 s4, s19  }
0x9c: {  	s7 =	simm.s32 $0x0;
	s20 =	sshll.u32 s5, $0x1;
	s5 =	sadd.s32 s21, s3  }
0x9d: {  	[timem:s7], [sflag:s22] =	dma.local [hbm:s5], s20  }
0x9e: {  	_ =	swait.ge [sflag:s22], s20  }
0x9f: {  	s4 =	ssub.s32 $0x0, s20;
	[sflag:s22] =	ssyncset.done $0x0  }
0xa0: {  	[sflag:s22] =	ssyncadd.s32 s4;
	_ =	sdelay $0x1  }
0xa1: {  	s23 =	simm.s32 $0x1B8B  }
0xa2: {  	_ =	swait.ge [sflag:s23], $0x1  }
0xa3: {  	[sflag:s23] =	ssyncset.done $0x0  }
0xa4: {  	s25 =	simm.s32 $0x1B8E;
	s24 =	sld [smem:$0x3FFE];
	[sflag:s23] =	ssyncadd.s32 $0xFFFFFFFF  }
0xa5: {  	s26 =	simm.s32 $execute0_lowered;
	[smem:$0x3FD2] =	sst s25  }
0xa6: {  	s5 =	sshll.u32 s26, $0x1;
	_ =	strace $0x80000049;
	[dreg:$0x1] =	wrdreg $0xFFFFFFFF  }
0xa7: {  	s28 =	simm.s32 $_size_execute0_lowered;
	s3 =	sadd.s32 s3, s5;
	[dreg:$0x0] =	wrdreg $0x0  }
0xa8: {  	s5 =	sshll.u32 s28, $0x1;
	[dreg:$0x2] =	wrdreg s3  }
0xa9: {  	[dreg:$0x3] =	wrdreg s5  }
0xaa: {  	[dreg:$0x4] =	wrdreg $0xC0  }
0xab: {  	_ =	task [dreg:s7], $0x5FFFF  }
0xac: {  	[dreg:$0x1] =	wrdreg $0xFFFFFFFF  }
0xad: {  	[dreg:$0x0] =	wrdreg $0x60  }
0xae: {  	[dreg:$0x2] =	wrdreg s24  }
0xaf: {  	[dreg:$0x3] =	wrdreg s2  }
0xb0: {  	[dreg:$0x4] =	wrdreg $0xA4000  }
0xb1: {  	[dreg:$0x5] =	wrdreg $0x9  }
0xb2: {  	_ =	task.clear_ibuf [dreg:s7], $0x6FFFF;
	_ =	strace $0x90000049  }
0xb3: {  	s29 =	simm.s32 $0x9;
	_ =	strace $0x8000004B  }
0xb4: {  	_ =	swait.ge [sflag:s29], $0x1  }
0xb5: {  	[sflag:s29] =	ssyncadd.s32 $0xFFFFFFFF  }
0xb6: {  	_ =	strace $0x9000004B  }
0xb7: {  	_ =	sfence  }
0xb8: {  	s30 =	sld [smem:$0x0];
	_ =	sdelay $0x2  }
0xb9: {  	s31 =	sshll.u32 s1, $0xD;
	s1 =	sshrl.u32 s1, $0x2  }
0xba: {  	s3 =	sand.u32 $0x4000, s31;
	s1 =	sadd.s32 s1, s30  }
0xbb: {  	s0 =	sor.u32 s3, s0;
	s1 =	sshll.u32 s1, $0x11  }
0xbc: {  	s0 =	sor.u32 s1, s0  }
0xbd: {  	s0 =	sadd.s32 $0x8F2B, s0  }
0xbe: {  	[sflag:s0] =	ssyncadd.remote.s32 $0x1  }
0xbf: {  	_ =	sfence.sel $0xFFFF  }
0xc0: {  	[dreg:$0x0] =	wrdreg $0xFFFFFFFF;
	(pc) =	sbr.abs _section_cstart, $3  }
0xc1: {  	[dreg:$0x1] =	wrdreg $0xFFFFFFFF  }
0xc2: {  	_ =	task.clear_ibuf [dreg:s7], $0x2FFFF;
	_ =	strace $0x9FFFFFFF  }
0xc3: {  	(tm) =	ssettm $0x7FFFFFFF  }
tec
execute0_lowered:
.L_overlay_start_1:
0x0: {  	(tag) =	ssettag $0x1  }
0x1: {  	s5 =	rddreg [dreg:$0x0]  }
0x2: {  	s1 =	rddreg [dreg:$0x1]  }
0x3: {  	s2 =	rddreg [dreg:$0x2];
	s4 =	simm.s32 $0x0  }
0x4: {  	s0 =	srdreg.scid;
	s13 =	stileid.u32;
	s28 =	simm.s32 $0xD  }
0x5: {  	s30 =	simm.s32 $0x200;
	s31 =	simm.s32 $0x80;
	s29 =	simm.s32 $0x0  }
0x6: {  	[smem:$0x7FF] =	sst s4;
	s6 =	sand.u32 $0x1, s0;
	s7 =	smul.u32 $0x2800, s13  }
0x7: {  	s0 =	sadd.s32 $0x2200, s5;
	s9 =	sadd.s32 $0xC000, s5;
	s12 =	smul.u32 $0x2710, s13  }
0x8: {  	_ =	strace $0x8000004A;
	s3 =	sshll.u32 s6, $0x4;
	s8 =	smul.u32 $0x28000, s6  }
0x9: {  	s10 =	ssub.s32 $0x2, s6;
	s6 =	smul.u32 $0x27100, s6;
	s3 =	sor.u32 s13, s3  }
0xa: {  	s11 =	smul.u32 $0x2710, s3;
	s3 =	sadd.s32 s7, s5;
	s7 =	sadd.s32 s7, s8  }
0xb: {  	s22 =	sshrl.u32 s10, $0x1;
	s6 =	sadd.s32 s12, s6;
	s5 =	sadd.s32 s7, s5  }
0xc: {  	s7 =	ssub.s32 s10, s22;
	s12 =	sadd.s32 $0x2D0, s6;
	s21 =	sadd.s32 $0x280, s6  }
0xd: {  	s3 =	sadd.s32 $0x15E00, s3;
	s8 =	sshrl.u32 s11, $0x3;
	s19 =	sshrl.u32 s12, $0x3  }
0xe: {  	s22 =	sshrl.u32 s21, $0x3;
	[dreg:$0x1f] =	wrdreg s3;
	s23 =	sadd.s32 s0, s8  }
0xf: {  	s3 =	simm.s32 $0x100;
	s24 =	sadd.s32 s9, s8;
	[dreg:$0xc] =	wrdreg s23  }
0x10: {  	s25 =	sadd.s32 $0xA, s8;
	s20 =	sadd.s32 s19, s9;
	[dreg:$0xd] =	wrdreg s24  }
0x11: {  	s11 =	sadd.s32 $0x14, s8;
	s14 =	sadd.s32 s0, s25;
	[dreg:$0x4] =	wrdreg s20  }
0x12: {  	s15 =	sadd.s32 $0x1E, s8;
	s10 =	sadd.s32 s9, s25;
	[dreg:$0xe] =	wrdreg s14  }
0x13: {  	s17 =	sadd.s32 $0x28, s8;
	s26 =	sadd.s32 s0, s11;
	[dreg:$0xf] =	wrdreg s10  }
0x14: {  	s16 =	sadd.s32 s0, s15;
	s18 =	sadd.s32 s0, s17;
	[dreg:$0x10] =	wrdreg s26  }
0x15: {  	s23 =	sadd.s32 $0x32, s8;
	s24 =	sadd.s32 s22, s9;
	[dreg:$0x12] =	wrdreg s16  }
0x16: {  	s14 =	sadd.s32 s9, s11;
	s10 =	sadd.s32 s9, s15;
	[dreg:$0x14] =	wrdreg s18  }
0x17: {  	s11 =	sadd.s32 s9, s17;
	s25 =	sadd.s32 s0, s23;
	[dreg:$0x6] =	wrdreg s24  }
0x18: {  	s26 =	sadd.s32 $0x230, s6;
	s12 =	sadd.s32 s9, s23;
	[dreg:$0x11] =	wrdreg s14  }
0x19: {  	s6 =	sadd.s32 $0x1E0, s6;
	s18 =	sadd.s32 $0x4CE, s8;
	[dreg:$0x13] =	wrdreg s10  }
0x1a: {  	s23 =	sshll.u32 s13, $0x6;
	s24 =	sadd.s32 $0x3DE00, s5;
	[dreg:$0x15] =	wrdreg s11  }
0x1b: {  	s5 =	simm.s32 $0x300;
	s10 =	sadd.s32 s19, s0;
	[dreg:$0x16] =	wrdreg s25  }
0x1c: {  	[dreg:$0x17] =	wrdreg s12;
	s11 =	sadd.s32 s22, s0;
	s6 =	sshrl.u32 s6, $0x3  }
0x1d: {  	s14 =	sadd.s32 $0x4C4, s8;
	s8 =	sadd.s32 $0x4D8, s8;
	s19 =	smul.u32 $0x50000, s13  }
0x1e: {  	s20 =	sadd.s32 s0, s18;
	[smem:$0x7FB] =	sst s24;
	s25 =	smax.u32 s7, $0x1  }
0x1f: {  	s7 =	simm.s32 $0x50;
	s13 =	simm.s32 $0x3;
	[dreg:$0x5] =	wrdreg s10  }
0x20: {  	s24 =	simm.s32 $0xC;
	s10 =	sshrl.u32 s26, $0x3;
	[dreg:$0x7] =	wrdreg s11  }
0x21: {  	s15 =	sadd.s32 s6, s9;
	s16 =	sadd.s32 s0, s14;
	[dreg:$0x1a] =	wrdreg s20  }
0x22: {  	s17 =	sadd.s32 s9, s14;
	s26 =	sor.u32 $0x1C0D, s23;
	[smem:$0x7FC] =	sst s25  }
0x23: {  	s11 =	simm.s32 $0x180;
	s14 =	simm.s32 $0x5400;
	[dreg:$0xa] =	wrdreg s15  }
0x24: {  	s20 =	simm.s32 $0xA;
	s23 =	simm.s32 $0x8;
	[dreg:$0x18] =	wrdreg s16  }
0x25: {  	s12 =	sadd.s32 s10, s9;
	s10 =	sadd.s32 s10, s0;
	[dreg:$0x19] =	wrdreg s17  }
0x26: {  	s21 =	sshrl.u32 s19, $0x2;
	s15 =	simm.s32 $0x5;
	[smem:$0x7FD] =	sst s26  }
0x27: {  	s16 =	simm.s32 $0x9;
	s17 =	simm.s32 $0x4;
	[dreg:$0x8] =	wrdreg s12  }
0x28: {  	s19 =	simm.s32 $0x6;
	[dreg:$0x9] =	wrdreg s10;
	s10 =	sadd.s32 s9, s18  }
0x29: {  	s9 =	sadd.s32 s9, s8;
	s8 =	sadd.s32 s0, s8;
	[dreg:$0x1b] =	wrdreg s10  }
0x2a: {  	s0 =	sadd.s32 s6, s0;
	s22 =	sadd.s32 s21, s2;
	[dreg:$0x1c] =	wrdreg s9  }
0x2b: {  	s6 =	simm.s32 $0x1;
	s12 =	simm.s32 $0x380;
	[dreg:$0x1d] =	wrdreg s8  }
0x2c: {  	s18 =	simm.s32 $0x7C00;
	s21 =	simm.s32 $0x7;
	[dreg:$0xb] =	wrdreg s0  }
0x2d: {  	[dreg:$0x1e] =	wrdreg s22;
	s0 =	simm.s32 $0x280;
	s8 =	simm.s32 $0x400  }
0x2e: {  	s9 =	simm.s32 $0x2;
	s10 =	simm.s32 $0x2C00;
	s22 =	simm.s32 $0xB  }
.LBB2_1:
0x2f: {  	[smem:$0x7F9] =	sst s29  }
0x30: {  	s25 =	rddreg [dreg:$0x1e]  }
0x31: {  	s29 =	sshrl.u32 s25, $0x3;
	s25 =	rddreg [dreg:$0x1f]  }
0x32: {  	[smem:$0x7FA] =	sst s29  }
0x33: {  	[spmem:s29], [sflag:s26] =	dma.local [hbm:s25], $0x2800  }
0x34: {  	_ =	swait.ge [sflag:s28], $0x2800  }
0x35: {  	[sflag:s28] =	ssyncset.done $0x0  }
0x36: {  	[sflag:s28] =	ssyncadd.s32 $0xFFFFD800  }
0x37: {  	[bflag:$0x0] =	sbarrier.arrive $0xFFFF  }
0x38: {  	s26 =	rddreg [dreg:$0xc]  }
0x39: {  	[tilespmem:s4], [sflag:$0x1] =	stream.linear.gather [hbm4b:s26+s4], $0x50, $0x38;
	[tilespmem:$0x1E400] =	vst v63  }
0x3a: {  	s28 =	rddreg [dreg:$0xd]  }
0x3b: {  	[tilespmem:s30], [sflag:$0x1] =	stream.linear.gather [hbm4b:s28+s4], $0x50, $0x38;
	[tilespmem:$0x1E400] =	vst v63  }
0x3c: {  	s29 =	rddreg [dreg:$0xe]  }
0x3d: {  	[tilespmem:s31], [sflag:$0x2] =	stream.linear.gather [hbm4b:s29+s4], $0x50, $0x38;
	[tilespmem:$0x1E400] =	vst v63  }
0x3e: {  	s26 =	rddreg [dreg:$0xf]  }
0x3f: {  	[tilespmem:s0], [sflag:$0x2] =	stream.linear.gather [hbm4b:s26+s4], $0x50, $0x38;
	[tilespmem:$0x1E400] =	vst v63  }
0x40: {  	s28 =	rddreg [dreg:$0x10]  }
0x41: {  	[tilespmem:s3], [sflag:$0x3] =	stream.linear.gather [hbm4b:s28+s4], $0x50, $0x38;
	[tilespmem:$0x1E400] =	vst v63  }
0x42: {  	s29 =	rddreg [dreg:$0x11]  }
0x43: {  	[tilespmem:s5], [sflag:$0x3] =	stream.linear.gather [hbm4b:s29+s4], $0x50, $0x38;
	[tilespmem:$0x1E400] =	vst v63  }
0x44: {  	_ =	swait.ge [sflag:s6], $0x50  }
0x45: {  	[sflag:s6] =	ssyncset.done $0x0  }
0x46: {  	[sflag:s6] =	ssyncadd.s32 $0xFFFFFFB0  }
0x47: {  	_ =	swait.ge [sflag:s6], $0x50  }
0x48: {  	[sflag:s6] =	ssyncset.done $0x0  }
0x49: {  	[sflag:s6] =	ssyncadd.s32 $0xFFFFFFB0  }
0x4a: {  	[tilespmem:s8], [sflag:$0x5] =	stream.indirect.gather [hbm4b:s1+s7], $0x80, s4, s7, $0xb8;
	[tilespmem:$0x1E400] =	vst v63  }
0x4b: {  	_ =	swait.ge [sflag:s9], $0x50  }
0x4c: {  	[sflag:s9] =	ssyncset.done $0x0  }
0x4d: {  	[sflag:s9] =	ssyncadd.s32 $0xFFFFFFB0  }
0x4e: {  	_ =	swait.ge [sflag:s9], $0x50  }
0x4f: {  	[sflag:s9] =	ssyncset.done $0x0  }
0x50: {  	[sflag:s9] =	ssyncadd.s32 $0xFFFFFFB0  }
0x51: {  	[tilespmem:s10], [sflag:$0x6] =	stream.indirect.gather [hbm4b:s1+s7], $0x80, s31, s7, $0xb8;
	[tilespmem:$0x1E400] =	vst v63  }
0x52: {  	s26 =	rddreg [dreg:$0x12]  }
0x53: {  	[tilespmem:s11], [sflag:$0x4] =	stream.linear.gather [hbm4b:s26+s4], $0x50, $0x38;
	[tilespmem:$0x1E400] =	vst v63  }
0x54: {  	s28 =	rddreg [dreg:$0x13]  }
0x55: {  	[tilespmem:s12], [sflag:$0x4] =	stream.linear.gather [hbm4b:s28+s4], $0x50, $0x38;
	[tilespmem:$0x1E400] =	vst v63  }
0x56: {  	_ =	swait.ge [sflag:s13], $0x50  }
0x57: {  	[sflag:s13] =	ssyncset.done $0x0  }
0x58: {  	[sflag:s13] =	ssyncadd.s32 $0xFFFFFFB0  }
0x59: {  	_ =	swait.ge [sflag:s13], $0x50  }
0x5a: {  	[sflag:s13] =	ssyncset.done $0x0  }
0x5b: {  	[sflag:s13] =	ssyncadd.s32 $0xFFFFFFB0  }
0x5c: {  	[tilespmem:s14], [sflag:$0x7] =	stream.indirect.gather [hbm4b:s1+s7], $0x80, s3, s7, $0xb8;
	[tilespmem:$0x1E400] =	vst v63  }
0x5d: {  	_ =	swait.ge [sflag:s15], $0x2800  }
0x5e: {  	[sflag:s15] =	ssyncset.done $0x0  }
0x5f: {  	[sflag:s15] =	ssyncadd.s32 $0xFFFFD800  }
0x60: {  	[spmem:s2] =	stream.indirect.scatter.add.f32 [tilespmem:s8], [sflag:$0x9], $0x80, s30, s7, $0xb8;
	[tilespmem:$0x1E400] =	vst v63  }
0x61: {  	_ =	swait.ge [sflag:s16], $0x2800  }
0x62: {  	[sflag:s16] =	ssyncset.done $0x0  }
0x63: {  	s29 =	rddreg [dreg:$0x14];
	[sflag:s16] =	ssyncadd.s32 $0xFFFFD800  }
0x64: {  	[tilespmem:s4], [sflag:$0x1] =	stream.linear.gather [hbm4b:s29+s4], $0x50, $0x38;
	[tilespmem:$0x1E400] =	vst v63  }
0x65: {  	s26 =	rddreg [dreg:$0x15]  }
0x66: {  	[tilespmem:s30], [sflag:$0x1] =	stream.linear.gather [hbm4b:s26+s4], $0x50, $0x38;
	[tilespmem:$0x1E400] =	vst v63  }
0x67: {  	_ =	swait.ge [sflag:s17], $0x50  }
0x68: {  	[sflag:s17] =	ssyncset.done $0x0  }
0x69: {  	[sflag:s17] =	ssyncadd.s32 $0xFFFFFFB0  }
0x6a: {  	_ =	swait.ge [sflag:s17], $0x50  }
0x6b: {  	[sflag:s17] =	ssyncset.done $0x0  }
0x6c: {  	[sflag:s17] =	ssyncadd.s32 $0xFFFFFFB0  }
0x6d: {  	[tilespmem:s18], [sflag:$0x8] =	stream.indirect.gather [hbm4b:s1+s7], $0x80, s11, s7, $0xb8;
	[tilespmem:$0x1E400] =	vst v63  }
0x6e: {  	_ =	swait.ge [sflag:s19], $0x2800  }
0x6f: {  	[sflag:s19] =	ssyncset.done $0x0  }
0x70: {  	[sflag:s19] =	ssyncadd.s32 $0xFFFFD800  }
0x71: {  	[spmem:s2] =	stream.indirect.scatter.add.f32 [tilespmem:s10], [sflag:$0xA], $0x80, s0, s7, $0xb8;
	[tilespmem:$0x1E400] =	vst v63  }
0x72: {  	_ =	swait.ge [sflag:s20], $0x2800  }
0x73: {  	[sflag:s20] =	ssyncset.done $0x0  }
0x74: {  	s28 =	rddreg [dreg:$0x16];
	[sflag:s20] =	ssyncadd.s32 $0xFFFFD800  }
0x75: {  	[tilespmem:s31], [sflag:$0x2] =	stream.linear.gather [hbm4b:s28+s4], $0x50, $0x38;
	[tilespmem:$0x1E400] =	vst v63  }
0x76: {  	s29 =	rddreg [dreg:$0x17]  }
0x77: {  	[tilespmem:s0], [sflag:$0x2] =	stream.linear.gather [hbm4b:s29+s4], $0x50, $0x38;
	[tilespmem:$0x1E400] =	vst v63  }
0x78: {  	_ =	swait.ge [sflag:s6], $0x50  }
0x79: {  	[sflag:s6] =	ssyncset.done $0x0  }
0x7a: {  	[sflag:s6] =	ssyncadd.s32 $0xFFFFFFB0  }
0x7b: {  	_ =	swait.ge [sflag:s6], $0x50  }
0x7c: {  	[sflag:s6] =	ssyncset.done $0x0  }
0x7d: {  	[sflag:s6] =	ssyncadd.s32 $0xFFFFFFB0  }
0x7e: {  	[tilespmem:s8], [sflag:$0x5] =	stream.indirect.gather [hbm4b:s1+s7], $0x80, s4, s7, $0xb8;
	[tilespmem:$0x1E400] =	vst v63  }
0x7f: {  	_ =	swait.ge [sflag:s21], $0x2800  }
0x80: {  	[sflag:s21] =	ssyncset.done $0x0  }
0x81: {  	[sflag:s21] =	ssyncadd.s32 $0xFFFFD800  }
0x82: {  	[spmem:s2] =	stream.indirect.scatter.add.f32 [tilespmem:s14], [sflag:$0xB], $0x80, s5, s7, $0xb8;
	[tilespmem:$0x1E400] =	vst v63  }
0x83: {  	_ =	swait.ge [sflag:s22], $0x2800  }
0x84: {  	s26 =	rddreg [dreg:$0xb];
	[sflag:s22] =	ssyncset.done $0x0  }
0x85: {  	s28 =	rddreg [dreg:$0xa];
	[sflag:s22] =	ssyncadd.s32 $0xFFFFD800;
	s25 =	sadd.s32 $0x0, s26  }
0x86: {  	[tilespmem:s3], [sflag:$0x3] =	stream.linear.gather [hbm4b:s25+s4], $0x50, $0x38;
	[tilespmem:$0x1E400] =	vst v63  }
0x87: {  	s29 =	sadd.s32 $0x0, s28  }
0x88: {  	[tilespmem:s5], [sflag:$0x3] =	stream.linear.gather [hbm4b:s29+s4], $0x50, $0x38;
	[tilespmem:$0x1E400] =	vst v63  }
0x89: {  	_ =	swait.ge [sflag:s9], $0x50  }
0x8a: {  	[sflag:s9] =	ssyncset.done $0x0  }
0x8b: {  	[sflag:s9] =	ssyncadd.s32 $0xFFFFFFB0  }
0x8c: {  	_ =	swait.ge [sflag:s9], $0x50  }
0x8d: {  	[sflag:s9] =	ssyncset.done $0x0  }
0x8e: {  	[sflag:s9] =	ssyncadd.s32 $0xFFFFFFB0  }
0x8f: {  	[tilespmem:s10], [sflag:$0x6] =	stream.indirect.gather [hbm4b:s1+s7], $0x80, s31, s7, $0xb8;
	[tilespmem:$0x1E400] =	vst v63  }
0x90: {  	_ =	swait.ge [sflag:s23], $0x2800  }
0x91: {  	[sflag:s23] =	ssyncset.done $0x0  }
0x92: {  	[sflag:s23] =	ssyncadd.s32 $0xFFFFD800  }
0x93: {  	[spmem:s2] =	stream.indirect.scatter.add.f32 [tilespmem:s18], [sflag:$0xC], $0x80, s12, s7, $0xb8;
	[tilespmem:$0x1E400] =	vst v63  }
0x94: {  	_ =	swait.ge [sflag:s24], $0x2800  }
0x95: {  	s26 =	rddreg [dreg:$0x9];
	[sflag:s24] =	ssyncset.done $0x0  }
0x96: {  	s28 =	rddreg [dreg:$0x8];
	[sflag:s24] =	ssyncadd.s32 $0xFFFFD800;
	s25 =	sadd.s32 $0x0, s26  }
0x97: {  	[tilespmem:s11], [sflag:$0x4] =	stream.linear.gather [hbm4b:s25+s4], $0x50, $0x38;
	[tilespmem:$0x1E400] =	vst v63  }
0x98: {  	s29 =	sadd.s32 $0x0, s28  }
0x99: {  	[tilespmem:s12], [sflag:$0x4] =	stream.linear.gather [hbm4b:s29+s4], $0x50, $0x38;
	[tilespmem:$0x1E400] =	vst v63  }
0x9a: {  	_ =	swait.ge [sflag:s13], $0x50  }
0x9b: {  	[sflag:s13] =	ssyncset.done $0x0  }
0x9c: {  	[sflag:s13] =	ssyncadd.s32 $0xFFFFFFB0  }
0x9d: {  	_ =	swait.ge [sflag:s13], $0x50  }
0x9e: {  	[sflag:s13] =	ssyncset.done $0x0  }
0x9f: {  	[sflag:s13] =	ssyncadd.s32 $0xFFFFFFB0  }
0xa0: {  	[tilespmem:s14], [sflag:$0x7] =	stream.indirect.gather [hbm4b:s1+s7], $0x80, s3, s7, $0xb8;
	[tilespmem:$0x1E400] =	vst v63  }
0xa1: {  	_ =	swait.ge [sflag:s15], $0x2800  }
0xa2: {  	[sflag:s15] =	ssyncset.done $0x0  }
0xa3: {  	[sflag:s15] =	ssyncadd.s32 $0xFFFFD800  }
0xa4: {  	[spmem:s2] =	stream.indirect.scatter.add.f32 [tilespmem:s8], [sflag:$0x9], $0x80, s30, s7, $0xb8;
	[tilespmem:$0x1E400] =	vst v63  }
0xa5: {  	_ =	swait.ge [sflag:s16], $0x2800  }
0xa6: {  	s26 =	rddreg [dreg:$0x7];
	[sflag:s16] =	ssyncset.done $0x0  }
0xa7: {  	s28 =	rddreg [dreg:$0x6];
	[sflag:s16] =	ssyncadd.s32 $0xFFFFD800;
	s25 =	sadd.s32 $0x0, s26  }
0xa8: {  	[tilespmem:s4], [sflag:$0x1] =	stream.linear.gather [hbm4b:s25+s4], $0x50, $0x38;
	[tilespmem:$0x1E400] =	vst v63  }
0xa9: {  	s29 =	sadd.s32 $0x0, s28  }
0xaa: {  	[tilespmem:s30], [sflag:$0x1] =	stream.linear.gather [hbm4b:s29+s4], $0x50, $0x38;
	[tilespmem:$0x1E400] =	vst v63  }
0xab: {  	_ =	swait.ge [sflag:s17], $0x50  }
0xac: {  	[sflag:s17] =	ssyncset.done $0x0  }
0xad: {  	[sflag:s17] =	ssyncadd.s32 $0xFFFFFFB0  }
0xae: {  	_ =	swait.ge [sflag:s17], $0x50  }
0xaf: {  	[sflag:s17] =	ssyncset.done $0x0  }
0xb0: {  	[sflag:s17] =	ssyncadd.s32 $0xFFFFFFB0  }
0xb1: {  	[tilespmem:s18], [sflag:$0x8] =	stream.indirect.gather [hbm4b:s1+s7], $0x80, s11, s7, $0xb8;
	[tilespmem:$0x1E400] =	vst v63  }
0xb2: {  	_ =	swait.ge [sflag:s19], $0x2800  }
0xb3: {  	[sflag:s19] =	ssyncset.done $0x0  }
0xb4: {  	[sflag:s19] =	ssyncadd.s32 $0xFFFFD800  }
0xb5: {  	[spmem:s2] =	stream.indirect.scatter.add.f32 [tilespmem:s10], [sflag:$0xA], $0x80, s0, s7, $0xb8;
	[tilespmem:$0x1E400] =	vst v63  }
0xb6: {  	_ =	swait.ge [sflag:s20], $0x2800  }
0xb7: {  	s26 =	rddreg [dreg:$0x5];
	[sflag:s20] =	ssyncset.done $0x0  }
0xb8: {  	s28 =	rddreg [dreg:$0x4];
	[sflag:s20] =	ssyncadd.s32 $0xFFFFD800;
	s25 =	sadd.s32 $0x0, s26  }
0xb9: {  	[tilespmem:s31], [sflag:$0x2] =	stream.linear.gather [hbm4b:s25+s4], $0x50, $0x38;
	[tilespmem:$0x1E400] =	vst v63  }
0xba: {  	s29 =	sadd.s32 $0x0, s28  }
0xbb: {  	[tilespmem:s0], [sflag:$0x2] =	stream.linear.gather [hbm4b:s29+s4], $0x50, $0x38;
	[tilespmem:$0x1E400] =	vst v63  }
0xbc: {  	_ =	swait.ge [sflag:s6], $0x50  }
0xbd: {  	[sflag:s6] =	ssyncset.done $0x0  }
0xbe: {  	[sflag:s6] =	ssyncadd.s32 $0xFFFFFFB0  }
0xbf: {  	_ =	swait.ge [sflag:s6], $0x50  }
0xc0: {  	[sflag:s6] =	ssyncset.done $0x0  }
0xc1: {  	[sflag:s6] =	ssyncadd.s32 $0xFFFFFFB0  }
0xc2: {  	[tilespmem:s8], [sflag:$0x5] =	stream.indirect.gather [hbm4b:s1+s7], $0x80, s4, s7, $0xb8;
	[tilespmem:$0x1E400] =	vst v63  }
0xc3: {  	_ =	swait.ge [sflag:s21], $0x2800  }
0xc4: {  	[sflag:s21] =	ssyncset.done $0x0  }
0xc5: {  	s25 =	simm.s32 $0x28;
	[sflag:s21] =	ssyncadd.s32 $0xFFFFD800  }
.LBB2_2:
0xc6: {  	[spmem:s2] =	stream.indirect.scatter.add.f32 [tilespmem:s14], [sflag:$0xB], $0x80, s5, s7, $0xb8;
	[tilespmem:$0x1E400] =	vst v63  }
0xc7: {  	_ =	swait.ge [sflag:s22], $0x2800  }
0xc8: {  	s29 =	smov.u32 s25;
	s28 =	rddreg [dreg:$0xb];
	[sflag:s22] =	ssyncset.done $0x0  }
0xc9: {  	s26 =	rddreg [dreg:$0xa];
	[sflag:s22] =	ssyncadd.s32 $0xFFFFD800;
	s28 =	sadd.s32 s29, s28  }
0xca: {  	[tilespmem:s3], [sflag:$0x3] =	stream.linear.gather [hbm4b:s28+s4], $0x50, $0x38;
	[tilespmem:$0x1E400] =	vst v63  }
0xcb: {  	s26 =	sadd.s32 s29, s26  }
0xcc: {  	[tilespmem:s5], [sflag:$0x3] =	stream.linear.gather [hbm4b:s26+s4], $0x50, $0x38;
	[tilespmem:$0x1E400] =	vst v63  }
0xcd: {  	_ =	swait.ge [sflag:s9], $0x50  }
0xce: {  	[sflag:s9] =	ssyncset.done $0x0  }
0xcf: {  	[sflag:s9] =	ssyncadd.s32 $0xFFFFFFB0  }
0xd0: {  	_ =	swait.ge [sflag:s9], $0x50  }
0xd1: {  	[sflag:s9] =	ssyncset.done $0x0  }
0xd2: {  	[sflag:s9] =	ssyncadd.s32 $0xFFFFFFB0  }
0xd3: {  	[tilespmem:s10], [sflag:$0x6] =	stream.indirect.gather [hbm4b:s1+s7], $0x80, s31, s7, $0xb8;
	[tilespmem:$0x1E400] =	vst v63  }
0xd4: {  	_ =	swait.ge [sflag:s23], $0x2800  }
0xd5: {  	[sflag:s23] =	ssyncset.done $0x0  }
0xd6: {  	[sflag:s23] =	ssyncadd.s32 $0xFFFFD800  }
0xd7: {  	[spmem:s2] =	stream.indirect.scatter.add.f32 [tilespmem:s18], [sflag:$0xC], $0x80, s12, s7, $0xb8;
	[tilespmem:$0x1E400] =	vst v63  }
0xd8: {  	_ =	swait.ge [sflag:s24], $0x2800  }
0xd9: {  	s26 =	rddreg [dreg:$0x9];
	[sflag:s24] =	ssyncset.done $0x0  }
0xda: {  	s28 =	rddreg [dreg:$0x8];
	[sflag:s24] =	ssyncadd.s32 $0xFFFFD800;
	s26 =	sadd.s32 s29, s26  }
0xdb: {  	[tilespmem:s11], [sflag:$0x4] =	stream.linear.gather [hbm4b:s26+s4], $0x50, $0x38;
	[tilespmem:$0x1E400] =	vst v63  }
0xdc: {  	s28 =	sadd.s32 s29, s28  }
0xdd: {  	[tilespmem:s12], [sflag:$0x4] =	stream.linear.gather [hbm4b:s28+s4], $0x50, $0x38;
	[tilespmem:$0x1E400] =	vst v63  }
0xde: {  	_ =	swait.ge [sflag:s13], $0x50  }
0xdf: {  	[sflag:s13] =	ssyncset.done $0x0  }
0xe0: {  	[sflag:s13] =	ssyncadd.s32 $0xFFFFFFB0  }
0xe1: {  	_ =	swait.ge [sflag:s13], $0x50  }
0xe2: {  	[sflag:s13] =	ssyncset.done $0x0  }
0xe3: {  	[sflag:s13] =	ssyncadd.s32 $0xFFFFFFB0  }
0xe4: {  	[tilespmem:s14], [sflag:$0x7] =	stream.indirect.gather [hbm4b:s1+s7], $0x80, s3, s7, $0xb8;
	[tilespmem:$0x1E400] =	vst v63  }
0xe5: {  	_ =	swait.ge [sflag:s15], $0x2800  }
0xe6: {  	[sflag:s15] =	ssyncset.done $0x0  }
0xe7: {  	[sflag:s15] =	ssyncadd.s32 $0xFFFFD800  }
0xe8: {  	[spmem:s2] =	stream.indirect.scatter.add.f32 [tilespmem:s8], [sflag:$0x9], $0x80, s30, s7, $0xb8;
	[tilespmem:$0x1E400] =	vst v63  }
0xe9: {  	_ =	swait.ge [sflag:s16], $0x2800  }
0xea: {  	s26 =	rddreg [dreg:$0x7];
	[sflag:s16] =	ssyncset.done $0x0  }
0xeb: {  	s28 =	rddreg [dreg:$0x6];
	[sflag:s16] =	ssyncadd.s32 $0xFFFFD800;
	s26 =	sadd.s32 s29, s26  }
0xec: {  	[tilespmem:s4], [sflag:$0x1] =	stream.linear.gather [hbm4b:s26+s4], $0x50, $0x38;
	[tilespmem:$0x1E400] =	vst v63  }
0xed: {  	s28 =	sadd.s32 s29, s28  }
0xee: {  	[tilespmem:s30], [sflag:$0x1] =	stream.linear.gather [hbm4b:s28+s4], $0x50, $0x38;
	[tilespmem:$0x1E400] =	vst v63  }
0xef: {  	_ =	swait.ge [sflag:s17], $0x50  }
0xf0: {  	[sflag:s17] =	ssyncset.done $0x0  }
0xf1: {  	[sflag:s17] =	ssyncadd.s32 $0xFFFFFFB0  }
0xf2: {  	_ =	swait.ge [sflag:s17], $0x50  }
0xf3: {  	[sflag:s17] =	ssyncset.done $0x0  }
0xf4: {  	[sflag:s17] =	ssyncadd.s32 $0xFFFFFFB0  }
0xf5: {  	[tilespmem:s18], [sflag:$0x8] =	stream.indirect.gather [hbm4b:s1+s7], $0x80, s11, s7, $0xb8;
	[tilespmem:$0x1E400] =	vst v63  }
0xf6: {  	_ =	swait.ge [sflag:s19], $0x2800  }
0xf7: {  	[sflag:s19] =	ssyncset.done $0x0  }
0xf8: {  	[sflag:s19] =	ssyncadd.s32 $0xFFFFD800  }
0xf9: {  	[spmem:s2] =	stream.indirect.scatter.add.f32 [tilespmem:s10], [sflag:$0xA], $0x80, s0, s7, $0xb8;
	[tilespmem:$0x1E400] =	vst v63  }
0xfa: {  	_ =	swait.ge [sflag:s20], $0x2800  }
0xfb: {  	s26 =	rddreg [dreg:$0x5];
	[sflag:s20] =	ssyncset.done $0x0  }
0xfc: {  	s28 =	rddreg [dreg:$0x4];
	[sflag:s20] =	ssyncadd.s32 $0xFFFFD800;
	s26 =	sadd.s32 s29, s26  }
0xfd: {  	[tilespmem:s31], [sflag:$0x2] =	stream.linear.gather [hbm4b:s26+s4], $0x50, $0x38;
	[tilespmem:$0x1E400] =	vst v63  }
0xfe: {  	s29 =	sadd.s32 s29, s28  }
0xff: {  	[tilespmem:s0], [sflag:$0x2] =	stream.linear.gather [hbm4b:s29+s4], $0x50, $0x38;
	[tilespmem:$0x1E400] =	vst v63  }
0x100: {  	_ =	swait.ge [sflag:s6], $0x50  }
0x101: {  	[sflag:s6] =	ssyncset.done $0x0  }
0x102: {  	[sflag:s6] =	ssyncadd.s32 $0xFFFFFFB0  }
0x103: {  	_ =	swait.ge [sflag:s6], $0x50  }
0x104: {  	p0 =	sne.s32 s25, $0x460;
	[sflag:s6] =	ssyncset.done $0x0  }
.Ltmp0:
0x105: {  	[sflag:s6] =	ssyncadd.s32 $0xFFFFFFB0;
	(pc) =	sbr.rel @p0 .LBB2_2-.Ltmp0, $4  }
0x106: {  	[tilespmem:s8], [sflag:$0x5] =	stream.indirect.gather [hbm4b:s1+s7], $0x80, s4, s7, $0xb8;
	[tilespmem:$0x1E400] =	vst v63  }
0x107: {  	_ =	swait.ge [sflag:s21], $0x2800  }
0x108: {  	[sflag:s21] =	ssyncset.done $0x0  }
0x109: {  	s25 =	sadd.s32 $0x28, s25;
	[sflag:s21] =	ssyncadd.s32 $0xFFFFD800  }
0x10a: {  	[spmem:s2] =	stream.indirect.scatter.add.f32 [tilespmem:s14], [sflag:$0xB], $0x80, s5, s7, $0xb8;
	[tilespmem:$0x1E400] =	vst v63  }
0x10b: {  	_ =	swait.ge [sflag:s22], $0x2800  }
0x10c: {  	[sflag:s22] =	ssyncset.done $0x0  }
0x10d: {  	s25 =	rddreg [dreg:$0x18];
	[sflag:s22] =	ssyncadd.s32 $0xFFFFD800  }
0x10e: {  	[tilespmem:s3], [sflag:$0x3] =	stream.linear.gather [hbm4b:s25+s4], $0x50, $0x38;
	[tilespmem:$0x1E400] =	vst v63  }
0x10f: {  	s26 =	rddreg [dreg:$0x19]  }
0x110: {  	[tilespmem:s5], [sflag:$0x3] =	stream.linear.gather [hbm4b:s26+s4], $0x50, $0x38;
	[tilespmem:$0x1E400] =	vst v63  }
0x111: {  	_ =	swait.ge [sflag:s9], $0x50  }
0x112: {  	[sflag:s9] =	ssyncset.done $0x0  }
0x113: {  	[sflag:s9] =	ssyncadd.s32 $0xFFFFFFB0  }
0x114: {  	_ =	swait.ge [sflag:s9], $0x50  }
0x115: {  	[sflag:s9] =	ssyncset.done $0x0  }
0x116: {  	[sflag:s9] =	ssyncadd.s32 $0xFFFFFFB0  }
0x117: {  	[tilespmem:s10], [sflag:$0x6] =	stream.indirect.gather [hbm4b:s1+s7], $0x80, s31, s7, $0xb8;
	[tilespmem:$0x1E400] =	vst v63  }
0x118: {  	_ =	swait.ge [sflag:s23], $0x2800  }
0x119: {  	[sflag:s23] =	ssyncset.done $0x0  }
0x11a: {  	[sflag:s23] =	ssyncadd.s32 $0xFFFFD800  }
0x11b: {  	[spmem:s2] =	stream.indirect.scatter.add.f32 [tilespmem:s18], [sflag:$0xC], $0x80, s12, s7, $0xb8;
	[tilespmem:$0x1E400] =	vst v63  }
0x11c: {  	_ =	swait.ge [sflag:s24], $0x2800  }
0x11d: {  	[sflag:s24] =	ssyncset.done $0x0  }
0x11e: {  	s26 =	rddreg [dreg:$0x1a];
	[sflag:s24] =	ssyncadd.s32 $0xFFFFD800  }
0x11f: {  	[tilespmem:s11], [sflag:$0x4] =	stream.linear.gather [hbm4b:s26+s4], $0x50, $0x38;
	[tilespmem:$0x1E400] =	vst v63  }
0x120: {  	s26 =	rddreg [dreg:$0x1b]  }
0x121: {  	[tilespmem:s12], [sflag:$0x4] =	stream.linear.gather [hbm4b:s26+s4], $0x50, $0x38;
	[tilespmem:$0x1E400] =	vst v63  }
0x122: {  	_ =	swait.ge [sflag:s13], $0x50  }
0x123: {  	[sflag:s13] =	ssyncset.done $0x0  }
0x124: {  	[sflag:s13] =	ssyncadd.s32 $0xFFFFFFB0  }
0x125: {  	_ =	swait.ge [sflag:s13], $0x50  }
0x126: {  	[sflag:s13] =	ssyncset.done $0x0  }
0x127: {  	[sflag:s13] =	ssyncadd.s32 $0xFFFFFFB0  }
0x128: {  	[tilespmem:s14], [sflag:$0x7] =	stream.indirect.gather [hbm4b:s1+s7], $0x80, s3, s7, $0xb8;
	[tilespmem:$0x1E400] =	vst v63  }
0x129: {  	_ =	swait.ge [sflag:s15], $0x2800  }
0x12a: {  	[sflag:s15] =	ssyncset.done $0x0  }
0x12b: {  	[sflag:s15] =	ssyncadd.s32 $0xFFFFD800  }
0x12c: {  	[spmem:s2] =	stream.indirect.scatter.add.f32 [tilespmem:s8], [sflag:$0x9], $0x80, s30, s7, $0xb8;
	[tilespmem:$0x1E400] =	vst v63  }
0x12d: {  	_ =	swait.ge [sflag:s16], $0x2800  }
0x12e: {  	[sflag:s16] =	ssyncset.done $0x0  }
0x12f: {  	s26 =	rddreg [dreg:$0x1d];
	[sflag:s16] =	ssyncadd.s32 $0xFFFFD800  }
0x130: {  	[tilespmem:s4], [sflag:$0x1] =	stream.linear.gather [hbm4b:s26+s4], $0x50, $0x38;
	[tilespmem:$0x1E400] =	vst v63  }
0x131: {  	s26 =	rddreg [dreg:$0x1c]  }
0x132: {  	[tilespmem:s30], [sflag:$0x1] =	stream.linear.gather [hbm4b:s26+s4], $0x50, $0x38;
	[tilespmem:$0x1E400] =	vst v63  }
0x133: {  	_ =	swait.ge [sflag:s17], $0x50  }
0x134: {  	[sflag:s17] =	ssyncset.done $0x0  }
0x135: {  	[sflag:s17] =	ssyncadd.s32 $0xFFFFFFB0  }
0x136: {  	_ =	swait.ge [sflag:s17], $0x50  }
0x137: {  	[sflag:s17] =	ssyncset.done $0x0  }
0x138: {  	[sflag:s17] =	ssyncadd.s32 $0xFFFFFFB0  }
0x139: {  	[tilespmem:s18], [sflag:$0x8] =	stream.indirect.gather [hbm4b:s1+s7], $0x80, s11, s7, $0xb8;
	[tilespmem:$0x1E400] =	vst v63  }
0x13a: {  	_ =	swait.ge [sflag:s19], $0x2800  }
0x13b: {  	[sflag:s19] =	ssyncset.done $0x0  }
0x13c: {  	[sflag:s19] =	ssyncadd.s32 $0xFFFFD800  }
0x13d: {  	[spmem:s2] =	stream.indirect.scatter.add.f32 [tilespmem:s10], [sflag:$0xA], $0x80, s0, s7, $0xb8;
	[tilespmem:$0x1E400] =	vst v63  }
0x13e: {  	_ =	swait.ge [sflag:s20], $0x2800  }
0x13f: {  	[sflag:s20] =	ssyncset.done $0x0  }
0x140: {  	[sflag:s20] =	ssyncadd.s32 $0xFFFFD800  }
0x141: {  	_ =	swait.ge [sflag:s6], $0x50  }
0x142: {  	[sflag:s6] =	ssyncset.done $0x0  }
0x143: {  	[sflag:s6] =	ssyncadd.s32 $0xFFFFFFB0  }
0x144: {  	_ =	swait.ge [sflag:s6], $0x50  }
0x145: {  	[sflag:s6] =	ssyncset.done $0x0  }
0x146: {  	[sflag:s6] =	ssyncadd.s32 $0xFFFFFFB0  }
0x147: {  	[tilespmem:s8], [sflag:$0x5] =	stream.indirect.gather [hbm4b:s1+s7], $0x80, s4, s7, $0xb8;
	[tilespmem:$0x1E400] =	vst v63  }
0x148: {  	_ =	swait.ge [sflag:s21], $0x2800  }
0x149: {  	[sflag:s21] =	ssyncset.done $0x0  }
0x14a: {  	[sflag:s21] =	ssyncadd.s32 $0xFFFFD800  }
0x14b: {  	[spmem:s2] =	stream.indirect.scatter.add.f32 [tilespmem:s14], [sflag:$0xB], $0x80, s5, s7, $0xb8;
	[tilespmem:$0x1E400] =	vst v63  }
0x14c: {  	_ =	swait.ge [sflag:s22], $0x2800  }
0x14d: {  	[sflag:s22] =	ssyncset.done $0x0  }
0x14e: {  	[sflag:s22] =	ssyncadd.s32 $0xFFFFD800  }
0x14f: {  	_ =	swait.ge [sflag:s23], $0x2800  }
0x150: {  	[sflag:s23] =	ssyncset.done $0x0  }
0x151: {  	[sflag:s23] =	ssyncadd.s32 $0xFFFFD800  }
0x152: {  	[spmem:s2] =	stream.indirect.scatter.add.f32 [tilespmem:s18], [sflag:$0xC], $0x80, s12, s7, $0xb8;
	[tilespmem:$0x1E400] =	vst v63  }
0x153: {  	_ =	swait.ge [sflag:s24], $0x2800  }
0x154: {  	[sflag:s24] =	ssyncset.done $0x0  }
0x155: {  	[sflag:s24] =	ssyncadd.s32 $0xFFFFD800  }
0x156: {  	_ =	swait.ge [sflag:s15], $0x2800  }
0x157: {  	[sflag:s15] =	ssyncset.done $0x0  }
0x158: {  	[sflag:s15] =	ssyncadd.s32 $0xFFFFD800  }
0x159: {  	[spmem:s2] =	stream.indirect.scatter.add.f32 [tilespmem:s8], [sflag:$0x9], $0x80, s30, s7, $0xb8;
	[tilespmem:$0x1E400] =	vst v63  }
0x15a: {  	_ =	swait.ge [sflag:s16], $0x2800  }
0x15b: {  	[sflag:s16] =	ssyncset.done $0x0  }
0x15c: {  	[sflag:s16] =	ssyncadd.s32 $0xFFFFD800  }
0x15d: {  	[bflag:$0x0] =	sbarrier.arrive $0xFFFF  }
0x15e: {  	s26 =	sld [smem:$0x7FD]  }
0x15f: {  	s25 =	sld [smem:$0x7FB]  }
0x160: {  	s28 =	sld [smem:$0x7FA];
	_ =	sdelay $0x2  }
0x161: {  	[hbm:s25], [sflag:s26] =	dma.local [spmem:s28], $0x2800  }
0x162: {  	s28 =	simm.s32 $0xD  }
0x163: {  	_ =	swait.ge [sflag:s28], $0x2800  }
0x164: {  	s29 =	sld [smem:$0x7F9]  }
0x165: {  	s25 =	sld [smem:$0x7FC];
	_ =	sdelay $0x1  }
0x166: {  	s29 =	sadd.s32 $0x1, s29  }
0x167: {  	p0 =	sne.s32 s29, s25  }
.Ltmp1:
0x168: {  	_ = 	snop;
	(pc) =	sbr.rel @p0 .LBB2_1-.Ltmp1, $3  }
0x169: {  	_ =	sdelay $0x1  }
0x16a: {  	[sflag:s28] =	ssyncset.done $0x0  }
0x16b: {  	[sflag:s28] =	ssyncadd.s32 $0xFFFFD800  }
0x16c: {  	_ =	sfence.sel $0x180000  }
0x16d: {  	[bflag:$0x0] =	sbarrier.arrive $0xFFFF  }
0x16e: {  	_ =	strace $0x9000004A  }
0x16f: {  	s0 =	stileid.u32;
	[bflag:$0x2] =	sbarrier.arrive $0xFFFF  }
0x170: {  	p0 =	sne.s32 s0, $0x0;
	s0 =	rddreg [dreg:$0x3]  }
0x171: {  	s0 =	sadd.s32 @!p0 $0x100000, s0  }
0x172: {  	[sflag:s0] =	ssyncadd.tile.s32 @!p0 $0x1;
	_ =	shalt  }
.Lfunc_end2:
_tile_overlayer_lowered:
.L_overlay_start_2:
0x173: {  	(tag) =	ssettag $0x2  }
0x174: {  	s0 =	rddreg [dreg:$0x0];
	s2 =	stileid.u32  }
0x175: {  	s1 =	rddreg [dreg:$0x1];
	p0 =	sne.s32 s2, $0x0  }
0x176: {  	s3 =	rddreg [dreg:$0x2];
	[bflag:$0x3] =	sbarrier.arrive $0xFFFF;
	s2 =	simm.s32 @!p0 $0x1C0D  }
0x177: {  	[timem:s3], [sflag:s2] =	dma.local @!p0 [hbm:s0], s1  }
0x178: {  	s0 =	simm.s32 @!p0 $0xD  }
0x179: {  	_ =	swait.ge @!p0 [sflag:s0], s1  }
0x17a: {  	s1 =	ssub.s32 @!p0 $0x0, s1;
	[sflag:s0] =	ssyncset.done @!p0 $0x0  }
0x17b: {  	[sflag:s0] =	ssyncadd.s32 @!p0 s1  }
0x17c: {  	[bflag:$0x3] =	sbarrier.arrive $0xFFFF  }
0x17d: {  	_ =	shalt  }

// kernel: kernel.14.cloned.1.call-start
scs
__scs_entry_jumppad:
0x0: {  	(pc) =	sbr.rel $0x88, $3  }
0x1: {  	(tag) =	ssettag $0x0;
	lr =	simm.s32 $0x1  }
0x2: {  	[smem:$0x3F98] =	sst lr;
	_ =	strace $0xD0000000  }
0x3: {  	_ = 	snop  }
0x4: {  	_ = 	snop  }
0x5: {  	_ = 	snop  }
0x6: {  	_ = 	snop  }
0x7: {  	_ = 	snop  }
__scs_overlays_trampoline_lowered:
0x8: {  	[smem:$0x3FA7] =	sst s0  }
0x9: {  	[smem:$0x3FA8] =	sst s1  }
0xa: {  	[smem:$0x3FA9] =	sst s2  }
0xb: {  	[smem:$0x3FAA] =	sst s3  }
0xc: {  	[smem:$0x3FAB] =	sst s4  }
0xd: {  	[smem:$0x3FAC] =	sst s5  }
0xe: {  	[smem:$0x3FAD] =	sst s6  }
0xf: {  	[smem:$0x3FAE] =	sst s7  }
0x10: {  	[smem:$0x3FAF] =	sst s8  }
0x11: {  	[smem:$0x3FB0] =	sst s9;
	s0 =	simm.s32 @!p0 $0x0  }
0x12: {  	s1 =	sld [smem:$0x3F96];
	s0 =	simm.s32 @p0 $0x1  }
0x13: {  	[smem:$0x3FB1] =	sst s0;
	s0 =	simm.s32 @!p1 $0x0  }
0x14: {  	s2 =	sld [smem:$0x3F95];
	s0 =	simm.s32 @p1 $0x1  }
0x15: {  	[smem:$0x3FB2] =	sst s0;
	s0 =	simm.s32 @!p2 $0x0  }
0x16: {  	s3 =	sld [smem:$0x3FDB];
	s0 =	simm.s32 @p2 $0x1  }
0x17: {  	s4 =	simm.s32 $0x1BF5;
	[smem:$0x3FB4] =	sst s0  }
0x18: {  	s0 =	sld [smem:$0x3F97];
	_ =	swait.ge [sflag:s4], $0x0  }
0x19: {  	s7 =	sld [smem:$0x3F98]  }
0x1a: {  	s8 =	sadd.s32 $0xFFFFE003, lr  }
0x1b: {  	s9 =	sadd.s32 $0xFFFFFEF7, lr;
	s5 =	simm.s32 $0xFFFFFFFF;
	p2 =	slt.u32 s8, $0xFFFFF086  }
0x1c: {  	p1 =	slt.u32 s9, $0xF7A;
	s5 =	simm.s32 @!p2 $0x0  }
0x1d: {  	s5 =	simm.s32 @p1 $0x1;
	p0 =	seq.s32 s7, s2  }
0x1e: {  	s7 =	smul.u32 @!p0 $0xF7A, s2;
	p2 =	seq.s32 @!p0 s5, $0x0  }
0x1f: {  	s9 =	smul.u32 $0xF7A, s1;
	s8 =	simm.s32 @!p0 $0x1BF5;
	p2 =	por !p2, p0  }
0x20: {  	[sflag:s8] =	ssyncset.s32 @!p0 $0xFFFFF086;
	s6 =	sadd.s32 @!p0 s3, s7;
	s7 =	simm.s32 @!p0 $0x108  }
0x21: {  	s3 =	sadd.s32 s3, s9;
	s6 =	sadd.s32 @!p0 $0x88, s6;
	s7 =	simm.s32 @p2 $0x1082  }
0x22: {  	[simem:s7], [sflag:s8] =	dma.local @!p0 [hbm:s6], $0xF7A  }
0x23: {  	s9 =	sor.u32 $0xD0000000, s2;
	s6 =	simm.s32 $0x108;
	_ =	swait.ge @!p0 [sflag:s8], $0x0  }
0x24: {  	s3 =	sadd.s32 $0x88, s3;
	s6 =	simm.s32 @!p1 $0x1082;
	[sflag:s4] =	ssyncset.s32 $0xFFFFF086  }
0x25: {  	[simem:s6], [sflag:s4] =	dma.local [hbm:s3], $0xF7A  }
0x26: {  	[smem:$0x3F98] =	sst s1;
	(tag) =	ssettag s2;
	_ =	strace s9  }
0x27: {  	s1 =	sld [smem:$0x3FA8]  }
0x28: {  	s2 =	sld [smem:$0x3FA9]  }
0x29: {  	s4 =	sld [smem:$0x3FAB]  }
0x2a: {  	p0 =	seq.s32 s5, $0x0;
	s5 =	sld [smem:$0x3FAC]  }
0x2b: {  	s6 =	sld [smem:$0x3FAD]  }
0x2c: {  	s7 =	sld [smem:$0x3FAE]  }
0x2d: {  	s3 =	simm.s32 $0x108;
	s8 =	sld [smem:$0x3FAF]  }
0x2e: {  	s3 =	simm.s32 @!p0 $0x1082;
	s9 =	sld [smem:$0x3FB0]  }
0x2f: {  	lr =	sadd.s32 s0, s3;
	s0 =	sld [smem:$0x3FA7]  }
0x30: {  	s3 =	sld [smem:$0x3FAA]  }
0x31: {  	[smem:$0x3FB3] =	sst s10  }
0x32: {  	s10 =	sld [smem:$0x3FB1];
	_ =	sdelay $0x3  }
0x33: {  	p0 =	seq.s32 s10, $0x1;
	s10 =	sld [smem:$0x3FB3];
	_ =	sdelay $0x3  }
0x34: {  	[smem:$0x3FB3] =	sst s10  }
0x35: {  	s10 =	sld [smem:$0x3FB2];
	_ =	sdelay $0x3  }
0x36: {  	p1 =	seq.s32 s10, $0x1;
	s10 =	sld [smem:$0x3FB3];
	_ =	sdelay $0x3  }
0x37: {  	[smem:$0x3FB3] =	sst s10  }
0x38: {  	s10 =	sld [smem:$0x3FB4]  }
0x39: {  	_ = 	snop;
	(pc) =	sbr.ind lr, $3  }
0x3a: {  	_ = 	snop  }
0x3b: {  	_ = 	snop  }
0x3c: {  	p2 =	seq.s32 s10, $0x1;
	s10 =	sld [smem:$0x3FB3]  }
0x3d: {  	_ =	shalt  }
0x3e: {  	_ =	shalt  }
0x3f: {  	_ =	shalt  }
0x40: {  	_ =	shalt  }
0x41: {  	_ =	shalt  }
0x42: {  	_ =	shalt  }
0x43: {  	_ =	shalt  }
0x44: {  	_ =	shalt  }
0x45: {  	_ =	shalt  }
0x46: {  	_ =	shalt  }
0x47: {  	_ =	shalt  }
0x48: {  	_ =	shalt  }
0x49: {  	_ =	shalt  }
0x4a: {  	_ =	shalt  }
0x4b: {  	_ =	shalt  }
0x4c: {  	_ =	shalt  }
0x4d: {  	_ =	shalt  }
0x4e: {  	_ =	shalt  }
0x4f: {  	_ =	shalt  }
0x50: {  	_ =	shalt  }
0x51: {  	_ =	shalt  }
0x52: {  	_ =	shalt  }
0x53: {  	_ =	shalt  }
0x54: {  	_ =	shalt  }
0x55: {  	_ =	shalt  }
0x56: {  	_ =	shalt  }
0x57: {  	_ =	shalt  }
0x58: {  	_ =	shalt  }
0x59: {  	_ =	shalt  }
0x5a: {  	_ =	shalt  }
0x5b: {  	_ =	shalt  }
0x5c: {  	_ =	shalt  }
0x5d: {  	_ =	shalt  }
0x5e: {  	_ =	shalt  }
0x5f: {  	_ =	shalt  }
0x60: {  	_ =	shalt  }
0x61: {  	_ =	shalt  }
0x62: {  	_ =	shalt  }
0x63: {  	_ =	shalt  }
0x64: {  	_ =	shalt  }
0x65: {  	_ =	shalt  }
0x66: {  	_ =	shalt  }
0x67: {  	_ =	shalt  }
0x68: {  	_ =	shalt  }
0x69: {  	_ =	shalt  }
0x6a: {  	_ =	shalt  }
0x6b: {  	_ =	shalt  }
0x6c: {  	_ =	shalt  }
0x6d: {  	_ =	shalt  }
0x6e: {  	_ =	shalt  }
0x6f: {  	_ =	shalt  }
0x70: {  	_ =	shalt  }
0x71: {  	_ =	shalt  }
0x72: {  	_ =	shalt  }
0x73: {  	_ =	shalt  }
0x74: {  	_ =	shalt  }
0x75: {  	_ =	shalt  }
0x76: {  	_ =	shalt  }
0x77: {  	_ =	shalt  }
0x78: {  	_ =	shalt  }
0x79: {  	_ =	shalt  }
0x7a: {  	_ =	shalt  }
0x7b: {  	_ =	shalt  }
0x7c: {  	_ =	shalt  }
0x7d: {  	_ =	shalt  }
0x7e: {  	_ =	shalt  }
0x7f: {  	_ =	shalt  }
0x80: {  	_ =	shalt  }
0x81: {  	_ =	shalt  }
0x82: {  	_ =	shalt  }
0x83: {  	_ =	shalt  }
0x84: {  	_ =	shalt  }
0x85: {  	_ =	shalt  }
0x86: {  	_ =	shalt  }
0x87: {  	_ =	shalt  }
.Lfunc_end0:
.L_simem_size_0:
called_computation.2_lowered:
.L_overlay_start_0:
0x88: {  	s2 =	sld [smem:$0x3FD9]  }
0x89: {  	s3 =	sld [smem:$0x3FFE];
	_ =	sdelay $0x1  }
0x8a: {  	s1 =	srdreg.scid  }
0x8b: {  	s0 =	sand.u32 $0x1, s1  }
0x8c: {  	s17 =	sshll.u32 s0, $0xA;
	s2 =	sadd.s32 s3, s2  }
0x8d: {  	s2 =	sadd.s32 s2, s17  }
0x8e: {  	[smem:$0x3FBF] =	sst s2  }
0x8f: {  	_ = 	snop  }
0x90: {  	s2 =	sld [smem:$0x3FD0];
	(tm) =	ssettm $0x1  }
0x91: {  	s18 =	sld [smem:$0x3FFB];
	_ =	sdelay $0x3  }
0x92: {  	_ =	strace s18  }
0x93: {  	s3 =	sld [smem:$0x3FFC];
	_ =	sdelay $0x3  }
0x94: {  	_ =	strace s3  }
0x95: {  	s3 =	sld [smem:$0x3FFD];
	_ =	sdelay $0x3  }
0x96: {  	_ =	strace s3  }
0x97: {  	_ =	strace $0x8FFFFFFF  }
0x98: {  	s19 =	sld [smem:$0x3FDB];
	_ =	sdelay $0x1  }
0x99: {  	s4 =	simm.s32 $_scs_section_size  }
0x9a: {  	s5 =	simm.s32 $_size__tile_overlayer_lowered;
	s6 =	simm.s32 $_tile_overlayer_lowered  }
0x9b: {  	s22 =	simm.s32 $0x1BFF;
	s21 =	sshll.u32 s6, $0x1;
	s3 =	sadd.s32 s4, s19  }
0x9c: {  	s7 =	simm.s32 $0x0;
	s20 =	sshll.u32 s5, $0x1;
	s5 =	sadd.s32 s21, s3  }
0x9d: {  	[timem:s7], [sflag:s22] =	dma.local [hbm:s5], s20  }
0x9e: {  	_ =	swait.ge [sflag:s22], s20  }
0x9f: {  	s4 =	ssub.s32 $0x0, s20;
	[sflag:s22] =	ssyncset.done $0x0  }
0xa0: {  	[sflag:s22] =	ssyncadd.s32 s4;
	_ =	sdelay $0x1  }
0xa1: {  	s23 =	simm.s32 $0x1B8B  }
0xa2: {  	_ =	swait.ge [sflag:s23], $0x1  }
0xa3: {  	[sflag:s23] =	ssyncset.done $0x0  }
0xa4: {  	s25 =	simm.s32 $0x1B8E;
	s24 =	sld [smem:$0x3FFE];
	[sflag:s23] =	ssyncadd.s32 $0xFFFFFFFF  }
0xa5: {  	s26 =	simm.s32 $execute0_lowered;
	[smem:$0x3FD2] =	sst s25  }
0xa6: {  	s5 =	sshll.u32 s26, $0x1;
	_ =	strace $0x8000004C;
	[dreg:$0x1] =	wrdreg $0xFFFFFFFF  }
0xa7: {  	s28 =	simm.s32 $_size_execute0_lowered;
	s3 =	sadd.s32 s3, s5;
	[dreg:$0x0] =	wrdreg $0x0  }
0xa8: {  	s5 =	sshll.u32 s28, $0x1;
	[dreg:$0x2] =	wrdreg s3  }
0xa9: {  	[dreg:$0x3] =	wrdreg s5  }
0xaa: {  	[dreg:$0x4] =	wrdreg $0xC0  }
0xab: {  	_ =	task [dreg:s7], $0x5FFFF  }
0xac: {  	[dreg:$0x1] =	wrdreg $0xFFFFFFFF  }
0xad: {  	[dreg:$0x0] =	wrdreg $0x60  }
0xae: {  	[dreg:$0x2] =	wrdreg s24  }
0xaf: {  	[dreg:$0x3] =	wrdreg s2  }
0xb0: {  	[dreg:$0x4] =	wrdreg $0xA4000  }
0xb1: {  	[dreg:$0x5] =	wrdreg $0x9  }
0xb2: {  	_ =	task.clear_ibuf [dreg:s7], $0x6FFFF;
	_ =	strace $0x9000004C  }
0xb3: {  	s29 =	simm.s32 $0x9;
	_ =	strace $0x8000004E  }
0xb4: {  	_ =	swait.ge [sflag:s29], $0x1  }
0xb5: {  	[sflag:s29] =	ssyncadd.s32 $0xFFFFFFFF  }
0xb6: {  	_ =	strace $0x9000004E  }
0xb7: {  	_ =	sfence  }
0xb8: {  	s30 =	sld [smem:$0x0];
	_ =	sdelay $0x2  }
0xb9: {  	s31 =	sshll.u32 s1, $0xD;
	s1 =	sshrl.u32 s1, $0x2  }
0xba: {  	s3 =	sand.u32 $0x4000, s31;
	s1 =	sadd.s32 s1, s30  }
0xbb: {  	s0 =	sor.u32 s3, s0;
	s1 =	sshll.u32 s1, $0x11  }
0xbc: {  	s0 =	sor.u32 s1, s0  }
0xbd: {  	s0 =	sadd.s32 $0x8F2B, s0  }
0xbe: {  	[sflag:s0] =	ssyncadd.remote.s32 $0x1  }
0xbf: {  	_ =	sfence.sel $0xFFFF  }
0xc0: {  	[dreg:$0x0] =	wrdreg $0xFFFFFFFF;
	(pc) =	sbr.abs _section_cstart, $3  }
0xc1: {  	[dreg:$0x1] =	wrdreg $0xFFFFFFFF  }
0xc2: {  	_ =	task.clear_ibuf [dreg:s7], $0x2FFFF;
	_ =	strace $0x9FFFFFFF  }
0xc3: {  	(tm) =	ssettm $0x7FFFFFFF  }
tec
execute0_lowered:
.L_overlay_start_1:
0x0: {  	(tag) =	ssettag $0x1  }
0x1: {  	s5 =	rddreg [dreg:$0x0]  }
0x2: {  	s1 =	rddreg [dreg:$0x1]  }
0x3: {  	s2 =	rddreg [dreg:$0x2];
	s4 =	simm.s32 $0x0  }
0x4: {  	s0 =	srdreg.scid;
	s13 =	stileid.u32;
	s28 =	simm.s32 $0xD  }
0x5: {  	s30 =	simm.s32 $0x200;
	s31 =	simm.s32 $0x80;
	s29 =	simm.s32 $0x0  }
0x6: {  	[smem:$0x7FF] =	sst s4;
	s6 =	sand.u32 $0x1, s0;
	s7 =	smul.u32 $0x2800, s13  }
0x7: {  	s0 =	sadd.s32 $0x2200, s5;
	s9 =	sadd.s32 $0xC000, s5;
	s12 =	smul.u32 $0x2710, s13  }
0x8: {  	_ =	strace $0x8000004D;
	s3 =	sshll.u32 s6, $0x4;
	s8 =	smul.u32 $0x28000, s6  }
0x9: {  	s10 =	ssub.s32 $0x2, s6;
	s6 =	smul.u32 $0x27100, s6;
	s3 =	sor.u32 s13, s3  }
0xa: {  	s11 =	smul.u32 $0x2710, s3;
	s3 =	sadd.s32 s7, s5;
	s7 =	sadd.s32 s7, s8  }
0xb: {  	s22 =	sshrl.u32 s10, $0x1;
	s6 =	sadd.s32 s12, s6;
	s5 =	sadd.s32 s7, s5  }
0xc: {  	s7 =	ssub.s32 s10, s22;
	s12 =	sadd.s32 $0x2D0, s6;
	s21 =	sadd.s32 $0x280, s6  }
0xd: {  	s3 =	sadd.s32 $0x15E00, s3;
	s8 =	sshrl.u32 s11, $0x3;
	s19 =	sshrl.u32 s12, $0x3  }
0xe: {  	s22 =	sshrl.u32 s21, $0x3;
	[dreg:$0x1f] =	wrdreg s3;
	s23 =	sadd.s32 s0, s8  }
0xf: {  	s3 =	simm.s32 $0x100;
	s24 =	sadd.s32 s9, s8;
	[dreg:$0xc] =	wrdreg s23  }
0x10: {  	s25 =	sadd.s32 $0xA, s8;
	s20 =	sadd.s32 s19, s9;
	[dreg:$0xd] =	wrdreg s24  }
0x11: {  	s11 =	sadd.s32 $0x14, s8;
	s14 =	sadd.s32 s0, s25;
	[dreg:$0x4] =	wrdreg s20  }
0x12: {  	s15 =	sadd.s32 $0x1E, s8;
	s10 =	sadd.s32 s9, s25;
	[dreg:$0xe] =	wrdreg s14  }
0x13: {  	s17 =	sadd.s32 $0x28, s8;
	s26 =	sadd.s32 s0, s11;
	[dreg:$0xf] =	wrdreg s10  }
0x14: {  	s16 =	sadd.s32 s0, s15;
	s18 =	sadd.s32 s0, s17;
	[dreg:$0x10] =	wrdreg s26  }
0x15: {  	s23 =	sadd.s32 $0x32, s8;
	s24 =	sadd.s32 s22, s9;
	[dreg:$0x12] =	wrdreg s16  }
0x16: {  	s14 =	sadd.s32 s9, s11;
	s10 =	sadd.s32 s9, s15;
	[dreg:$0x14] =	wrdreg s18  }
0x17: {  	s11 =	sadd.s32 s9, s17;
	s25 =	sadd.s32 s0, s23;
	[dreg:$0x6] =	wrdreg s24  }
0x18: {  	s26 =	sadd.s32 $0x230, s6;
	s12 =	sadd.s32 s9, s23;
	[dreg:$0x11] =	wrdreg s14  }
0x19: {  	s6 =	sadd.s32 $0x1E0, s6;
	s18 =	sadd.s32 $0x4CE, s8;
	[dreg:$0x13] =	wrdreg s10  }
0x1a: {  	s23 =	sshll.u32 s13, $0x6;
	s24 =	sadd.s32 $0x3DE00, s5;
	[dreg:$0x15] =	wrdreg s11  }
0x1b: {  	s5 =	simm.s32 $0x300;
	s10 =	sadd.s32 s19, s0;
	[dreg:$0x16] =	wrdreg s25  }
0x1c: {  	[dreg:$0x17] =	wrdreg s12;
	s11 =	sadd.s32 s22, s0;
	s6 =	sshrl.u32 s6, $0x3  }
0x1d: {  	s14 =	sadd.s32 $0x4C4, s8;
	s8 =	sadd.s32 $0x4D8, s8;
	s19 =	smul.u32 $0x50000, s13  }
0x1e: {  	s20 =	sadd.s32 s0, s18;
	[smem:$0x7FB] =	sst s24;
	s25 =	smax.u32 s7, $0x1  }
0x1f: {  	s7 =	simm.s32 $0x50;
	s13 =	simm.s32 $0x3;
	[dreg:$0x5] =	wrdreg s10  }
0x20: {  	s24 =	simm.s32 $0xC;
	s10 =	sshrl.u32 s26, $0x3;
	[dreg:$0x7] =	wrdreg s11  }
0x21: {  	s15 =	sadd.s32 s6, s9;
	s16 =	sadd.s32 s0, s14;
	[dreg:$0x1a] =	wrdreg s20  }
0x22: {  	s17 =	sadd.s32 s9, s14;
	s26 =	sor.u32 $0x1C0D, s23;
	[smem:$0x7FC] =	sst s25  }
0x23: {  	s11 =	simm.s32 $0x180;
	s14 =	simm.s32 $0x5400;
	[dreg:$0xa] =	wrdreg s15  }
0x24: {  	s20 =	simm.s32 $0xA;
	s23 =	simm.s32 $0x8;
	[dreg:$0x18] =	wrdreg s16  }
0x25: {  	s12 =	sadd.s32 s10, s9;
	s10 =	sadd.s32 s10, s0;
	[dreg:$0x19] =	wrdreg s17  }
0x26: {  	s21 =	sshrl.u32 s19, $0x2;
	s15 =	simm.s32 $0x5;
	[smem:$0x7FD] =	sst s26  }
0x27: {  	s16 =	simm.s32 $0x9;
	s17 =	simm.s32 $0x4;
	[dreg:$0x8] =	wrdreg s12  }
0x28: {  	s19 =	simm.s32 $0x6;
	[dreg:$0x9] =	wrdreg s10;
	s10 =	sadd.s32 s9, s18  }
0x29: {  	s9 =	sadd.s32 s9, s8;
	s8 =	sadd.s32 s0, s8;
	[dreg:$0x1b] =	wrdreg s10  }
0x2a: {  	s0 =	sadd.s32 s6, s0;
	s22 =	sadd.s32 s21, s2;
	[dreg:$0x1c] =	wrdreg s9  }
0x2b: {  	s6 =	simm.s32 $0x1;
	s12 =	simm.s32 $0x380;
	[dreg:$0x1d] =	wrdreg s8  }
0x2c: {  	s18 =	simm.s32 $0x7C00;
	s21 =	simm.s32 $0x7;
	[dreg:$0xb] =	wrdreg s0  }
0x2d: {  	[dreg:$0x1e] =	wrdreg s22;
	s0 =	simm.s32 $0x280;
	s8 =	simm.s32 $0x400  }
0x2e: {  	s9 =	simm.s32 $0x2;
	s10 =	simm.s32 $0x2C00;
	s22 =	simm.s32 $0xB  }
.LBB2_1:
0x2f: {  	[smem:$0x7F9] =	sst s29  }
0x30: {  	s25 =	rddreg [dreg:$0x1e]  }
0x31: {  	s29 =	sshrl.u32 s25, $0x3;
	s25 =	rddreg [dreg:$0x1f]  }
0x32: {  	[smem:$0x7FA] =	sst s29  }
0x33: {  	[spmem:s29], [sflag:s26] =	dma.local [hbm:s25], $0x2800  }
0x34: {  	_ =	swait.ge [sflag:s28], $0x2800  }
0x35: {  	[sflag:s28] =	ssyncset.done $0x0  }
0x36: {  	[sflag:s28] =	ssyncadd.s32 $0xFFFFD800  }
0x37: {  	[bflag:$0x0] =	sbarrier.arrive $0xFFFF  }
0x38: {  	s26 =	rddreg [dreg:$0xc]  }
0x39: {  	[tilespmem:s4], [sflag:$0x1] =	stream.linear.gather [hbm4b:s26+s4], $0x50, $0x38;
	[tilespmem:$0x1E400] =	vst v63  }
0x3a: {  	s28 =	rddreg [dreg:$0xd]  }
0x3b: {  	[tilespmem:s30], [sflag:$0x1] =	stream.linear.gather [hbm4b:s28+s4], $0x50, $0x38;
	[tilespmem:$0x1E400] =	vst v63  }
0x3c: {  	s29 =	rddreg [dreg:$0xe]  }
0x3d: {  	[tilespmem:s31], [sflag:$0x2] =	stream.linear.gather [hbm4b:s29+s4], $0x50, $0x38;
	[tilespmem:$0x1E400] =	vst v63  }
0x3e: {  	s26 =	rddreg [dreg:$0xf]  }
0x3f: {  	[tilespmem:s0], [sflag:$0x2] =	stream.linear.gather [hbm4b:s26+s4], $0x50, $0x38;
	[tilespmem:$0x1E400] =	vst v63  }
0x40: {  	s28 =	rddreg [dreg:$0x10]  }
0x41: {  	[tilespmem:s3], [sflag:$0x3] =	stream.linear.gather [hbm4b:s28+s4], $0x50, $0x38;
	[tilespmem:$0x1E400] =	vst v63  }
0x42: {  	s29 =	rddreg [dreg:$0x11]  }
0x43: {  	[tilespmem:s5], [sflag:$0x3] =	stream.linear.gather [hbm4b:s29+s4], $0x50, $0x38;
	[tilespmem:$0x1E400] =	vst v63  }
0x44: {  	_ =	swait.ge [sflag:s6], $0x50  }
0x45: {  	[sflag:s6] =	ssyncset.done $0x0  }
0x46: {  	[sflag:s6] =	ssyncadd.s32 $0xFFFFFFB0  }
0x47: {  	_ =	swait.ge [sflag:s6], $0x50  }
0x48: {  	[sflag:s6] =	ssyncset.done $0x0  }
0x49: {  	[sflag:s6] =	ssyncadd.s32 $0xFFFFFFB0  }
0x4a: {  	[tilespmem:s8], [sflag:$0x5] =	stream.indirect.gather [hbm4b:s1+s7], $0x80, s4, s7, $0xb8;
	[tilespmem:$0x1E400] =	vst v63  }
0x4b: {  	_ =	swait.ge [sflag:s9], $0x50  }
0x4c: {  	[sflag:s9] =	ssyncset.done $0x0  }
0x4d: {  	[sflag:s9] =	ssyncadd.s32 $0xFFFFFFB0  }
0x4e: {  	_ =	swait.ge [sflag:s9], $0x50  }
0x4f: {  	[sflag:s9] =	ssyncset.done $0x0  }
0x50: {  	[sflag:s9] =	ssyncadd.s32 $0xFFFFFFB0  }
0x51: {  	[tilespmem:s10], [sflag:$0x6] =	stream.indirect.gather [hbm4b:s1+s7], $0x80, s31, s7, $0xb8;
	[tilespmem:$0x1E400] =	vst v63  }
0x52: {  	s26 =	rddreg [dreg:$0x12]  }
0x53: {  	[tilespmem:s11], [sflag:$0x4] =	stream.linear.gather [hbm4b:s26+s4], $0x50, $0x38;
	[tilespmem:$0x1E400] =	vst v63  }
0x54: {  	s28 =	rddreg [dreg:$0x13]  }
0x55: {  	[tilespmem:s12], [sflag:$0x4] =	stream.linear.gather [hbm4b:s28+s4], $0x50, $0x38;
	[tilespmem:$0x1E400] =	vst v63  }
0x56: {  	_ =	swait.ge [sflag:s13], $0x50  }
0x57: {  	[sflag:s13] =	ssyncset.done $0x0  }
0x58: {  	[sflag:s13] =	ssyncadd.s32 $0xFFFFFFB0  }
0x59: {  	_ =	swait.ge [sflag:s13], $0x50  }
0x5a: {  	[sflag:s13] =	ssyncset.done $0x0  }
0x5b: {  	[sflag:s13] =	ssyncadd.s32 $0xFFFFFFB0  }
0x5c: {  	[tilespmem:s14], [sflag:$0x7] =	stream.indirect.gather [hbm4b:s1+s7], $0x80, s3, s7, $0xb8;
	[tilespmem:$0x1E400] =	vst v63  }
0x5d: {  	_ =	swait.ge [sflag:s15], $0x2800  }
0x5e: {  	[sflag:s15] =	ssyncset.done $0x0  }
0x5f: {  	[sflag:s15] =	ssyncadd.s32 $0xFFFFD800  }
0x60: {  	[spmem:s2] =	stream.indirect.scatter.add.f32 [tilespmem:s8], [sflag:$0x9], $0x80, s30, s7, $0xb8;
	[tilespmem:$0x1E400] =	vst v63  }
0x61: {  	_ =	swait.ge [sflag:s16], $0x2800  }
0x62: {  	[sflag:s16] =	ssyncset.done $0x0  }
0x63: {  	s29 =	rddreg [dreg:$0x14];
	[sflag:s16] =	ssyncadd.s32 $0xFFFFD800  }
0x64: {  	[tilespmem:s4], [sflag:$0x1] =	stream.linear.gather [hbm4b:s29+s4], $0x50, $0x38;
	[tilespmem:$0x1E400] =	vst v63  }
0x65: {  	s26 =	rddreg [dreg:$0x15]  }
0x66: {  	[tilespmem:s30], [sflag:$0x1] =	stream.linear.gather [hbm4b:s26+s4], $0x50, $0x38;
	[tilespmem:$0x1E400] =	vst v63  }
0x67: {  	_ =	swait.ge [sflag:s17], $0x50  }
0x68: {  	[sflag:s17] =	ssyncset.done $0x0  }
0x69: {  	[sflag:s17] =	ssyncadd.s32 $0xFFFFFFB0  }
0x6a: {  	_ =	swait.ge [sflag:s17], $0x50  }
0x6b: {  	[sflag:s17] =	ssyncset.done $0x0  }
0x6c: {  	[sflag:s17] =	ssyncadd.s32 $0xFFFFFFB0  }
0x6d: {  	[tilespmem:s18], [sflag:$0x8] =	stream.indirect.gather [hbm4b:s1+s7], $0x80, s11, s7, $0xb8;
	[tilespmem:$0x1E400] =	vst v63  }
0x6e: {  	_ =	swait.ge [sflag:s19], $0x2800  }
0x6f: {  	[sflag:s19] =	ssyncset.done $0x0  }
0x70: {  	[sflag:s19] =	ssyncadd.s32 $0xFFFFD800  }
0x71: {  	[spmem:s2] =	stream.indirect.scatter.add.f32 [tilespmem:s10], [sflag:$0xA], $0x80, s0, s7, $0xb8;
	[tilespmem:$0x1E400] =	vst v63  }
0x72: {  	_ =	swait.ge [sflag:s20], $0x2800  }
0x73: {  	[sflag:s20] =	ssyncset.done $0x0  }
0x74: {  	s28 =	rddreg [dreg:$0x16];
	[sflag:s20] =	ssyncadd.s32 $0xFFFFD800  }
0x75: {  	[tilespmem:s31], [sflag:$0x2] =	stream.linear.gather [hbm4b:s28+s4], $0x50, $0x38;
	[tilespmem:$0x1E400] =	vst v63  }
0x76: {  	s29 =	rddreg [dreg:$0x17]  }
0x77: {  	[tilespmem:s0], [sflag:$0x2] =	stream.linear.gather [hbm4b:s29+s4], $0x50, $0x38;
	[tilespmem:$0x1E400] =	vst v63  }
0x78: {  	_ =	swait.ge [sflag:s6], $0x50  }
0x79: {  	[sflag:s6] =	ssyncset.done $0x0  }
0x7a: {  	[sflag:s6] =	ssyncadd.s32 $0xFFFFFFB0  }
0x7b: {  	_ =	swait.ge [sflag:s6], $0x50  }
0x7c: {  	[sflag:s6] =	ssyncset.done $0x0  }
0x7d: {  	[sflag:s6] =	ssyncadd.s32 $0xFFFFFFB0  }
0x7e: {  	[tilespmem:s8], [sflag:$0x5] =	stream.indirect.gather [hbm4b:s1+s7], $0x80, s4, s7, $0xb8;
	[tilespmem:$0x1E400] =	vst v63  }
0x7f: {  	_ =	swait.ge [sflag:s21], $0x2800  }
0x80: {  	[sflag:s21] =	ssyncset.done $0x0  }
0x81: {  	[sflag:s21] =	ssyncadd.s32 $0xFFFFD800  }
0x82: {  	[spmem:s2] =	stream.indirect.scatter.add.f32 [tilespmem:s14], [sflag:$0xB], $0x80, s5, s7, $0xb8;
	[tilespmem:$0x1E400] =	vst v63  }
0x83: {  	_ =	swait.ge [sflag:s22], $0x2800  }
0x84: {  	s26 =	rddreg [dreg:$0xb];
	[sflag:s22] =	ssyncset.done $0x0  }
0x85: {  	s28 =	rddreg [dreg:$0xa];
	[sflag:s22] =	ssyncadd.s32 $0xFFFFD800;
	s25 =	sadd.s32 $0x0, s26  }
0x86: {  	[tilespmem:s3], [sflag:$0x3] =	stream.linear.gather [hbm4b:s25+s4], $0x50, $0x38;
	[tilespmem:$0x1E400] =	vst v63  }
0x87: {  	s29 =	sadd.s32 $0x0, s28  }
0x88: {  	[tilespmem:s5], [sflag:$0x3] =	stream.linear.gather [hbm4b:s29+s4], $0x50, $0x38;
	[tilespmem:$0x1E400] =	vst v63  }
0x89: {  	_ =	swait.ge [sflag:s9], $0x50  }
0x8a: {  	[sflag:s9] =	ssyncset.done $0x0  }
0x8b: {  	[sflag:s9] =	ssyncadd.s32 $0xFFFFFFB0  }
0x8c: {  	_ =	swait.ge [sflag:s9], $0x50  }
0x8d: {  	[sflag:s9] =	ssyncset.done $0x0  }
0x8e: {  	[sflag:s9] =	ssyncadd.s32 $0xFFFFFFB0  }
0x8f: {  	[tilespmem:s10], [sflag:$0x6] =	stream.indirect.gather [hbm4b:s1+s7], $0x80, s31, s7, $0xb8;
	[tilespmem:$0x1E400] =	vst v63  }
0x90: {  	_ =	swait.ge [sflag:s23], $0x2800  }
0x91: {  	[sflag:s23] =	ssyncset.done $0x0  }
0x92: {  	[sflag:s23] =	ssyncadd.s32 $0xFFFFD800  }
0x93: {  	[spmem:s2] =	stream.indirect.scatter.add.f32 [tilespmem:s18], [sflag:$0xC], $0x80, s12, s7, $0xb8;
	[tilespmem:$0x1E400] =	vst v63  }
0x94: {  	_ =	swait.ge [sflag:s24], $0x2800  }
0x95: {  	s26 =	rddreg [dreg:$0x9];
	[sflag:s24] =	ssyncset.done $0x0  }
0x96: {  	s28 =	rddreg [dreg:$0x8];
	[sflag:s24] =	ssyncadd.s32 $0xFFFFD800;
	s25 =	sadd.s32 $0x0, s26  }
0x97: {  	[tilespmem:s11], [sflag:$0x4] =	stream.linear.gather [hbm4b:s25+s4], $0x50, $0x38;
	[tilespmem:$0x1E400] =	vst v63  }
0x98: {  	s29 =	sadd.s32 $0x0, s28  }
0x99: {  	[tilespmem:s12], [sflag:$0x4] =	stream.linear.gather [hbm4b:s29+s4], $0x50, $0x38;
	[tilespmem:$0x1E400] =	vst v63  }
0x9a: {  	_ =	swait.ge [sflag:s13], $0x50  }
0x9b: {  	[sflag:s13] =	ssyncset.done $0x0  }
0x9c: {  	[sflag:s13] =	ssyncadd.s32 $0xFFFFFFB0  }
0x9d: {  	_ =	swait.ge [sflag:s13], $0x50  }
0x9e: {  	[sflag:s13] =	ssyncset.done $0x0  }
0x9f: {  	[sflag:s13] =	ssyncadd.s32 $0xFFFFFFB0  }
0xa0: {  	[tilespmem:s14], [sflag:$0x7] =	stream.indirect.gather [hbm4b:s1+s7], $0x80, s3, s7, $0xb8;
	[tilespmem:$0x1E400] =	vst v63  }
0xa1: {  	_ =	swait.ge [sflag:s15], $0x2800  }
0xa2: {  	[sflag:s15] =	ssyncset.done $0x0  }
0xa3: {  	[sflag:s15] =	ssyncadd.s32 $0xFFFFD800  }
0xa4: {  	[spmem:s2] =	stream.indirect.scatter.add.f32 [tilespmem:s8], [sflag:$0x9], $0x80, s30, s7, $0xb8;
	[tilespmem:$0x1E400] =	vst v63  }
0xa5: {  	_ =	swait.ge [sflag:s16], $0x2800  }
0xa6: {  	s26 =	rddreg [dreg:$0x7];
	[sflag:s16] =	ssyncset.done $0x0  }
0xa7: {  	s28 =	rddreg [dreg:$0x6];
	[sflag:s16] =	ssyncadd.s32 $0xFFFFD800;
	s25 =	sadd.s32 $0x0, s26  }
0xa8: {  	[tilespmem:s4], [sflag:$0x1] =	stream.linear.gather [hbm4b:s25+s4], $0x50, $0x38;
	[tilespmem:$0x1E400] =	vst v63  }
0xa9: {  	s29 =	sadd.s32 $0x0, s28  }
0xaa: {  	[tilespmem:s30], [sflag:$0x1] =	stream.linear.gather [hbm4b:s29+s4], $0x50, $0x38;
	[tilespmem:$0x1E400] =	vst v63  }
0xab: {  	_ =	swait.ge [sflag:s17], $0x50  }
0xac: {  	[sflag:s17] =	ssyncset.done $0x0  }
0xad: {  	[sflag:s17] =	ssyncadd.s32 $0xFFFFFFB0  }
0xae: {  	_ =	swait.ge [sflag:s17], $0x50  }
0xaf: {  	[sflag:s17] =	ssyncset.done $0x0  }
0xb0: {  	[sflag:s17] =	ssyncadd.s32 $0xFFFFFFB0  }
0xb1: {  	[tilespmem:s18], [sflag:$0x8] =	stream.indirect.gather [hbm4b:s1+s7], $0x80, s11, s7, $0xb8;
	[tilespmem:$0x1E400] =	vst v63  }
0xb2: {  	_ =	swait.ge [sflag:s19], $0x2800  }
0xb3: {  	[sflag:s19] =	ssyncset.done $0x0  }
0xb4: {  	[sflag:s19] =	ssyncadd.s32 $0xFFFFD800  }
0xb5: {  	[spmem:s2] =	stream.indirect.scatter.add.f32 [tilespmem:s10], [sflag:$0xA], $0x80, s0, s7, $0xb8;
	[tilespmem:$0x1E400] =	vst v63  }
0xb6: {  	_ =	swait.ge [sflag:s20], $0x2800  }
0xb7: {  	s26 =	rddreg [dreg:$0x5];
	[sflag:s20] =	ssyncset.done $0x0  }
0xb8: {  	s28 =	rddreg [dreg:$0x4];
	[sflag:s20] =	ssyncadd.s32 $0xFFFFD800;
	s25 =	sadd.s32 $0x0, s26  }
0xb9: {  	[tilespmem:s31], [sflag:$0x2] =	stream.linear.gather [hbm4b:s25+s4], $0x50, $0x38;
	[tilespmem:$0x1E400] =	vst v63  }
0xba: {  	s29 =	sadd.s32 $0x0, s28  }
0xbb: {  	[tilespmem:s0], [sflag:$0x2] =	stream.linear.gather [hbm4b:s29+s4], $0x50, $0x38;
	[tilespmem:$0x1E400] =	vst v63  }
0xbc: {  	_ =	swait.ge [sflag:s6], $0x50  }
0xbd: {  	[sflag:s6] =	ssyncset.done $0x0  }
0xbe: {  	[sflag:s6] =	ssyncadd.s32 $0xFFFFFFB0  }
0xbf: {  	_ =	swait.ge [sflag:s6], $0x50  }
0xc0: {  	[sflag:s6] =	ssyncset.done $0x0  }
0xc1: {  	[sflag:s6] =	ssyncadd.s32 $0xFFFFFFB0  }
0xc2: {  	[tilespmem:s8], [sflag:$0x5] =	stream.indirect.gather [hbm4b:s1+s7], $0x80, s4, s7, $0xb8;
	[tilespmem:$0x1E400] =	vst v63  }
0xc3: {  	_ =	swait.ge [sflag:s21], $0x2800  }
0xc4: {  	[sflag:s21] =	ssyncset.done $0x0  }
0xc5: {  	s25 =	simm.s32 $0x28;
	[sflag:s21] =	ssyncadd.s32 $0xFFFFD800  }
.LBB2_2:
0xc6: {  	[spmem:s2] =	stream.indirect.scatter.add.f32 [tilespmem:s14], [sflag:$0xB], $0x80, s5, s7, $0xb8;
	[tilespmem:$0x1E400] =	vst v63  }
0xc7: {  	_ =	swait.ge [sflag:s22], $0x2800  }
0xc8: {  	s29 =	smov.u32 s25;
	s28 =	rddreg [dreg:$0xb];
	[sflag:s22] =	ssyncset.done $0x0  }
0xc9: {  	s26 =	rddreg [dreg:$0xa];
	[sflag:s22] =	ssyncadd.s32 $0xFFFFD800;
	s28 =	sadd.s32 s29, s28  }
0xca: {  	[tilespmem:s3], [sflag:$0x3] =	stream.linear.gather [hbm4b:s28+s4], $0x50, $0x38;
	[tilespmem:$0x1E400] =	vst v63  }
0xcb: {  	s26 =	sadd.s32 s29, s26  }
0xcc: {  	[tilespmem:s5], [sflag:$0x3] =	stream.linear.gather [hbm4b:s26+s4], $0x50, $0x38;
	[tilespmem:$0x1E400] =	vst v63  }
0xcd: {  	_ =	swait.ge [sflag:s9], $0x50  }
0xce: {  	[sflag:s9] =	ssyncset.done $0x0  }
0xcf: {  	[sflag:s9] =	ssyncadd.s32 $0xFFFFFFB0  }
0xd0: {  	_ =	swait.ge [sflag:s9], $0x50  }
0xd1: {  	[sflag:s9] =	ssyncset.done $0x0  }
0xd2: {  	[sflag:s9] =	ssyncadd.s32 $0xFFFFFFB0  }
0xd3: {  	[tilespmem:s10], [sflag:$0x6] =	stream.indirect.gather [hbm4b:s1+s7], $0x80, s31, s7, $0xb8;
	[tilespmem:$0x1E400] =	vst v63  }
0xd4: {  	_ =	swait.ge [sflag:s23], $0x2800  }
0xd5: {  	[sflag:s23] =	ssyncset.done $0x0  }
0xd6: {  	[sflag:s23] =	ssyncadd.s32 $0xFFFFD800  }
0xd7: {  	[spmem:s2] =	stream.indirect.scatter.add.f32 [tilespmem:s18], [sflag:$0xC], $0x80, s12, s7, $0xb8;
	[tilespmem:$0x1E400] =	vst v63  }
0xd8: {  	_ =	swait.ge [sflag:s24], $0x2800  }
0xd9: {  	s26 =	rddreg [dreg:$0x9];
	[sflag:s24] =	ssyncset.done $0x0  }
0xda: {  	s28 =	rddreg [dreg:$0x8];
	[sflag:s24] =	ssyncadd.s32 $0xFFFFD800;
	s26 =	sadd.s32 s29, s26  }
0xdb: {  	[tilespmem:s11], [sflag:$0x4] =	stream.linear.gather [hbm4b:s26+s4], $0x50, $0x38;
	[tilespmem:$0x1E400] =	vst v63  }
0xdc: {  	s28 =	sadd.s32 s29, s28  }
0xdd: {  	[tilespmem:s12], [sflag:$0x4] =	stream.linear.gather [hbm4b:s28+s4], $0x50, $0x38;
	[tilespmem:$0x1E400] =	vst v63  }
0xde: {  	_ =	swait.ge [sflag:s13], $0x50  }
0xdf: {  	[sflag:s13] =	ssyncset.done $0x0  }
0xe0: {  	[sflag:s13] =	ssyncadd.s32 $0xFFFFFFB0  }
0xe1: {  	_ =	swait.ge [sflag:s13], $0x50  }
0xe2: {  	[sflag:s13] =	ssyncset.done $0x0  }
0xe3: {  	[sflag:s13] =	ssyncadd.s32 $0xFFFFFFB0  }
0xe4: {  	[tilespmem:s14], [sflag:$0x7] =	stream.indirect.gather [hbm4b:s1+s7], $0x80, s3, s7, $0xb8;
	[tilespmem:$0x1E400] =	vst v63  }
0xe5: {  	_ =	swait.ge [sflag:s15], $0x2800  }
0xe6: {  	[sflag:s15] =	ssyncset.done $0x0  }
0xe7: {  	[sflag:s15] =	ssyncadd.s32 $0xFFFFD800  }
0xe8: {  	[spmem:s2] =	stream.indirect.scatter.add.f32 [tilespmem:s8], [sflag:$0x9], $0x80, s30, s7, $0xb8;
	[tilespmem:$0x1E400] =	vst v63  }
0xe9: {  	_ =	swait.ge [sflag:s16], $0x2800  }
0xea: {  	s26 =	rddreg [dreg:$0x7];
	[sflag:s16] =	ssyncset.done $0x0  }
0xeb: {  	s28 =	rddreg [dreg:$0x6];
	[sflag:s16] =	ssyncadd.s32 $0xFFFFD800;
	s26 =	sadd.s32 s29, s26  }
0xec: {  	[tilespmem:s4], [sflag:$0x1] =	stream.linear.gather [hbm4b:s26+s4], $0x50, $0x38;
	[tilespmem:$0x1E400] =	vst v63  }
0xed: {  	s28 =	sadd.s32 s29, s28  }
0xee: {  	[tilespmem:s30], [sflag:$0x1] =	stream.linear.gather [hbm4b:s28+s4], $0x50, $0x38;
	[tilespmem:$0x1E400] =	vst v63  }
0xef: {  	_ =	swait.ge [sflag:s17], $0x50  }
0xf0: {  	[sflag:s17] =	ssyncset.done $0x0  }
0xf1: {  	[sflag:s17] =	ssyncadd.s32 $0xFFFFFFB0  }
0xf2: {  	_ =	swait.ge [sflag:s17], $0x50  }
0xf3: {  	[sflag:s17] =	ssyncset.done $0x0  }
0xf4: {  	[sflag:s17] =	ssyncadd.s32 $0xFFFFFFB0  }
0xf5: {  	[tilespmem:s18], [sflag:$0x8] =	stream.indirect.gather [hbm4b:s1+s7], $0x80, s11, s7, $0xb8;
	[tilespmem:$0x1E400] =	vst v63  }
0xf6: {  	_ =	swait.ge [sflag:s19], $0x2800  }
0xf7: {  	[sflag:s19] =	ssyncset.done $0x0  }
0xf8: {  	[sflag:s19] =	ssyncadd.s32 $0xFFFFD800  }
0xf9: {  	[spmem:s2] =	stream.indirect.scatter.add.f32 [tilespmem:s10], [sflag:$0xA], $0x80, s0, s7, $0xb8;
	[tilespmem:$0x1E400] =	vst v63  }
0xfa: {  	_ =	swait.ge [sflag:s20], $0x2800  }
0xfb: {  	s26 =	rddreg [dreg:$0x5];
	[sflag:s20] =	ssyncset.done $0x0  }
0xfc: {  	s28 =	rddreg [dreg:$0x4];
	[sflag:s20] =	ssyncadd.s32 $0xFFFFD800;
	s26 =	sadd.s32 s29, s26  }
0xfd: {  	[tilespmem:s31], [sflag:$0x2] =	stream.linear.gather [hbm4b:s26+s4], $0x50, $0x38;
	[tilespmem:$0x1E400] =	vst v63  }
0xfe: {  	s29 =	sadd.s32 s29, s28  }
0xff: {  	[tilespmem:s0], [sflag:$0x2] =	stream.linear.gather [hbm4b:s29+s4], $0x50, $0x38;
	[tilespmem:$0x1E400] =	vst v63  }
0x100: {  	_ =	swait.ge [sflag:s6], $0x50  }
0x101: {  	[sflag:s6] =	ssyncset.done $0x0  }
0x102: {  	[sflag:s6] =	ssyncadd.s32 $0xFFFFFFB0  }
0x103: {  	_ =	swait.ge [sflag:s6], $0x50  }
0x104: {  	p0 =	sne.s32 s25, $0x460;
	[sflag:s6] =	ssyncset.done $0x0  }
.Ltmp0:
0x105: {  	[sflag:s6] =	ssyncadd.s32 $0xFFFFFFB0;
	(pc) =	sbr.rel @p0 .LBB2_2-.Ltmp0, $4  }
0x106: {  	[tilespmem:s8], [sflag:$0x5] =	stream.indirect.gather [hbm4b:s1+s7], $0x80, s4, s7, $0xb8;
	[tilespmem:$0x1E400] =	vst v63  }
0x107: {  	_ =	swait.ge [sflag:s21], $0x2800  }
0x108: {  	[sflag:s21] =	ssyncset.done $0x0  }
0x109: {  	s25 =	sadd.s32 $0x28, s25;
	[sflag:s21] =	ssyncadd.s32 $0xFFFFD800  }
0x10a: {  	[spmem:s2] =	stream.indirect.scatter.add.f32 [tilespmem:s14], [sflag:$0xB], $0x80, s5, s7, $0xb8;
	[tilespmem:$0x1E400] =	vst v63  }
0x10b: {  	_ =	swait.ge [sflag:s22], $0x2800  }
0x10c: {  	[sflag:s22] =	ssyncset.done $0x0  }
0x10d: {  	s25 =	rddreg [dreg:$0x18];
	[sflag:s22] =	ssyncadd.s32 $0xFFFFD800  }
0x10e: {  	[tilespmem:s3], [sflag:$0x3] =	stream.linear.gather [hbm4b:s25+s4], $0x50, $0x38;
	[tilespmem:$0x1E400] =	vst v63  }
0x10f: {  	s26 =	rddreg [dreg:$0x19]  }
0x110: {  	[tilespmem:s5], [sflag:$0x3] =	stream.linear.gather [hbm4b:s26+s4], $0x50, $0x38;
	[tilespmem:$0x1E400] =	vst v63  }
0x111: {  	_ =	swait.ge [sflag:s9], $0x50  }
0x112: {  	[sflag:s9] =	ssyncset.done $0x0  }
0x113: {  	[sflag:s9] =	ssyncadd.s32 $0xFFFFFFB0  }
0x114: {  	_ =	swait.ge [sflag:s9], $0x50  }
0x115: {  	[sflag:s9] =	ssyncset.done $0x0  }
0x116: {  	[sflag:s9] =	ssyncadd.s32 $0xFFFFFFB0  }
0x117: {  	[tilespmem:s10], [sflag:$0x6] =	stream.indirect.gather [hbm4b:s1+s7], $0x80, s31, s7, $0xb8;
	[tilespmem:$0x1E400] =	vst v63  }
0x118: {  	_ =	swait.ge [sflag:s23], $0x2800  }
0x119: {  	[sflag:s23] =	ssyncset.done $0x0  }
0x11a: {  	[sflag:s23] =	ssyncadd.s32 $0xFFFFD800  }
0x11b: {  	[spmem:s2] =	stream.indirect.scatter.add.f32 [tilespmem:s18], [sflag:$0xC], $0x80, s12, s7, $0xb8;
	[tilespmem:$0x1E400] =	vst v63  }
0x11c: {  	_ =	swait.ge [sflag:s24], $0x2800  }
0x11d: {  	[sflag:s24] =	ssyncset.done $0x0  }
0x11e: {  	s26 =	rddreg [dreg:$0x1a];
	[sflag:s24] =	ssyncadd.s32 $0xFFFFD800  }
0x11f: {  	[tilespmem:s11], [sflag:$0x4] =	stream.linear.gather [hbm4b:s26+s4], $0x50, $0x38;
	[tilespmem:$0x1E400] =	vst v63  }
0x120: {  	s26 =	rddreg [dreg:$0x1b]  }
0x121: {  	[tilespmem:s12], [sflag:$0x4] =	stream.linear.gather [hbm4b:s26+s4], $0x50, $0x38;
	[tilespmem:$0x1E400] =	vst v63  }
0x122: {  	_ =	swait.ge [sflag:s13], $0x50  }
0x123: {  	[sflag:s13] =	ssyncset.done $0x0  }
0x124: {  	[sflag:s13] =	ssyncadd.s32 $0xFFFFFFB0  }
0x125: {  	_ =	swait.ge [sflag:s13], $0x50  }
0x126: {  	[sflag:s13] =	ssyncset.done $0x0  }
0x127: {  	[sflag:s13] =	ssyncadd.s32 $0xFFFFFFB0  }
0x128: {  	[tilespmem:s14], [sflag:$0x7] =	stream.indirect.gather [hbm4b:s1+s7], $0x80, s3, s7, $0xb8;
	[tilespmem:$0x1E400] =	vst v63  }
0x129: {  	_ =	swait.ge [sflag:s15], $0x2800  }
0x12a: {  	[sflag:s15] =	ssyncset.done $0x0  }
0x12b: {  	[sflag:s15] =	ssyncadd.s32 $0xFFFFD800  }
0x12c: {  	[spmem:s2] =	stream.indirect.scatter.add.f32 [tilespmem:s8], [sflag:$0x9], $0x80, s30, s7, $0xb8;
	[tilespmem:$0x1E400] =	vst v63  }
0x12d: {  	_ =	swait.ge [sflag:s16], $0x2800  }
0x12e: {  	[sflag:s16] =	ssyncset.done $0x0  }
0x12f: {  	s26 =	rddreg [dreg:$0x1d];
	[sflag:s16] =	ssyncadd.s32 $0xFFFFD800  }
0x130: {  	[tilespmem:s4], [sflag:$0x1] =	stream.linear.gather [hbm4b:s26+s4], $0x50, $0x38;
	[tilespmem:$0x1E400] =	vst v63  }
0x131: {  	s26 =	rddreg [dreg:$0x1c]  }
0x132: {  	[tilespmem:s30], [sflag:$0x1] =	stream.linear.gather [hbm4b:s26+s4], $0x50, $0x38;
	[tilespmem:$0x1E400] =	vst v63  }
0x133: {  	_ =	swait.ge [sflag:s17], $0x50  }
0x134: {  	[sflag:s17] =	ssyncset.done $0x0  }
0x135: {  	[sflag:s17] =	ssyncadd.s32 $0xFFFFFFB0  }
0x136: {  	_ =	swait.ge [sflag:s17], $0x50  }
0x137: {  	[sflag:s17] =	ssyncset.done $0x0  }
0x138: {  	[sflag:s17] =	ssyncadd.s32 $0xFFFFFFB0  }
0x139: {  	[tilespmem:s18], [sflag:$0x8] =	stream.indirect.gather [hbm4b:s1+s7], $0x80, s11, s7, $0xb8;
	[tilespmem:$0x1E400] =	vst v63  }
0x13a: {  	_ =	swait.ge [sflag:s19], $0x2800  }
0x13b: {  	[sflag:s19] =	ssyncset.done $0x0  }
0x13c: {  	[sflag:s19] =	ssyncadd.s32 $0xFFFFD800  }
0x13d: {  	[spmem:s2] =	stream.indirect.scatter.add.f32 [tilespmem:s10], [sflag:$0xA], $0x80, s0, s7, $0xb8;
	[tilespmem:$0x1E400] =	vst v63  }
0x13e: {  	_ =	swait.ge [sflag:s20], $0x2800  }
0x13f: {  	[sflag:s20] =	ssyncset.done $0x0  }
0x140: {  	[sflag:s20] =	ssyncadd.s32 $0xFFFFD800  }
0x141: {  	_ =	swait.ge [sflag:s6], $0x50  }
0x142: {  	[sflag:s6] =	ssyncset.done $0x0  }
0x143: {  	[sflag:s6] =	ssyncadd.s32 $0xFFFFFFB0  }
0x144: {  	_ =	swait.ge [sflag:s6], $0x50  }
0x145: {  	[sflag:s6] =	ssyncset.done $0x0  }
0x146: {  	[sflag:s6] =	ssyncadd.s32 $0xFFFFFFB0  }
0x147: {  	[tilespmem:s8], [sflag:$0x5] =	stream.indirect.gather [hbm4b:s1+s7], $0x80, s4, s7, $0xb8;
	[tilespmem:$0x1E400] =	vst v63  }
0x148: {  	_ =	swait.ge [sflag:s21], $0x2800  }
0x149: {  	[sflag:s21] =	ssyncset.done $0x0  }
0x14a: {  	[sflag:s21] =	ssyncadd.s32 $0xFFFFD800  }
0x14b: {  	[spmem:s2] =	stream.indirect.scatter.add.f32 [tilespmem:s14], [sflag:$0xB], $0x80, s5, s7, $0xb8;
	[tilespmem:$0x1E400] =	vst v63  }
0x14c: {  	_ =	swait.ge [sflag:s22], $0x2800  }
0x14d: {  	[sflag:s22] =	ssyncset.done $0x0  }
0x14e: {  	[sflag:s22] =	ssyncadd.s32 $0xFFFFD800  }
0x14f: {  	_ =	swait.ge [sflag:s23], $0x2800  }
0x150: {  	[sflag:s23] =	ssyncset.done $0x0  }
0x151: {  	[sflag:s23] =	ssyncadd.s32 $0xFFFFD800  }
0x152: {  	[spmem:s2] =	stream.indirect.scatter.add.f32 [tilespmem:s18], [sflag:$0xC], $0x80, s12, s7, $0xb8;
	[tilespmem:$0x1E400] =	vst v63  }
0x153: {  	_ =	swait.ge [sflag:s24], $0x2800  }
0x154: {  	[sflag:s24] =	ssyncset.done $0x0  }
0x155: {  	[sflag:s24] =	ssyncadd.s32 $0xFFFFD800  }
0x156: {  	_ =	swait.ge [sflag:s15], $0x2800  }
0x157: {  	[sflag:s15] =	ssyncset.done $0x0  }
0x158: {  	[sflag:s15] =	ssyncadd.s32 $0xFFFFD800  }
0x159: {  	[spmem:s2] =	stream.indirect.scatter.add.f32 [tilespmem:s8], [sflag:$0x9], $0x80, s30, s7, $0xb8;
	[tilespmem:$0x1E400] =	vst v63  }
0x15a: {  	_ =	swait.ge [sflag:s16], $0x2800  }
0x15b: {  	[sflag:s16] =	ssyncset.done $0x0  }
0x15c: {  	[sflag:s16] =	ssyncadd.s32 $0xFFFFD800  }
0x15d: {  	[bflag:$0x0] =	sbarrier.arrive $0xFFFF  }
0x15e: {  	s26 =	sld [smem:$0x7FD]  }
0x15f: {  	s25 =	sld [smem:$0x7FB]  }
0x160: {  	s28 =	sld [smem:$0x7FA];
	_ =	sdelay $0x2  }
0x161: {  	[hbm:s25], [sflag:s26] =	dma.local [spmem:s28], $0x2800  }
0x162: {  	s28 =	simm.s32 $0xD  }
0x163: {  	_ =	swait.ge [sflag:s28], $0x2800  }
0x164: {  	s29 =	sld [smem:$0x7F9]  }
0x165: {  	s25 =	sld [smem:$0x7FC];
	_ =	sdelay $0x1  }
0x166: {  	s29 =	sadd.s32 $0x1, s29  }
0x167: {  	p0 =	sne.s32 s29, s25  }
.Ltmp1:
0x168: {  	_ = 	snop;
	(pc) =	sbr.rel @p0 .LBB2_1-.Ltmp1, $3  }
0x169: {  	_ =	sdelay $0x1  }
0x16a: {  	[sflag:s28] =	ssyncset.done $0x0  }
0x16b: {  	[sflag:s28] =	ssyncadd.s32 $0xFFFFD800  }
0x16c: {  	_ =	sfence.sel $0x180000  }
0x16d: {  	[bflag:$0x0] =	sbarrier.arrive $0xFFFF  }
0x16e: {  	_ =	strace $0x9000004D  }
0x16f: {  	s0 =	stileid.u32;
	[bflag:$0x2] =	sbarrier.arrive $0xFFFF  }
0x170: {  	p0 =	sne.s32 s0, $0x0;
	s0 =	rddreg [dreg:$0x3]  }
0x171: {  	s0 =	sadd.s32 @!p0 $0x100000, s0  }
0x172: {  	[sflag:s0] =	ssyncadd.tile.s32 @!p0 $0x1;
	_ =	shalt  }
.Lfunc_end2:
_tile_overlayer_lowered:
.L_overlay_start_2:
0x173: {  	(tag) =	ssettag $0x2  }
0x174: {  	s0 =	rddreg [dreg:$0x0];
	s2 =	stileid.u32  }
0x175: {  	s1 =	rddreg [dreg:$0x1];
	p0 =	sne.s32 s2, $0x0  }
0x176: {  	s3 =	rddreg [dreg:$0x2];
	[bflag:$0x3] =	sbarrier.arrive $0xFFFF;
	s2 =	simm.s32 @!p0 $0x1C0D  }
0x177: {  	[timem:s3], [sflag:s2] =	dma.local @!p0 [hbm:s0], s1  }
0x178: {  	s0 =	simm.s32 @!p0 $0xD  }
0x179: {  	_ =	swait.ge @!p0 [sflag:s0], s1  }
0x17a: {  	s1 =	ssub.s32 @!p0 $0x0, s1;
	[sflag:s0] =	ssyncset.done @!p0 $0x0  }
0x17b: {  	[sflag:s0] =	ssyncadd.s32 @!p0 s1  }
0x17c: {  	[bflag:$0x3] =	sbarrier.arrive $0xFFFF  }
0x17d: {  	_ =	shalt  }

// kernel: kernel.8.cloned.1.call-start
scs
__scs_entry_jumppad:
0x0: {  	(pc) =	sbr.rel $0x88, $3  }
0x1: {  	(tag) =	ssettag $0x0;
	lr =	simm.s32 $0x1  }
0x2: {  	[smem:$0x3F98] =	sst lr;
	_ =	strace $0xD0000000  }
0x3: {  	_ = 	snop  }
0x4: {  	_ = 	snop  }
0x5: {  	_ = 	snop  }
0x6: {  	_ = 	snop  }
0x7: {  	_ = 	snop  }
__scs_overlays_trampoline_lowered:
0x8: {  	[smem:$0x3FA7] =	sst s0  }
0x9: {  	[smem:$0x3FA8] =	sst s1  }
0xa: {  	[smem:$0x3FA9] =	sst s2  }
0xb: {  	[smem:$0x3FAA] =	sst s3  }
0xc: {  	[smem:$0x3FAB] =	sst s4  }
0xd: {  	[smem:$0x3FAC] =	sst s5  }
0xe: {  	[smem:$0x3FAD] =	sst s6  }
0xf: {  	[smem:$0x3FAE] =	sst s7  }
0x10: {  	[smem:$0x3FAF] =	sst s8  }
0x11: {  	[smem:$0x3FB0] =	sst s9;
	s0 =	simm.s32 @!p0 $0x0  }
0x12: {  	s1 =	sld [smem:$0x3F96];
	s0 =	simm.s32 @p0 $0x1  }
0x13: {  	[smem:$0x3FB1] =	sst s0;
	s0 =	simm.s32 @!p1 $0x0  }
0x14: {  	s2 =	sld [smem:$0x3F95];
	s0 =	simm.s32 @p1 $0x1  }
0x15: {  	[smem:$0x3FB2] =	sst s0;
	s0 =	simm.s32 @!p2 $0x0  }
0x16: {  	s3 =	sld [smem:$0x3FDB];
	s0 =	simm.s32 @p2 $0x1  }
0x17: {  	s4 =	simm.s32 $0x1BF5;
	[smem:$0x3FB4] =	sst s0  }
0x18: {  	s0 =	sld [smem:$0x3F97];
	_ =	swait.ge [sflag:s4], $0x0  }
0x19: {  	s7 =	sld [smem:$0x3F98]  }
0x1a: {  	s8 =	sadd.s32 $0xFFFFE003, lr  }
0x1b: {  	s9 =	sadd.s32 $0xFFFFFEF7, lr;
	s5 =	simm.s32 $0xFFFFFFFF;
	p2 =	slt.u32 s8, $0xFFFFF086  }
0x1c: {  	p1 =	slt.u32 s9, $0xF7A;
	s5 =	simm.s32 @!p2 $0x0  }
0x1d: {  	s5 =	simm.s32 @p1 $0x1;
	p0 =	seq.s32 s7, s2  }
0x1e: {  	s7 =	smul.u32 @!p0 $0xF7A, s2;
	p2 =	seq.s32 @!p0 s5, $0x0  }
0x1f: {  	s9 =	smul.u32 $0xF7A, s1;
	s8 =	simm.s32 @!p0 $0x1BF5;
	p2 =	por !p2, p0  }
0x20: {  	[sflag:s8] =	ssyncset.s32 @!p0 $0xFFFFF086;
	s6 =	sadd.s32 @!p0 s3, s7;
	s7 =	simm.s32 @!p0 $0x108  }
0x21: {  	s3 =	sadd.s32 s3, s9;
	s6 =	sadd.s32 @!p0 $0x88, s6;
	s7 =	simm.s32 @p2 $0x1082  }
0x22: {  	[simem:s7], [sflag:s8] =	dma.local @!p0 [hbm:s6], $0xF7A  }
0x23: {  	s9 =	sor.u32 $0xD0000000, s2;
	s6 =	simm.s32 $0x108;
	_ =	swait.ge @!p0 [sflag:s8], $0x0  }
0x24: {  	s3 =	sadd.s32 $0x88, s3;
	s6 =	simm.s32 @!p1 $0x1082;
	[sflag:s4] =	ssyncset.s32 $0xFFFFF086  }
0x25: {  	[simem:s6], [sflag:s4] =	dma.local [hbm:s3], $0xF7A  }
0x26: {  	[smem:$0x3F98] =	sst s1;
	(tag) =	ssettag s2;
	_ =	strace s9  }
0x27: {  	s1 =	sld [smem:$0x3FA8]  }
0x28: {  	s2 =	sld [smem:$0x3FA9]  }
0x29: {  	s4 =	sld [smem:$0x3FAB]  }
0x2a: {  	p0 =	seq.s32 s5, $0x0;
	s5 =	sld [smem:$0x3FAC]  }
0x2b: {  	s6 =	sld [smem:$0x3FAD]  }
0x2c: {  	s7 =	sld [smem:$0x3FAE]  }
0x2d: {  	s3 =	simm.s32 $0x108;
	s8 =	sld [smem:$0x3FAF]  }
0x2e: {  	s3 =	simm.s32 @!p0 $0x1082;
	s9 =	sld [smem:$0x3FB0]  }
0x2f: {  	lr =	sadd.s32 s0, s3;
	s0 =	sld [smem:$0x3FA7]  }
0x30: {  	s3 =	sld [smem:$0x3FAA]  }
0x31: {  	[smem:$0x3FB3] =	sst s10  }
0x32: {  	s10 =	sld [smem:$0x3FB1];
	_ =	sdelay $0x3  }
0x33: {  	p0 =	seq.s32 s10, $0x1;
	s10 =	sld [smem:$0x3FB3];
	_ =	sdelay $0x3  }
0x34: {  	[smem:$0x3FB3] =	sst s10  }
0x35: {  	s10 =	sld [smem:$0x3FB2];
	_ =	sdelay $0x3  }
0x36: {  	p1 =	seq.s32 s10, $0x1;
	s10 =	sld [smem:$0x3FB3];
	_ =	sdelay $0x3  }
0x37: {  	[smem:$0x3FB3] =	sst s10  }
0x38: {  	s10 =	sld [smem:$0x3FB4]  }
0x39: {  	_ = 	snop;
	(pc) =	sbr.ind lr, $3  }
0x3a: {  	_ = 	snop  }
0x3b: {  	_ = 	snop  }
0x3c: {  	p2 =	seq.s32 s10, $0x1;
	s10 =	sld [smem:$0x3FB3]  }
0x3d: {  	_ =	shalt  }
0x3e: {  	_ =	shalt  }
0x3f: {  	_ =	shalt  }
0x40: {  	_ =	shalt  }
0x41: {  	_ =	shalt  }
0x42: {  	_ =	shalt  }
0x43: {  	_ =	shalt  }
0x44: {  	_ =	shalt  }
0x45: {  	_ =	shalt  }
0x46: {  	_ =	shalt  }
0x47: {  	_ =	shalt  }
0x48: {  	_ =	shalt  }
0x49: {  	_ =	shalt  }
0x4a: {  	_ =	shalt  }
0x4b: {  	_ =	shalt  }
0x4c: {  	_ =	shalt  }
0x4d: {  	_ =	shalt  }
0x4e: {  	_ =	shalt  }
0x4f: {  	_ =	shalt  }
0x50: {  	_ =	shalt  }
0x51: {  	_ =	shalt  }
0x52: {  	_ =	shalt  }
0x53: {  	_ =	shalt  }
0x54: {  	_ =	shalt  }
0x55: {  	_ =	shalt  }
0x56: {  	_ =	shalt  }
0x57: {  	_ =	shalt  }
0x58: {  	_ =	shalt  }
0x59: {  	_ =	shalt  }
0x5a: {  	_ =	shalt  }
0x5b: {  	_ =	shalt  }
0x5c: {  	_ =	shalt  }
0x5d: {  	_ =	shalt  }
0x5e: {  	_ =	shalt  }
0x5f: {  	_ =	shalt  }
0x60: {  	_ =	shalt  }
0x61: {  	_ =	shalt  }
0x62: {  	_ =	shalt  }
0x63: {  	_ =	shalt  }
0x64: {  	_ =	shalt  }
0x65: {  	_ =	shalt  }
0x66: {  	_ =	shalt  }
0x67: {  	_ =	shalt  }
0x68: {  	_ =	shalt  }
0x69: {  	_ =	shalt  }
0x6a: {  	_ =	shalt  }
0x6b: {  	_ =	shalt  }
0x6c: {  	_ =	shalt  }
0x6d: {  	_ =	shalt  }
0x6e: {  	_ =	shalt  }
0x6f: {  	_ =	shalt  }
0x70: {  	_ =	shalt  }
0x71: {  	_ =	shalt  }
0x72: {  	_ =	shalt  }
0x73: {  	_ =	shalt  }
0x74: {  	_ =	shalt  }
0x75: {  	_ =	shalt  }
0x76: {  	_ =	shalt  }
0x77: {  	_ =	shalt  }
0x78: {  	_ =	shalt  }
0x79: {  	_ =	shalt  }
0x7a: {  	_ =	shalt  }
0x7b: {  	_ =	shalt  }
0x7c: {  	_ =	shalt  }
0x7d: {  	_ =	shalt  }
0x7e: {  	_ =	shalt  }
0x7f: {  	_ =	shalt  }
0x80: {  	_ =	shalt  }
0x81: {  	_ =	shalt  }
0x82: {  	_ =	shalt  }
0x83: {  	_ =	shalt  }
0x84: {  	_ =	shalt  }
0x85: {  	_ =	shalt  }
0x86: {  	_ =	shalt  }
0x87: {  	_ =	shalt  }
.Lfunc_end0:
.L_simem_size_0:
called_computation_lowered:
.L_overlay_start_0:
0x88: {  	s2 =	sld [smem:$0x3FD9]  }
0x89: {  	s3 =	sld [smem:$0x3FFE];
	_ =	sdelay $0x1  }
0x8a: {  	s1 =	srdreg.scid  }
0x8b: {  	s0 =	sand.u32 $0x1, s1  }
0x8c: {  	s17 =	sshll.u32 s0, $0xA;
	s2 =	sadd.s32 s3, s2  }
0x8d: {  	s2 =	sadd.s32 s2, s17  }
0x8e: {  	[smem:$0x3FBF] =	sst s2  }
0x8f: {  	_ = 	snop  }
0x90: {  	s2 =	sld [smem:$0x3FD0];
	(tm) =	ssettm $0x1  }
0x91: {  	s18 =	sld [smem:$0x3FFB];
	_ =	sdelay $0x3  }
0x92: {  	_ =	strace s18  }
0x93: {  	s3 =	sld [smem:$0x3FFC];
	_ =	sdelay $0x3  }
0x94: {  	_ =	strace s3  }
0x95: {  	s3 =	sld [smem:$0x3FFD];
	_ =	sdelay $0x3  }
0x96: {  	_ =	strace s3  }
0x97: {  	_ =	strace $0x8FFFFFFF  }
0x98: {  	s19 =	sld [smem:$0x3FDB];
	_ =	sdelay $0x1  }
0x99: {  	s4 =	simm.s32 $_scs_section_size  }
0x9a: {  	s5 =	simm.s32 $_size__tile_overlayer_lowered;
	s6 =	simm.s32 $_tile_overlayer_lowered  }
0x9b: {  	s22 =	simm.s32 $0x1BFF;
	s21 =	sshll.u32 s6, $0x1;
	s3 =	sadd.s32 s4, s19  }
0x9c: {  	s7 =	simm.s32 $0x0;
	s20 =	sshll.u32 s5, $0x1;
	s5 =	sadd.s32 s21, s3  }
0x9d: {  	[timem:s7], [sflag:s22] =	dma.local [hbm:s5], s20  }
0x9e: {  	_ =	swait.ge [sflag:s22], s20  }
0x9f: {  	s4 =	ssub.s32 $0x0, s20;
	[sflag:s22] =	ssyncset.done $0x0  }
0xa0: {  	[sflag:s22] =	ssyncadd.s32 s4;
	_ =	sdelay $0x1  }
0xa1: {  	s23 =	simm.s32 $0x1B8B  }
0xa2: {  	_ =	swait.ge [sflag:s23], $0x1  }
0xa3: {  	[sflag:s23] =	ssyncset.done $0x0  }
0xa4: {  	s25 =	simm.s32 $0x1B8E;
	s24 =	sld [smem:$0x3FFE];
	[sflag:s23] =	ssyncadd.s32 $0xFFFFFFFF  }
0xa5: {  	s26 =	simm.s32 $execute0_lowered;
	[smem:$0x3FD2] =	sst s25  }
0xa6: {  	s5 =	sshll.u32 s26, $0x1;
	_ =	strace $0x80000046;
	[dreg:$0x1] =	wrdreg $0xFFFFFFFF  }
0xa7: {  	s28 =	simm.s32 $_size_execute0_lowered;
	s3 =	sadd.s32 s3, s5;
	[dreg:$0x0] =	wrdreg $0x0  }
0xa8: {  	s5 =	sshll.u32 s28, $0x1;
	[dreg:$0x2] =	wrdreg s3  }
0xa9: {  	[dreg:$0x3] =	wrdreg s5  }
0xaa: {  	[dreg:$0x4] =	wrdreg $0xC0  }
0xab: {  	_ =	task [dreg:s7], $0x5FFFF  }
0xac: {  	[dreg:$0x1] =	wrdreg $0xFFFFFFFF  }
0xad: {  	[dreg:$0x0] =	wrdreg $0x60  }
0xae: {  	[dreg:$0x2] =	wrdreg s24  }
0xaf: {  	[dreg:$0x3] =	wrdreg s2  }
0xb0: {  	[dreg:$0x4] =	wrdreg $0x9  }
0xb1: {  	_ =	task.clear_ibuf [dreg:s7], $0x5FFFF;
	_ =	strace $0x90000046  }
0xb2: {  	s29 =	simm.s32 $0x9;
	_ =	strace $0x80000048  }
0xb3: {  	_ =	swait.ge [sflag:s29], $0x1  }
0xb4: {  	[sflag:s29] =	ssyncadd.s32 $0xFFFFFFFF  }
0xb5: {  	_ =	strace $0x90000048  }
0xb6: {  	_ =	sfence  }
0xb7: {  	s30 =	sld [smem:$0x0];
	_ =	sdelay $0x2  }
0xb8: {  	s31 =	sshll.u32 s1, $0xD;
	s1 =	sshrl.u32 s1, $0x2  }
0xb9: {  	s3 =	sand.u32 $0x4000, s31;
	s1 =	sadd.s32 s1, s30  }
0xba: {  	s0 =	sor.u32 s3, s0;
	s1 =	sshll.u32 s1, $0x11  }
0xbb: {  	s0 =	sor.u32 s1, s0  }
0xbc: {  	s0 =	sadd.s32 $0x8F2B, s0  }
0xbd: {  	[sflag:s0] =	ssyncadd.remote.s32 $0x1  }
0xbe: {  	_ =	sfence.sel $0xFFFF  }
0xbf: {  	[dreg:$0x0] =	wrdreg $0xFFFFFFFF;
	(pc) =	sbr.abs _section_cstart, $3  }
0xc0: {  	[dreg:$0x1] =	wrdreg $0xFFFFFFFF  }
0xc1: {  	_ =	task.clear_ibuf [dreg:s7], $0x2FFFF;
	_ =	strace $0x9FFFFFFF  }
0xc2: {  	(tm) =	ssettm $0x7FFFFFFF  }
0xc3: {  	_ =	shalt  }
tec
execute0_lowered:
.L_overlay_start_1:
0x0: {  	(tag) =	ssettag $0x1  }
0x1: {  	s4 =	rddreg [dreg:$0x0]  }
0x2: {  	s0 =	srdreg.scid;
	s5 =	rddreg [dreg:$0x1];
	s2 =	simm.s32 $0x0  }
0x3: {  	s10 =	simm.s32 $0x1;
	s11 =	simm.s32 $0x800;
	s3 =	sand.u32 $0x1, s0  }
0x4: {  	s12 =	simm.s32 $0x80;
	s0 =	stileid.u32;
	s1 =	sshll.u32 s3, $0x4  }
0x5: {  	s13 =	simm.s32 $0x400;
	[smem:$0x7FF] =	sst s2;
	s6 =	sor.u32 s0, s1  }
0x6: {  	s8 =	sshll.u32 s0, $0x7;
	s7 =	sshrl.u32 s6, $0x3;
	s6 =	smul.u32 $0x2710, s6  }
0x7: {  	s3 =	ssub.s32 $0x2, s3;
	s1 =	rddreg [dreg:$0x2];
	s7 =	smul.u32 $0x14000, s7  }
0x8: {  	s8 =	sand.u32 $0x380, s8;
	_ =	strace $0x80000047;
	s9 =	sshrl.u32 s3, $0x1  }
0x9: {  	s29 =	ssub.s32 s3, s9;
	s6 =	sshrl.u32 s6, $0x3;
	s7 =	sor.u32 s8, s7  }
0xa: {  	s31 =	sadd.s32 s6, s4;
	s4 =	smax.u32 s29, $0x1;
	s30 =	sshrl.u32 s7, $0x3  }
0xb: {  	s6 =	sadd.s32 $0xC0FA, s31;
	s7 =	sadd.s32 $0xC1F4, s31;
	s8 =	sadd.s32 $0xC2EE, s31  }
0xc: {  	v0 =	vimm.f32 $0.0e+00;
	v1 =	vimm.f32 $1.000000000e+00;
	s9 =	sadd.s32 $0xC3E8, s31;
	s3 =	sadd.s32 s5, s30;
	s5 =	sadd.s32 $0xC000, s31  }
.LBB2_1:
0xd: {  	s14 =	simm.s32 $0x40;
	s15 =	simm.s32 $0x0  }
.LBB2_2:
0xe: {  	p0 =	sne.s32 s14, $0x9FC0;
	[tilespmem:s15+$0x800] =	vst v0;
	s15 =	smov.u32 s14;
	s14 =	sadd.s32 $0x40, s14  }
.Ltmp0:
0xf: {  	(pc) =	sbr.rel @p0 .LBB2_2-.Ltmp0, $2  }
0x10: {  	_ =	sdelay $0x2  }
0x11: {  	s15 =	sshra.s32 s15, $0x2  }
0x12: {  	[tilespmem:s15+$0x800] =	vst v0;
	s14 =	simm.s32 $0x0  }
0x13: {  	[tilespmem:s14], [sflag:$0x1] =	stream.linear.gather [hbm4b:s5+s14], $0x7D0, $0x38;
	[tilespmem:$0x3000] =	vst v63  }
0x14: {  	_ =	swait.ge [sflag:s10], $0x7D0  }
0x15: {  	[sflag:s10] =	ssyncset.done $0x0  }
0x16: {  	s15 =	simm.s32 $0x0;
	s14 =	simm.s32 $0x40;
	[sflag:s10] =	ssyncadd.s32 $0xFFFFF830  }
.LBB2_4:
0x17: {  	p0 =	sne.s32 s14, $0x1F00;
	v2 =	vld [tilespmem:s15+$0x0];
	_ =	sdelay $0x3  }
.Ltmp1:
0x18: {  	(pc) =	sbr.rel @p0 .LBB2_4-.Ltmp1, $2  }
0x19: {  	_ =	sdelay $0x2  }
0x1a: {  	s15 =	sshra.s32 s14, $0x2;
	s14 =	sadd.s32 $0x40, s14;
	[tilespmem:v2+s11+$0x0] =	vst.idx.add.f32.msk $0xffff, v1  }
0x1b: {  	v2 =	vld [tilespmem:s15+$0x0];
	_ =	sdelay $0x7  }
0x1c: {  	s14 =	simm.s32 $0x0;
	[tilespmem:v2+s11+$0x0] =	vst.idx.add.f32.msk $0xffff, v1  }
0x1d: {  	[tilespmem:s14], [sflag:$0x1] =	stream.linear.gather [hbm4b:s6+s14], $0x7D0, $0x38;
	[tilespmem:$0x3000] =	vst v63  }
0x1e: {  	_ =	swait.ge [sflag:s10], $0x7D0  }
0x1f: {  	[sflag:s10] =	ssyncset.done $0x0  }
0x20: {  	s15 =	simm.s32 $0x0;
	s14 =	simm.s32 $0x40;
	[sflag:s10] =	ssyncadd.s32 $0xFFFFF830  }
.LBB2_6:
0x21: {  	p0 =	sne.s32 s14, $0x1F00;
	v2 =	vld [tilespmem:s15+$0x0];
	_ =	sdelay $0x3  }
.Ltmp2:
0x22: {  	(pc) =	sbr.rel @p0 .LBB2_6-.Ltmp2, $2  }
0x23: {  	_ =	sdelay $0x2  }
0x24: {  	s15 =	sshra.s32 s14, $0x2;
	s14 =	sadd.s32 $0x40, s14;
	[tilespmem:v2+s11+$0x0] =	vst.idx.add.f32.msk $0xffff, v1  }
0x25: {  	v2 =	vld [tilespmem:s15+$0x0];
	_ =	sdelay $0x7  }
0x26: {  	s14 =	simm.s32 $0x0;
	[tilespmem:v2+s11+$0x0] =	vst.idx.add.f32.msk $0xffff, v1  }
0x27: {  	[tilespmem:s14], [sflag:$0x1] =	stream.linear.gather [hbm4b:s7+s14], $0x7D0, $0x38;
	[tilespmem:$0x3000] =	vst v63  }
0x28: {  	_ =	swait.ge [sflag:s10], $0x7D0  }
0x29: {  	[sflag:s10] =	ssyncset.done $0x0  }
0x2a: {  	s15 =	simm.s32 $0x0;
	s14 =	simm.s32 $0x40;
	[sflag:s10] =	ssyncadd.s32 $0xFFFFF830  }
.LBB2_8:
0x2b: {  	p0 =	sne.s32 s14, $0x1F00;
	v2 =	vld [tilespmem:s15+$0x0];
	_ =	sdelay $0x3  }
.Ltmp3:
0x2c: {  	(pc) =	sbr.rel @p0 .LBB2_8-.Ltmp3, $2  }
0x2d: {  	_ =	sdelay $0x2  }
0x2e: {  	s15 =	sshra.s32 s14, $0x2;
	s14 =	sadd.s32 $0x40, s14;
	[tilespmem:v2+s11+$0x0] =	vst.idx.add.f32.msk $0xffff, v1  }
0x2f: {  	v2 =	vld [tilespmem:s15+$0x0];
	_ =	sdelay $0x7  }
0x30: {  	s14 =	simm.s32 $0x0;
	[tilespmem:v2+s11+$0x0] =	vst.idx.add.f32.msk $0xffff, v1  }
0x31: {  	[tilespmem:s14], [sflag:$0x1] =	stream.linear.gather [hbm4b:s8+s14], $0x7D0, $0x38;
	[tilespmem:$0x3000] =	vst v63  }
0x32: {  	_ =	swait.ge [sflag:s10], $0x7D0  }
0x33: {  	[sflag:s10] =	ssyncset.done $0x0  }
0x34: {  	s15 =	simm.s32 $0x0;
	s14 =	simm.s32 $0x40;
	[sflag:s10] =	ssyncadd.s32 $0xFFFFF830  }
.LBB2_10:
0x35: {  	p0 =	sne.s32 s14, $0x1F00;
	v2 =	vld [tilespmem:s15+$0x0];
	_ =	sdelay $0x3  }
.Ltmp4:
0x36: {  	(pc) =	sbr.rel @p0 .LBB2_10-.Ltmp4, $2  }
0x37: {  	_ =	sdelay $0x2  }
0x38: {  	s15 =	sshra.s32 s14, $0x2;
	s14 =	sadd.s32 $0x40, s14;
	[tilespmem:v2+s11+$0x0] =	vst.idx.add.f32.msk $0xffff, v1  }
0x39: {  	v2 =	vld [tilespmem:s15+$0x0];
	_ =	sdelay $0x7  }
0x3a: {  	s14 =	simm.s32 $0x0;
	[tilespmem:v2+s11+$0x0] =	vst.idx.add.f32.msk $0xffff, v1  }
0x3b: {  	[tilespmem:s14], [sflag:$0x1] =	stream.linear.gather [hbm4b:s9+s14], $0x7D0, $0x38;
	[tilespmem:$0x3000] =	vst v63  }
0x3c: {  	_ =	swait.ge [sflag:s10], $0x7D0  }
0x3d: {  	[sflag:s10] =	ssyncset.done $0x0  }
0x3e: {  	s15 =	simm.s32 $0x0;
	s14 =	simm.s32 $0x40;
	[sflag:s10] =	ssyncadd.s32 $0xFFFFF830  }
.LBB2_12:
0x3f: {  	p0 =	sne.s32 s14, $0x1F00;
	v2 =	vld [tilespmem:s15+$0x0];
	_ =	sdelay $0x3  }
.Ltmp5:
0x40: {  	(pc) =	sbr.rel @p0 .LBB2_12-.Ltmp5, $2  }
0x41: {  	_ =	sdelay $0x2  }
0x42: {  	s15 =	sshra.s32 s14, $0x2;
	s14 =	sadd.s32 $0x40, s14;
	[tilespmem:v2+s11+$0x0] =	vst.idx.add.f32.msk $0xffff, v1  }
0x43: {  	v2 =	vld [tilespmem:s15+$0x0];
	_ =	sdelay $0x5  }
0x44: {  	s2 =	sadd.s32 $0x1, s2  }
0x45: {  	p0 =	sne.s32 s2, s4  }
.Ltmp6:
0x46: {  	[tilespmem:v2+s11+$0x0] =	vst.idx.add.f32.msk $0xffff, v1;
	(pc) =	sbr.rel @p0 .LBB2_1-.Ltmp6, $4  }
0x47: {  	[hbm4b:s3+s12] =	stream.strided.scatter [tilespmem:s11], [sflag:$0x1], $0x2800, s13, s12, $0x38;
	[tilespmem:$0x3000] =	vst v63  }
0x48: {  	_ =	swait.ge [sflag:s10], $0x2800  }
0x49: {  	[sflag:s10] =	ssyncset.done $0x0  }
0x4a: {  	[sflag:s10] =	ssyncadd.s32 $0xFFFFD800  }
0x4b: {  	_ =	sfence.sel $0x180000  }
0x4c: {  	[bflag:$0x0] =	sbarrier.arrive $0xFFFF  }
0x4d: {  	p0 =	sne.s32 s0, $0x0;
	_ =	strace $0x90000047  }
0x4e: {  	s0 =	sadd.s32 @!p0 $0x100000, s1;
	[bflag:$0x2] =	sbarrier.arrive $0xFFFF  }
0x4f: {  	[sflag:s0] =	ssyncadd.tile.s32 @!p0 $0x1;
	_ =	shalt  }
.Lfunc_end2:
_tile_overlayer_lowered:
.L_overlay_start_2:
0x50: {  	(tag) =	ssettag $0x2  }
0x51: {  	s0 =	rddreg [dreg:$0x0];
	s2 =	stileid.u32  }
0x52: {  	s1 =	rddreg [dreg:$0x1];
	p0 =	sne.s32 s2, $0x0  }
0x53: {  	s3 =	rddreg [dreg:$0x2];
	[bflag:$0x3] =	sbarrier.arrive $0xFFFF;
	s2 =	simm.s32 @!p0 $0x1C01  }
0x54: {  	[timem:s3], [sflag:s2] =	dma.local @!p0 [hbm:s0], s1  }
0x55: {  	s0 =	simm.s32 @!p0 $0x1  }
0x56: {  	_ =	swait.ge @!p0 [sflag:s0], s1  }
0x57: {  	s1 =	ssub.s32 @!p0 $0x0, s1;
	[sflag:s0] =	ssyncset.done @!p0 $0x0  }
0x58: {  	[sflag:s0] =	ssyncadd.s32 @!p0 s1  }
0x59: {  	[bflag:$0x3] =	sbarrier.arrive $0xFFFF  }
0x5a: {  	_ =	shalt  }

</sc_bundles>
